<compile_context>
chip_gen: v7x
topology: tpu7x:2x2x1
jax: 0.10.2.dev20260603
libtpu: 0.0.44.dev20260713+nightly
codegen_flags: <defaults>
</compile_context>

<pallas_src>
import functools

import jax
import jax.numpy as jnp
from jax import lax
from jax.experimental import pallas as pl
from jax.experimental.pallas import tpu as pltpu
from jax.experimental.pallas import tpu_sc as plsc

N_NODE = 10000
N_PAD = 10240
E = 320000
L = 100000
D = 128
NS = 16
G = 128

E_CHUNKS_PER_TEC = -(-E // (NS * G))
E_PAD = NS * G * E_CHUNKS_PER_TEC
L_GRP = 7
L_CHUNKS_PER_TEC = -(-L // (NS * G))
L_PAD = NS * G * L_CHUNKS_PER_TEC
L_GROUPS = L_CHUNKS_PER_TEC // L_GRP

_mesh = lambda: plsc.VectorSubcoreMesh(core_axis_name="c", subcore_axis_name="s")


def _make_agg(want_deg):
    scratch = [
        pltpu.VMEM((2 * G,), jnp.int32),
        pltpu.VMEM((G,), jnp.int32),
        pltpu.VMEM((G,), jnp.int32),
        pltpu.VMEM((G, D), jnp.float32),
        pltpu.VMEM((G, D), jnp.float32),
        pltpu.VMEM_SHARED((N_PAD, D), jnp.float32),
        pltpu.SemaphoreType.DMA,
        pltpu.SemaphoreType.DMA,
    ]
    n_out = 4 if want_deg else 2
    out_type = [jax.ShapeDtypeStruct((N_PAD, D), jnp.float32)] * n_out

    @functools.partial(pl.kernel, mesh=_mesh(), out_type=out_type,
                       scratch_types=scratch)
    def agg(ut_src, ut_dst, tu_src, tu_dst, tab_ut, tab_tu, zrows, ones,
            *rest):
        outs = rest[:n_out]
        (sidx2, didx, didxb, rows, rowsb, accum_sh,
         gsem, gsemb) = rest[n_out:]
        c = lax.axis_index("c")
        s = lax.axis_index("s")

        rpt = N_PAD // NS
        sl = pl.ds(s * rpt, rpt)
        pltpu.sync_copy(zrows.at[sl], accum_sh.at[sl])
        plsc.subcore_barrier()

        def run(src1, dst1, tab):
            base = s * E_CHUNKS_PER_TEC * G

            def pairbody(j2, carry):
                off = base + 2 * j2 * G
                pltpu.sync_copy(src1.at[pl.ds(off, 2 * G)], sidx2)
                pltpu.sync_copy(dst1.at[pl.ds(off, G)], didx)
                pltpu.sync_copy(dst1.at[pl.ds(off + G, G)], didxb)
                g0 = pltpu.async_copy(tab.at[sidx2.at[pl.ds(0, G)]],
                                      rows, gsem)
                g1 = pltpu.async_copy(tab.at[sidx2.at[pl.ds(G, G)]],
                                      rowsb, gsemb)
                g0.wait()
                s0 = pltpu.async_copy(rows, accum_sh.at[didx], gsem,
                                      add=True)
                g1.wait()
                s1 = pltpu.async_copy(rowsb, accum_sh.at[didxb], gsemb,
                                      add=True)
                s0.wait()
                s1.wait()
                return carry

            lax.fori_loop(0, E_CHUNKS_PER_TEC // 2, pairbody, 0,
                          unroll=False)
            off = base + (E_CHUNKS_PER_TEC - 1) * G
            pltpu.sync_copy(src1.at[pl.ds(off, G)],
                            sidx2.at[pl.ds(0, G)])
            pltpu.sync_copy(dst1.at[pl.ds(off, G)], didx)
            pltpu.async_copy(tab.at[sidx2.at[pl.ds(0, G)]],
                             rows, gsem).wait()
            pltpu.sync_copy(rows, accum_sh.at[didx], add=True)

        @pl.when(c == 0)
        def _():
            run(ut_src, ut_dst, tab_ut)

        @pl.when(c == 1)
        def _():
            run(tu_src, tu_dst, tab_tu)

        plsc.subcore_barrier()

        @pl.when(c == 0)
        def _():
            pltpu.sync_copy(accum_sh.at[sl], outs[0].at[sl])

        @pl.when(c == 1)
        def _():
            pltpu.sync_copy(accum_sh.at[sl], outs[1].at[sl])

        if want_deg:
            plsc.subcore_barrier()
            pltpu.sync_copy(zrows.at[sl], accum_sh.at[sl])
            pltpu.sync_copy(ones, rows)
            plsc.subcore_barrier()

            def drun(dst1):
                base = s * E_CHUNKS_PER_TEC * G

                def dpair(j2, carry):
                    off = base + 2 * j2 * G
                    pltpu.sync_copy(dst1.at[pl.ds(off, G)], didx)
                    pltpu.sync_copy(dst1.at[pl.ds(off + G, G)], didxb)
                    s0 = pltpu.async_copy(rows, accum_sh.at[didx], gsem,
                                          add=True)
                    s1 = pltpu.async_copy(rows, accum_sh.at[didxb], gsemb,
                                          add=True)
                    s0.wait()
                    s1.wait()
                    return carry

                lax.fori_loop(0, E_CHUNKS_PER_TEC // 2, dpair, 0,
                              unroll=False)
                off = base + (E_CHUNKS_PER_TEC - 1) * G
                pltpu.sync_copy(dst1.at[pl.ds(off, G)], didx)
                pltpu.sync_copy(rows, accum_sh.at[didx], add=True)

            @pl.when(c == 0)
            def _():
                drun(ut_dst)

            @pl.when(c == 1)
            def _():
                drun(tu_dst)

            plsc.subcore_barrier()

            @pl.when(c == 0)
            def _():
                pltpu.sync_copy(accum_sh.at[sl], outs[2].at[sl])

            @pl.when(c == 1)
            def _():
                pltpu.sync_copy(accum_sh.at[sl], outs[3].at[sl])

    return agg


_agg_l1 = _make_agg(True)
_agg_l2 = _make_agg(False)


def _dec_gather():
    out_type = [jax.ShapeDtypeStruct((L_PAD, D), jnp.float32),
                jax.ShapeDtypeStruct((L_PAD, D), jnp.float32)]
    scratch = [
        pltpu.VMEM((L_GRP * G,), jnp.int32),
        pltpu.VMEM((G, D), jnp.float32),
        pltpu.VMEM((G, D), jnp.float32),
        pltpu.SemaphoreType.DMA,
        pltpu.SemaphoreType.DMA,
    ]

    @functools.partial(pl.kernel, mesh=_mesh(), out_type=out_type,
                       scratch_types=scratch)
    def gat(idx_u, idx_i, z_user, z_item, out_u, out_i,
            sidx_blk, rows0, rows1, gs0, gs1):
        rows = [rows0, rows1]
        gsem = [gs0, gs1]
        c = lax.axis_index("c")
        s = lax.axis_index("s")
        base = s * L_CHUNKS_PER_TEC

        def run(idx1, tab, out):
            def group(g, carry):
                goff = (base + g * L_GRP) * G
                pltpu.sync_copy(idx1.at[pl.ds(goff, L_GRP * G)], sidx_blk)
                gcp = [None] * L_GRP
                gcp[0] = pltpu.async_copy(
                    tab.at[sidx_blk.at[pl.ds(0, G)]], rows[0], gsem[0])
                for k in range(L_GRP):
                    b = k % 2
                    if k + 1 < L_GRP:
                        nb = (k + 1) % 2
                        gcp[k + 1] = pltpu.async_copy(
                            tab.at[sidx_blk.at[pl.ds((k + 1) * G, G)]],
                            rows[nb], gsem[nb])
                    gcp[k].wait()
                    pltpu.sync_copy(rows[b], out.at[pl.ds(goff + k * G, G)])
                return carry
            lax.fori_loop(0, L_GROUPS, group, 0, unroll=False)

        @pl.when(c == 0)
        def _():
            run(idx_u, z_user, out_u)

        @pl.when(c == 1)
        def _():
            run(idx_i, z_item, out_i)

    return gat


_dec_gather_k = _dec_gather()

BLK = 1024


def _make_stage(relu):
    def body(s_ut, dg_ut, x_i, Wl_ut, bl_ut, Wr_ut,
             s_tu, dg_tu, x_u, Wl_tu, bl_tu, Wr_tu, h_i, h_u):
        def one(sref, dref, xref, Wl, bl, Wr, out):
            deg = dref[...][:, :1]
            mean = sref[...] / jnp.maximum(deg, 1.0)
            r = jnp.dot(mean, Wl[...], preferred_element_type=jnp.float32)
            r = r + bl[...] + jnp.dot(xref[...], Wr[...],
                                      preferred_element_type=jnp.float32)
            out[...] = jnp.maximum(r, 0.0) if relu else r
        one(s_ut, dg_ut, x_i, Wl_ut, bl_ut, Wr_ut, h_i)
        one(s_tu, dg_tu, x_u, Wl_tu, bl_tu, Wr_tu, h_u)

    srow = pl.BlockSpec((BLK, D), lambda i: (i, 0))
    drow = pl.BlockSpec((BLK, D), lambda i: (i, 0))
    xrow = pl.BlockSpec((BLK, D), lambda i: (i, 0))
    wb = pl.BlockSpec((D, D), lambda i: (0, 0))
    bb = pl.BlockSpec((1, D), lambda i: (0, 0))
    return pl.pallas_call(
        body,
        grid=(N_PAD // BLK,),
        in_specs=[srow, drow, xrow, wb, bb, wb, srow, drow, xrow, wb, bb, wb],
        out_specs=[xrow, xrow],
        out_shape=[jax.ShapeDtypeStruct((N_PAD, D), jnp.float32),
                   jax.ShapeDtypeStruct((N_PAD, D), jnp.float32)],
    )


_stage1 = _make_stage(True)
_stage2 = _make_stage(False)

DBLK = 1024


def _dec_mlp():
    def body(zu, zi, Wt, Wb, b1, w2, b2, out):
        a = jnp.dot(zu[...], Wt[...], preferred_element_type=jnp.float32)
        bq = jnp.dot(zi[...], Wb[...], preferred_element_type=jnp.float32)
        c = jnp.dot(zi[...], Wt[...], preferred_element_type=jnp.float32)
        d = jnp.dot(zu[...], Wb[...], preferred_element_type=jnp.float32)
        f = jnp.maximum(a + bq + b1[...], 0.0) + jnp.maximum(c + d + b1[...], 0.0)
        out[...] = 0.5 * jnp.sum(f * w2[...], axis=1) + b2[0, 0]

    row = pl.BlockSpec((DBLK, D), lambda i: (i, 0))
    wb = pl.BlockSpec((D, D), lambda i: (0, 0))
    bb = pl.BlockSpec((1, D), lambda i: (0, 0))
    sb = pl.BlockSpec(memory_space=pltpu.MemorySpace.SMEM)
    return pl.pallas_call(
        body,
        grid=(L_PAD // DBLK,),
        in_specs=[row, row, wb, wb, bb, bb, sb],
        out_specs=pl.BlockSpec((DBLK,), lambda i: (i,)),
        out_shape=jax.ShapeDtypeStruct((L_PAD,), jnp.float32),
    )


_dec_mlp_k = _dec_mlp()


def _pad_edges(ei):
    n = E_PAD - ei.shape[1]
    src = jnp.concatenate([ei[0], jnp.zeros((n,), ei.dtype)])
    dst = jnp.concatenate([ei[1], jnp.full((n,), N_NODE, ei.dtype)])
    return src, dst


def kernel(x_user, x_item, edge_index_ut, edge_index_tu, edge_label_index,
           W1l_ut, b1l_ut, W1r_ut, W1l_tu, b1l_tu, W1r_tu,
           W2l_ut, b2l_ut, W2r_ut, W2l_tu, b2l_tu, W2r_tu,
           Wd1, bd1, Wd2, bd2):
    ut_s, ut_d = _pad_edges(edge_index_ut)
    tu_s, tu_d = _pad_edges(edge_index_tu)
    zrows = jnp.zeros((N_PAD, D), jnp.float32)
    ones_blk = jnp.ones((G, D), jnp.float32)
    xpad = jnp.zeros((N_PAD - N_NODE, D), jnp.float32)
    xu_p = jnp.concatenate([x_user, xpad])
    xi_p = jnp.concatenate([x_item, xpad])

    s_ut, s_tu, deg_ut, deg_tu = _agg_l1(
        ut_s, ut_d, tu_s, tu_d, xu_p, xi_p, zrows, ones_blk)
    h_item, h_user = _stage1(
        s_ut, deg_ut, xi_p, W1l_ut, b1l_ut.reshape(1, D), W1r_ut,
        s_tu, deg_tu, xu_p, W1l_tu, b1l_tu.reshape(1, D), W1r_tu)

    s2_ut, s2_tu = _agg_l2(
        ut_s, ut_d, tu_s, tu_d, h_user, h_item, zrows, ones_blk)
    z_item, z_user = _stage2(
        s2_ut, deg_ut, h_item, W2l_ut, b2l_ut.reshape(1, D), W2r_ut,
        s2_tu, deg_tu, h_user, W2l_tu, b2l_tu.reshape(1, D), W2r_tu)

    pad = L_PAD - L
    eu1 = jnp.concatenate([edge_label_index[0],
                           jnp.zeros((pad,), edge_label_index.dtype)])
    ei1 = jnp.concatenate([edge_label_index[1],
                           jnp.zeros((pad,), edge_label_index.dtype)])
    zu_g, zi_g = _dec_gather_k(eu1, ei1, z_user, z_item)

    out = _dec_mlp_k(zu_g, zi_g, Wd1[:D], Wd1[D:], bd1.reshape(1, D),
                     Wd2.reshape(1, D), bd2.reshape(1, 1))
    return out[:L]

# --- scband reference (transcript-rebuilt; emitter-appended) ---
"""Pipeline reference for scband-net-41575283425667 (READ-ONLY COPY).

The authoritative reference and input builder live on the scoring server;
editing this copy changes nothing except your own understanding.
"""

import jax, jax.numpy as jnp
import numpy as np

N_USER = 10000
N_ITEM = 10000
E = 320000
L = 100000
D = 128
H = 128
O = 128


def _w(k, shape):
    return jax.random.normal(k, shape, dtype=jnp.float32) * 0.05


def setup_inputs(seed: int = 0):
    key = jax.random.key(seed)
    ks = jax.random.split(key, 24)
    inp = {}
    inp["x_user"] = jax.random.normal(ks[0], (N_USER, D), dtype=jnp.float32)
    inp["x_item"] = jax.random.normal(ks[1], (N_ITEM, D), dtype=jnp.float32)
    inp["edge_index_ut"] = jnp.stack([
        jax.random.randint(ks[2], (E,), 0, N_USER),
        jax.random.randint(ks[3], (E,), 0, N_ITEM),
    ], axis=0)
    inp["edge_index_tu"] = jnp.stack([
        jax.random.randint(ks[4], (E,), 0, N_ITEM),
        jax.random.randint(ks[5], (E,), 0, N_USER),
    ], axis=0)
    inp["edge_label_index"] = jnp.stack([
        jax.random.randint(ks[6], (L,), 0, N_USER),
        jax.random.randint(ks[7], (L,), 0, N_ITEM),
    ], axis=0)
    # SAGEConv layer 1 params (per hetero edge type), lin_l has bias, lin_r no bias
    inp["W1l_ut"] = _w(ks[8], (D, H)); inp["b1l_ut"] = jnp.zeros((H,), jnp.float32); inp["W1r_ut"] = _w(ks[9], (D, H))
    inp["W1l_tu"] = _w(ks[10], (D, H)); inp["b1l_tu"] = jnp.zeros((H,), jnp.float32); inp["W1r_tu"] = _w(ks[11], (D, H))
    # SAGEConv layer 2 params
    inp["W2l_ut"] = _w(ks[12], (H, O)); inp["b2l_ut"] = jnp.zeros((O,), jnp.float32); inp["W2r_ut"] = _w(ks[13], (H, O))
    inp["W2l_tu"] = _w(ks[14], (H, O)); inp["b2l_tu"] = jnp.zeros((O,), jnp.float32); inp["W2r_tu"] = _w(ks[15], (H, O))
    # Decoder MLP params
    inp["Wd1"] = _w(ks[16], (2 * O, O)); inp["bd1"] = jnp.zeros((O,), jnp.float32)
    inp["Wd2"] = _w(ks[17], (O, 1)); inp["bd2"] = jnp.zeros((1,), jnp.float32)
    return inp


def _sage(x_src, x_dst, ei, Wl, bl, Wr, n_dst):
    # PyG SAGEConv with mean aggregation: lin_l(mean_j x_src[j]) + lin_r(x_dst)
    msg = x_src[ei[0]]
    s = jax.ops.segment_sum(msg, ei[1], num_segments=n_dst)
    deg = jax.ops.segment_sum(jnp.ones((ei.shape[1],), dtype=x_src.dtype), ei[1], num_segments=n_dst)
    mean = s / jnp.maximum(deg, 1.0)[:, None]
    return mean @ Wl + bl + x_dst @ Wr


def reference(x_user, x_item, edge_index_ut, edge_index_tu, edge_label_index,
              W1l_ut, b1l_ut, W1r_ut, W1l_tu, b1l_tu, W1r_tu,
              W2l_ut, b2l_ut, W2r_ut, W2l_tu, b2l_tu, W2r_tu,
              Wd1, bd1, Wd2, bd2):
    # hetero 2-layer SAGE encoder (to_hetero over metadata)
    h_item = jax.nn.relu(_sage(x_user, x_item, edge_index_ut, W1l_ut, b1l_ut, W1r_ut, N_ITEM))
    h_user = jax.nn.relu(_sage(x_item, x_user, edge_index_tu, W1l_tu, b1l_tu, W1r_tu, N_USER))
    z_item = _sage(h_user, h_item, edge_index_ut, W2l_ut, b2l_ut, W2r_ut, N_ITEM)
    z_user = _sage(h_item, h_user, edge_index_tu, W2l_tu, b2l_tu, W2r_tu, N_USER)
    # symmetric edge decoder
    zu = z_user[edge_label_index[0]]
    zi = z_item[edge_label_index[1]]
    z = jnp.concatenate([zu, zi], axis=1)
    out1 = (jax.nn.relu(z @ Wd1 + bd1) @ Wd2 + bd2).squeeze(-1)
    z_rev = jnp.concatenate([zi, zu], axis=1)
    out2 = (jax.nn.relu(z_rev @ Wd1 + bd1) @ Wd2 + bd2).squeeze(-1)
    return (out1 + out2) / 2.0

if __name__ == "__main__":
    import jax
    _d = setup_inputs()
    print(jax.jit(kernel)(*tuple(_d.values())))

</pallas_src>

<mosaic_0001>
#map = affine_map<(d0, d1) -> (0)>
#map1 = affine_map<(d0, d1) -> (0, 0)>
module attributes {stable_mosaic.version = 14 : i64} {
  func.func @agg(%arg0: i32, %arg1: i32, %arg2: memref<321536xi32, #tpu.memory_space<hbm>>, %arg3: memref<321536xi32, #tpu.memory_space<hbm>>, %arg4: memref<321536xi32, #tpu.memory_space<hbm>>, %arg5: memref<321536xi32, #tpu.memory_space<hbm>>, %arg6: memref<10240x128xf32, #tpu.memory_space<hbm>>, %arg7: memref<10240x128xf32, #tpu.memory_space<hbm>>, %arg8: memref<10240x128xf32, #tpu.memory_space<hbm>>, %arg9: memref<128x128xf32, #tpu.memory_space<hbm>>, %arg10: memref<10240x128xf32, #tpu.memory_space<hbm>>, %arg11: memref<10240x128xf32, #tpu.memory_space<hbm>>, %arg12: memref<10240x128xf32, #tpu.memory_space<hbm>>, %arg13: memref<10240x128xf32, #tpu.memory_space<hbm>>, %arg14: memref<256xi32, #tpu.memory_space<vmem>>, %arg15: memref<128xi32, #tpu.memory_space<vmem>>, %arg16: memref<128xi32, #tpu.memory_space<vmem>>, %arg17: memref<128x128xf32, #tpu.memory_space<vmem>>, %arg18: memref<128x128xf32, #tpu.memory_space<vmem>>, %arg19: memref<10240x128xf32, #tpu.memory_space<vmem_shared>>, %arg20: memref<!tpu.dma_semaphore, #tpu.memory_space<semaphore_mem>>, %arg21: memref<!tpu.dma_semaphore, #tpu.memory_space<semaphore_mem>>) attributes {dimension_semantics = [#tpu.dimension_semantics<core_parallel>, #tpu.dimension_semantics<subcore_parallel>], iteration_bounds = array<i64: 2, 16>, scalar_prefetch = 0 : i64, scratch_operands = 8 : i64, tpu.core_type = #tpu.core_type<sc_vector_subcore>, window_params = [{transform_indices = #map}, {transform_indices = #map}, {transform_indices = #map}, {transform_indices = #map}, {transform_indices = #map1}, {transform_indices = #map1}, {transform_indices = #map1}, {transform_indices = #map1}, {transform_indices = #map1}, {transform_indices = #map1}, {transform_indices = #map1}, {transform_indices = #map1}]} {
    %mul3A = arith.constant 640 : i32
    %mul3A_0 = arith.muli %arg1, %mul3A : i32
    "tpu.region"() ({
      %run_scoped3A = tpu.sem_alloc : memref<!tpu.dma_semaphore, #tpu.memory_space<semaphore_mem>>
      %dma_start3A = arith.constant 0 : i32
      %dma_start3A_42 = tpu.memref_slice %arg19[%mul3A_0, %dma_start3A] : memref<10240x128xf32, #tpu.memory_space<vmem_shared>> -> memref<640x128xf32, #tpu.memory_space<vmem_shared>>
      %dma_start3A_43 = arith.constant 0 : i32
      %dma_start3A_44 = tpu.memref_slice %arg8[%mul3A_0, %dma_start3A_43] : memref<10240x128xf32, #tpu.memory_space<hbm>> -> memref<640x128xf32, #tpu.memory_space<hbm>>
      tpu.enqueue_dma source(%dma_start3A_44 : memref<640x128xf32, #tpu.memory_space<hbm>>) target(%dma_start3A_42 : memref<640x128xf32, #tpu.memory_space<vmem_shared>>) target_semaphore(%run_scoped3A : memref<!tpu.dma_semaphore, #tpu.memory_space<semaphore_mem>>)
      %dma_wait3A = arith.constant 0 : i32
      %dma_wait3A_45 = tpu.memref_slice %arg19[%mul3A_0, %dma_wait3A] : memref<10240x128xf32, #tpu.memory_space<vmem_shared>> -> memref<640x128xf32, #tpu.memory_space<vmem_shared>>
      %dma_wait3A_46 = arith.constant 0 : i32
      %dma_wait3A_47 = tpu.memref_slice %arg8[%mul3A_0, %dma_wait3A_46] : memref<10240x128xf32, #tpu.memory_space<hbm>> -> memref<640x128xf32, #tpu.memory_space<hbm>>
      tpu.wait_dma2 semaphore(%run_scoped3A : memref<!tpu.dma_semaphore, #tpu.memory_space<semaphore_mem>>) src(%dma_wait3A_47 : memref<640x128xf32, #tpu.memory_space<hbm>>) dst(%dma_wait3A_45 : memref<640x128xf32, #tpu.memory_space<vmem_shared>>)
      tpu.yield
    }) : () -> ()
    %barrier3A = arith.constant 0 : index
    tpu.barrier barrier_id(%barrier3A)
    %eq3A = arith.constant 0 : i32
    %eq3A_1 = arith.cmpi eq, %arg0, %eq3A : i32
    %convert_element_type3A = arith.extui %eq3A_1 : i1 to i32
    %cond3A = arith.constant 0 : i32
    %cond3A_2 = arith.cmpi ne, %convert_element_type3A, %cond3A : i32
    scf.if %cond3A_2 {
      %mul3A_42 = arith.constant 157 : i32
      %mul3A_43 = arith.muli %arg1, %mul3A_42 : i32
      %mul3A_44 = arith.constant 128 : i32
      %mul3A_45 = arith.muli %mul3A_43, %mul3A_44 : i32
      %scan3A = arith.constant 0 : i32
      %scan3A_46 = arith.constant 0 : i32
      %scan3A_47 = arith.constant 78 : i32
      %scan3A_48 = arith.addi %scan3A_46, %scan3A_47 : i32
      %scan3A_49 = arith.constant 1 : i32
      scf.for %scan3A_60 = %scan3A_46 to %scan3A_48 step %scan3A_49  : i32 {
        %mul3A_61 = arith.constant 2 : i32
        %mul3A_62 = arith.muli %mul3A_61, %scan3A_60 : i32
        %mul3A_63 = arith.constant 128 : i32
        %mul3A_64 = arith.muli %mul3A_62, %mul3A_63 : i32
        %add3A_65 = arith.addi %mul3A_45, %mul3A_64 : i32
        "tpu.region"() ({
          %run_scoped3A = tpu.sem_alloc : memref<!tpu.dma_semaphore, #tpu.memory_space<semaphore_mem>>
          %dma_start3A_100 = tpu.memref_slice %arg2[%add3A_65] : memref<321536xi32, #tpu.memory_space<hbm>> -> memref<256xi32, #tpu.memory_space<hbm>>
          %dma_start3A_101 = tpu.memref_slice %arg2[%add3A_65] : memref<321536xi32, #tpu.memory_space<hbm>> -> memref<256xi32, #tpu.memory_space<hbm>>
          tpu.enqueue_dma source(%dma_start3A_101 : memref<256xi32, #tpu.memory_space<hbm>>) target(%arg14 : memref<256xi32, #tpu.memory_space<vmem>>) target_semaphore(%run_scoped3A : memref<!tpu.dma_semaphore, #tpu.memory_space<semaphore_mem>>)
          %dma_wait3A_102 = tpu.memref_slice %arg2[%add3A_65] : memref<321536xi32, #tpu.memory_space<hbm>> -> memref<256xi32, #tpu.memory_space<hbm>>
          %dma_wait3A_103 = tpu.memref_slice %arg2[%add3A_65] : memref<321536xi32, #tpu.memory_space<hbm>> -> memref<256xi32, #tpu.memory_space<hbm>>
          tpu.wait_dma2 semaphore(%run_scoped3A : memref<!tpu.dma_semaphore, #tpu.memory_space<semaphore_mem>>) src(%dma_wait3A_103 : memref<256xi32, #tpu.memory_space<hbm>>) dst(%arg14 : memref<256xi32, #tpu.memory_space<vmem>>)
          tpu.yield
        }) : () -> ()
        "tpu.region"() ({
          %run_scoped3A = tpu.sem_alloc : memref<!tpu.dma_semaphore, #tpu.memory_space<semaphore_mem>>
          %dma_start3A_100 = tpu.memref_slice %arg3[%add3A_65] : memref<321536xi32, #tpu.memory_space<hbm>> -> memref<128xi32, #tpu.memory_space<hbm>>
          %dma_start3A_101 = tpu.memref_slice %arg3[%add3A_65] : memref<321536xi32, #tpu.memory_space<hbm>> -> memref<128xi32, #tpu.memory_space<hbm>>
          tpu.enqueue_dma source(%dma_start3A_101 : memref<128xi32, #tpu.memory_space<hbm>>) target(%arg15 : memref<128xi32, #tpu.memory_space<vmem>>) target_semaphore(%run_scoped3A : memref<!tpu.dma_semaphore, #tpu.memory_space<semaphore_mem>>)
          %dma_wait3A_102 = tpu.memref_slice %arg3[%add3A_65] : memref<321536xi32, #tpu.memory_space<hbm>> -> memref<128xi32, #tpu.memory_space<hbm>>
          %dma_wait3A_103 = tpu.memref_slice %arg3[%add3A_65] : memref<321536xi32, #tpu.memory_space<hbm>> -> memref<128xi32, #tpu.memory_space<hbm>>
          tpu.wait_dma2 semaphore(%run_scoped3A : memref<!tpu.dma_semaphore, #tpu.memory_space<semaphore_mem>>) src(%dma_wait3A_103 : memref<128xi32, #tpu.memory_space<hbm>>) dst(%arg15 : memref<128xi32, #tpu.memory_space<vmem>>)
          tpu.yield
        }) : () -> ()
        %add3A_66 = arith.constant 128 : i32
        %add3A_67 = arith.addi %add3A_65, %add3A_66 : i32
        "tpu.region"() ({
          %run_scoped3A = tpu.sem_alloc : memref<!tpu.dma_semaphore, #tpu.memory_space<semaphore_mem>>
          %dma_start3A_100 = tpu.memref_slice %arg3[%add3A_67] : memref<321536xi32, #tpu.memory_space<hbm>> -> memref<128xi32, #tpu.memory_space<hbm>>
          %dma_start3A_101 = tpu.memref_slice %arg3[%add3A_67] : memref<321536xi32, #tpu.memory_space<hbm>> -> memref<128xi32, #tpu.memory_space<hbm>>
          tpu.enqueue_dma source(%dma_start3A_101 : memref<128xi32, #tpu.memory_space<hbm>>) target(%arg16 : memref<128xi32, #tpu.memory_space<vmem>>) target_semaphore(%run_scoped3A : memref<!tpu.dma_semaphore, #tpu.memory_space<semaphore_mem>>)
          %dma_wait3A_102 = tpu.memref_slice %arg3[%add3A_67] : memref<321536xi32, #tpu.memory_space<hbm>> -> memref<128xi32, #tpu.memory_space<hbm>>
          %dma_wait3A_103 = tpu.memref_slice %arg3[%add3A_67] : memref<321536xi32, #tpu.memory_space<hbm>> -> memref<128xi32, #tpu.memory_space<hbm>>
          tpu.wait_dma2 semaphore(%run_scoped3A : memref<!tpu.dma_semaphore, #tpu.memory_space<semaphore_mem>>) src(%dma_wait3A_103 : memref<128xi32, #tpu.memory_space<hbm>>) dst(%arg16 : memref<128xi32, #tpu.memory_space<vmem>>)
          tpu.yield
        }) : () -> ()
        %dma_start3A_68 = arith.constant 0 : i32
        %dma_start3A_69 = tpu.memref_slice %arg14[%dma_start3A_68] : memref<256xi32, #tpu.memory_space<vmem>> -> memref<128xi32, #tpu.memory_space<vmem>>
        %dma_start3A_70 = arith.constant 0 : i32
        %dma_start3A_71 = arith.constant 0 : i32
        %dma_start3A_72 = tpu.memref_slice %arg6[%dma_start3A_70, %dma_start3A_71] : memref<10240x128xf32, #tpu.memory_space<hbm>> -> memref<10240x128xf32, #tpu.memory_space<hbm>>
        tpu.enqueue_indirect_dma source(%dma_start3A_72 : memref<10240x128xf32, #tpu.memory_space<hbm>>) target(%arg17 : memref<128x128xf32, #tpu.memory_space<vmem>>) offsets(%dma_start3A_69 : memref<128xi32, #tpu.memory_space<vmem>>) semaphore(%arg20 : memref<!tpu.dma_semaphore, #tpu.memory_space<semaphore_mem>>)
        %dma_start3A_73 = arith.constant 128 : i32
        %dma_start3A_74 = tpu.memref_slice %arg14[%dma_start3A_73] : memref<256xi32, #tpu.memory_space<vmem>> -> memref<128xi32, #tpu.memory_space<vmem>>
        %dma_start3A_75 = arith.constant 0 : i32
        %dma_start3A_76 = arith.constant 0 : i32
        %dma_start3A_77 = tpu.memref_slice %arg6[%dma_start3A_75, %dma_start3A_76] : memref<10240x128xf32, #tpu.memory_space<hbm>> -> memref<10240x128xf32, #tpu.memory_space<hbm>>
        tpu.enqueue_indirect_dma source(%dma_start3A_77 : memref<10240x128xf32, #tpu.memory_space<hbm>>) target(%arg18 : memref<128x128xf32, #tpu.memory_space<vmem>>) offsets(%dma_start3A_74 : memref<128xi32, #tpu.memory_space<vmem>>) semaphore(%arg21 : memref<!tpu.dma_semaphore, #tpu.memory_space<semaphore_mem>>)
        %dma_wait3A_78 = arith.constant 0 : i32
        %dma_wait3A_79 = tpu.memref_slice %arg14[%dma_wait3A_78] : memref<256xi32, #tpu.memory_space<vmem>> -> memref<128xi32, #tpu.memory_space<vmem>>
        %dma_wait3A_80 = arith.constant 0 : i32
        %dma_wait3A_81 = arith.constant 0 : i32
        %dma_wait3A_82 = tpu.memref_slice %arg6[%dma_wait3A_80, %dma_wait3A_81] : memref<10240x128xf32, #tpu.memory_space<hbm>> -> memref<10240x128xf32, #tpu.memory_space<hbm>>
        tpu.wait_indirect_dma semaphore(%arg20 : memref<!tpu.dma_semaphore, #tpu.memory_space<semaphore_mem>>) src(%dma_wait3A_82 : memref<10240x128xf32, #tpu.memory_space<hbm>>) dst(%arg17 : memref<128x128xf32, #tpu.memory_space<vmem>>)
        %dma_start3A_83 = arith.constant 0 : i32
        %dma_start3A_84 = arith.constant 0 : i32
        %dma_start3A_85 = tpu.memref_slice %arg19[%dma_start3A_83, %dma_start3A_84] : memref<10240x128xf32, #tpu.memory_space<vmem_shared>> -> memref<10240x128xf32, #tpu.memory_space<vmem_shared>>
        tpu.enqueue_indirect_dma source(%arg17 : memref<128x128xf32, #tpu.memory_space<vmem>>) target(%dma_start3A_85 : memref<10240x128xf32, #tpu.memory_space<vmem_shared>>) offsets(%arg15 : memref<128xi32, #tpu.memory_space<vmem>>) semaphore(%arg20 : memref<!tpu.dma_semaphore, #tpu.memory_space<semaphore_mem>>) {add = true}
        %dma_wait3A_86 = arith.constant 128 : i32
        %dma_wait3A_87 = tpu.memref_slice %arg14[%dma_wait3A_86] : memref<256xi32, #tpu.memory_space<vmem>> -> memref<128xi32, #tpu.memory_space<vmem>>
        %dma_wait3A_88 = arith.constant 0 : i32
        %dma_wait3A_89 = arith.constant 0 : i32
        %dma_wait3A_90 = tpu.memref_slice %arg6[%dma_wait3A_88, %dma_wait3A_89] : memref<10240x128xf32, #tpu.memory_space<hbm>> -> memref<10240x128xf32, #tpu.memory_space<hbm>>
        tpu.wait_indirect_dma semaphore(%arg21 : memref<!tpu.dma_semaphore, #tpu.memory_space<semaphore_mem>>) src(%dma_wait3A_90 : memref<10240x128xf32, #tpu.memory_space<hbm>>) dst(%arg18 : memref<128x128xf32, #tpu.memory_space<vmem>>)
        %dma_start3A_91 = arith.constant 0 : i32
        %dma_start3A_92 = arith.constant 0 : i32
        %dma_start3A_93 = tpu.memref_slice %arg19[%dma_start3A_91, %dma_start3A_92] : memref<10240x128xf32, #tpu.memory_space<vmem_shared>> -> memref<10240x128xf32, #tpu.memory_space<vmem_shared>>
        tpu.enqueue_indirect_dma source(%arg18 : memref<128x128xf32, #tpu.memory_space<vmem>>) target(%dma_start3A_93 : memref<10240x128xf32, #tpu.memory_space<vmem_shared>>) offsets(%arg16 : memref<128xi32, #tpu.memory_space<vmem>>) semaphore(%arg21 : memref<!tpu.dma_semaphore, #tpu.memory_space<semaphore_mem>>) {add = true}
        %dma_wait3A_94 = arith.constant 0 : i32
        %dma_wait3A_95 = arith.constant 0 : i32
        %dma_wait3A_96 = tpu.memref_slice %arg19[%dma_wait3A_94, %dma_wait3A_95] : memref<10240x128xf32, #tpu.memory_space<vmem_shared>> -> memref<10240x128xf32, #tpu.memory_space<vmem_shared>>
        tpu.wait_indirect_dma semaphore(%arg20 : memref<!tpu.dma_semaphore, #tpu.memory_space<semaphore_mem>>) src(%arg17 : memref<128x128xf32, #tpu.memory_space<vmem>>) dst(%dma_wait3A_96 : memref<10240x128xf32, #tpu.memory_space<vmem_shared>>)
        %dma_wait3A_97 = arith.constant 0 : i32
        %dma_wait3A_98 = arith.constant 0 : i32
        %dma_wait3A_99 = tpu.memref_slice %arg19[%dma_wait3A_97, %dma_wait3A_98] : memref<10240x128xf32, #tpu.memory_space<vmem_shared>> -> memref<10240x128xf32, #tpu.memory_space<vmem_shared>>
        tpu.wait_indirect_dma semaphore(%arg21 : memref<!tpu.dma_semaphore, #tpu.memory_space<semaphore_mem>>) src(%arg18 : memref<128x128xf32, #tpu.memory_space<vmem>>) dst(%dma_wait3A_99 : memref<10240x128xf32, #tpu.memory_space<vmem_shared>>)
      }
      %scan3A_50 = arith.constant 78 : i32
      %add3A = arith.constant 19968 : i32
      %add3A_51 = arith.addi %mul3A_45, %add3A : i32
      "tpu.region"() ({
        %run_scoped3A = tpu.sem_alloc : memref<!tpu.dma_semaphore, #tpu.memory_space<semaphore_mem>>
        %dma_start3A_60 = arith.constant 0 : i32
        %dma_start3A_61 = tpu.memref_slice %arg14[%dma_start3A_60] : memref<256xi32, #tpu.memory_space<vmem>> -> memref<128xi32, #tpu.memory_space<vmem>>
        %dma_start3A_62 = tpu.memref_slice %arg2[%add3A_51] : memref<321536xi32, #tpu.memory_space<hbm>> -> memref<128xi32, #tpu.memory_space<hbm>>
        %dma_start3A_63 = arith.constant 0 : i32
        %dma_start3A_64 = tpu.memref_slice %arg14[%dma_start3A_63] : memref<256xi32, #tpu.memory_space<vmem>> -> memref<128xi32, #tpu.memory_space<vmem>>
        %dma_start3A_65 = tpu.memref_slice %arg2[%add3A_51] : memref<321536xi32, #tpu.memory_space<hbm>> -> memref<128xi32, #tpu.memory_space<hbm>>
        tpu.enqueue_dma source(%dma_start3A_65 : memref<128xi32, #tpu.memory_space<hbm>>) target(%dma_start3A_64 : memref<128xi32, #tpu.memory_space<vmem>>) target_semaphore(%run_scoped3A : memref<!tpu.dma_semaphore, #tpu.memory_space<semaphore_mem>>)
        %dma_wait3A_66 = arith.constant 0 : i32
        %dma_wait3A_67 = tpu.memref_slice %arg14[%dma_wait3A_66] : memref<256xi32, #tpu.memory_space<vmem>> -> memref<128xi32, #tpu.memory_space<vmem>>
        %dma_wait3A_68 = tpu.memref_slice %arg2[%add3A_51] : memref<321536xi32, #tpu.memory_space<hbm>> -> memref<128xi32, #tpu.memory_space<hbm>>
        %dma_wait3A_69 = arith.constant 0 : i32
        %dma_wait3A_70 = tpu.memref_slice %arg14[%dma_wait3A_69] : memref<256xi32, #tpu.memory_space<vmem>> -> memref<128xi32, #tpu.memory_space<vmem>>
        %dma_wait3A_71 = tpu.memref_slice %arg2[%add3A_51] : memref<321536xi32, #tpu.memory_space<hbm>> -> memref<128xi32, #tpu.memory_space<hbm>>
        tpu.wait_dma2 semaphore(%run_scoped3A : memref<!tpu.dma_semaphore, #tpu.memory_space<semaphore_mem>>) src(%dma_wait3A_71 : memref<128xi32, #tpu.memory_space<hbm>>) dst(%dma_wait3A_70 : memref<128xi32, #tpu.memory_space<vmem>>)
        tpu.yield
      }) : () -> ()
      "tpu.region"() ({
        %run_scoped3A = tpu.sem_alloc : memref<!tpu.dma_semaphore, #tpu.memory_space<semaphore_mem>>
        %dma_start3A_60 = tpu.memref_slice %arg3[%add3A_51] : memref<321536xi32, #tpu.memory_space<hbm>> -> memref<128xi32, #tpu.memory_space<hbm>>
        %dma_start3A_61 = tpu.memref_slice %arg3[%add3A_51] : memref<321536xi32, #tpu.memory_space<hbm>> -> memref<128xi32, #tpu.memory_space<hbm>>
        tpu.enqueue_dma source(%dma_start3A_61 : memref<128xi32, #tpu.memory_space<hbm>>) target(%arg15 : memref<128xi32, #tpu.memory_space<vmem>>) target_semaphore(%run_scoped3A : memref<!tpu.dma_semaphore, #tpu.memory_space<semaphore_mem>>)
        %dma_wait3A_62 = tpu.memref_slice %arg3[%add3A_51] : memref<321536xi32, #tpu.memory_space<hbm>> -> memref<128xi32, #tpu.memory_space<hbm>>
        %dma_wait3A_63 = tpu.memref_slice %arg3[%add3A_51] : memref<321536xi32, #tpu.memory_space<hbm>> -> memref<128xi32, #tpu.memory_space<hbm>>
        tpu.wait_dma2 semaphore(%run_scoped3A : memref<!tpu.dma_semaphore, #tpu.memory_space<semaphore_mem>>) src(%dma_wait3A_63 : memref<128xi32, #tpu.memory_space<hbm>>) dst(%arg15 : memref<128xi32, #tpu.memory_space<vmem>>)
        tpu.yield
      }) : () -> ()
      %dma_start3A = arith.constant 0 : i32
      %dma_start3A_52 = tpu.memref_slice %arg14[%dma_start3A] : memref<256xi32, #tpu.memory_space<vmem>> -> memref<128xi32, #tpu.memory_space<vmem>>
      %dma_start3A_53 = arith.constant 0 : i32
      %dma_start3A_54 = arith.constant 0 : i32
      %dma_start3A_55 = tpu.memref_slice %arg6[%dma_start3A_53, %dma_start3A_54] : memref<10240x128xf32, #tpu.memory_space<hbm>> -> memref<10240x128xf32, #tpu.memory_space<hbm>>
      tpu.enqueue_indirect_dma source(%dma_start3A_55 : memref<10240x128xf32, #tpu.memory_space<hbm>>) target(%arg17 : memref<128x128xf32, #tpu.memory_space<vmem>>) offsets(%dma_start3A_52 : memref<128xi32, #tpu.memory_space<vmem>>) semaphore(%arg20 : memref<!tpu.dma_semaphore, #tpu.memory_space<semaphore_mem>>)
      %dma_wait3A = arith.constant 0 : i32
      %dma_wait3A_56 = tpu.memref_slice %arg14[%dma_wait3A] : memref<256xi32, #tpu.memory_space<vmem>> -> memref<128xi32, #tpu.memory_space<vmem>>
      %dma_wait3A_57 = arith.constant 0 : i32
      %dma_wait3A_58 = arith.constant 0 : i32
      %dma_wait3A_59 = tpu.memref_slice %arg6[%dma_wait3A_57, %dma_wait3A_58] : memref<10240x128xf32, #tpu.memory_space<hbm>> -> memref<10240x128xf32, #tpu.memory_space<hbm>>
      tpu.wait_indirect_dma semaphore(%arg20 : memref<!tpu.dma_semaphore, #tpu.memory_space<semaphore_mem>>) src(%dma_wait3A_59 : memref<10240x128xf32, #tpu.memory_space<hbm>>) dst(%arg17 : memref<128x128xf32, #tpu.memory_space<vmem>>)
      "tpu.region"() ({
        %run_scoped3A = tpu.sem_alloc : memref<!tpu.dma_semaphore, #tpu.memory_space<semaphore_mem>>
        %dma_start3A_60 = arith.constant 0 : i32
        %dma_start3A_61 = arith.constant 0 : i32
        %dma_start3A_62 = tpu.memref_slice %arg19[%dma_start3A_60, %dma_start3A_61] : memref<10240x128xf32, #tpu.memory_space<vmem_shared>> -> memref<10240x128xf32, #tpu.memory_space<vmem_shared>>
        tpu.enqueue_indirect_dma source(%arg17 : memref<128x128xf32, #tpu.memory_space<vmem>>) target(%dma_start3A_62 : memref<10240x128xf32, #tpu.memory_space<vmem_shared>>) offsets(%arg15 : memref<128xi32, #tpu.memory_space<vmem>>) semaphore(%run_scoped3A : memref<!tpu.dma_semaphore, #tpu.memory_space<semaphore_mem>>) {add = true}
        %dma_wait3A_63 = arith.constant 0 : i32
        %dma_wait3A_64 = arith.constant 0 : i32
        %dma_wait3A_65 = tpu.memref_slice %arg19[%dma_wait3A_63, %dma_wait3A_64] : memref<10240x128xf32, #tpu.memory_space<vmem_shared>> -> memref<10240x128xf32, #tpu.memory_space<vmem_shared>>
        tpu.wait_indirect_dma semaphore(%run_scoped3A : memref<!tpu.dma_semaphore, #tpu.memory_space<semaphore_mem>>) src(%arg17 : memref<128x128xf32, #tpu.memory_space<vmem>>) dst(%dma_wait3A_65 : memref<10240x128xf32, #tpu.memory_space<vmem_shared>>)
        tpu.yield
      }) : () -> ()
    } else {
    }
    %eq3A_3 = arith.constant 1 : i32
    %eq3A_4 = arith.cmpi eq, %arg0, %eq3A_3 : i32
    %convert_element_type3A_5 = arith.extui %eq3A_4 : i1 to i32
    %cond3A_6 = arith.constant 0 : i32
    %cond3A_7 = arith.cmpi ne, %convert_element_type3A_5, %cond3A_6 : i32
    scf.if %cond3A_7 {
      %mul3A_42 = arith.constant 157 : i32
      %mul3A_43 = arith.muli %arg1, %mul3A_42 : i32
      %mul3A_44 = arith.constant 128 : i32
      %mul3A_45 = arith.muli %mul3A_43, %mul3A_44 : i32
      %scan3A = arith.constant 0 : i32
      %scan3A_46 = arith.constant 0 : i32
      %scan3A_47 = arith.constant 78 : i32
      %scan3A_48 = arith.addi %scan3A_46, %scan3A_47 : i32
      %scan3A_49 = arith.constant 1 : i32
      scf.for %scan3A_60 = %scan3A_46 to %scan3A_48 step %scan3A_49  : i32 {
        %mul3A_61 = arith.constant 2 : i32
        %mul3A_62 = arith.muli %mul3A_61, %scan3A_60 : i32
        %mul3A_63 = arith.constant 128 : i32
        %mul3A_64 = arith.muli %mul3A_62, %mul3A_63 : i32
        %add3A_65 = arith.addi %mul3A_45, %mul3A_64 : i32
        "tpu.region"() ({
          %run_scoped3A = tpu.sem_alloc : memref<!tpu.dma_semaphore, #tpu.memory_space<semaphore_mem>>
          %dma_start3A_100 = tpu.memref_slice %arg4[%add3A_65] : memref<321536xi32, #tpu.memory_space<hbm>> -> memref<256xi32, #tpu.memory_space<hbm>>
          %dma_start3A_101 = tpu.memref_slice %arg4[%add3A_65] : memref<321536xi32, #tpu.memory_space<hbm>> -> memref<256xi32, #tpu.memory_space<hbm>>
          tpu.enqueue_dma source(%dma_start3A_101 : memref<256xi32, #tpu.memory_space<hbm>>) target(%arg14 : memref<256xi32, #tpu.memory_space<vmem>>) target_semaphore(%run_scoped3A : memref<!tpu.dma_semaphore, #tpu.memory_space<semaphore_mem>>)
          %dma_wait3A_102 = tpu.memref_slice %arg4[%add3A_65] : memref<321536xi32, #tpu.memory_space<hbm>> -> memref<256xi32, #tpu.memory_space<hbm>>
          %dma_wait3A_103 = tpu.memref_slice %arg4[%add3A_65] : memref<321536xi32, #tpu.memory_space<hbm>> -> memref<256xi32, #tpu.memory_space<hbm>>
          tpu.wait_dma2 semaphore(%run_scoped3A : memref<!tpu.dma_semaphore, #tpu.memory_space<semaphore_mem>>) src(%dma_wait3A_103 : memref<256xi32, #tpu.memory_space<hbm>>) dst(%arg14 : memref<256xi32, #tpu.memory_space<vmem>>)
          tpu.yield
        }) : () -> ()
        "tpu.region"() ({
          %run_scoped3A = tpu.sem_alloc : memref<!tpu.dma_semaphore, #tpu.memory_space<semaphore_mem>>
          %dma_start3A_100 = tpu.memref_slice %arg5[%add3A_65] : memref<321536xi32, #tpu.memory_space<hbm>> -> memref<128xi32, #tpu.memory_space<hbm>>
          %dma_start3A_101 = tpu.memref_slice %arg5[%add3A_65] : memref<321536xi32, #tpu.memory_space<hbm>> -> memref<128xi32, #tpu.memory_space<hbm>>
          tpu.enqueue_dma source(%dma_start3A_101 : memref<128xi32, #tpu.memory_space<hbm>>) target(%arg15 : memref<128xi32, #tpu.memory_space<vmem>>) target_semaphore(%run_scoped3A : memref<!tpu.dma_semaphore, #tpu.memory_space<semaphore_mem>>)
          %dma_wait3A_102 = tpu.memref_slice %arg5[%add3A_65] : memref<321536xi32, #tpu.memory_space<hbm>> -> memref<128xi32, #tpu.memory_space<hbm>>
          %dma_wait3A_103 = tpu.memref_slice %arg5[%add3A_65] : memref<321536xi32, #tpu.memory_space<hbm>> -> memref<128xi32, #tpu.memory_space<hbm>>
          tpu.wait_dma2 semaphore(%run_scoped3A : memref<!tpu.dma_semaphore, #tpu.memory_space<semaphore_mem>>) src(%dma_wait3A_103 : memref<128xi32, #tpu.memory_space<hbm>>) dst(%arg15 : memref<128xi32, #tpu.memory_space<vmem>>)
          tpu.yield
        }) : () -> ()
        %add3A_66 = arith.constant 128 : i32
        %add3A_67 = arith.addi %add3A_65, %add3A_66 : i32
        "tpu.region"() ({
          %run_scoped3A = tpu.sem_alloc : memref<!tpu.dma_semaphore, #tpu.memory_space<semaphore_mem>>
          %dma_start3A_100 = tpu.memref_slice %arg5[%add3A_67] : memref<321536xi32, #tpu.memory_space<hbm>> -> memref<128xi32, #tpu.memory_space<hbm>>
          %dma_start3A_101 = tpu.memref_slice %arg5[%add3A_67] : memref<321536xi32, #tpu.memory_space<hbm>> -> memref<128xi32, #tpu.memory_space<hbm>>
          tpu.enqueue_dma source(%dma_start3A_101 : memref<128xi32, #tpu.memory_space<hbm>>) target(%arg16 : memref<128xi32, #tpu.memory_space<vmem>>) target_semaphore(%run_scoped3A : memref<!tpu.dma_semaphore, #tpu.memory_space<semaphore_mem>>)
          %dma_wait3A_102 = tpu.memref_slice %arg5[%add3A_67] : memref<321536xi32, #tpu.memory_space<hbm>> -> memref<128xi32, #tpu.memory_space<hbm>>
          %dma_wait3A_103 = tpu.memref_slice %arg5[%add3A_67] : memref<321536xi32, #tpu.memory_space<hbm>> -> memref<128xi32, #tpu.memory_space<hbm>>
          tpu.wait_dma2 semaphore(%run_scoped3A : memref<!tpu.dma_semaphore, #tpu.memory_space<semaphore_mem>>) src(%dma_wait3A_103 : memref<128xi32, #tpu.memory_space<hbm>>) dst(%arg16 : memref<128xi32, #tpu.memory_space<vmem>>)
          tpu.yield
        }) : () -> ()
        %dma_start3A_68 = arith.constant 0 : i32
        %dma_start3A_69 = tpu.memref_slice %arg14[%dma_start3A_68] : memref<256xi32, #tpu.memory_space<vmem>> -> memref<128xi32, #tpu.memory_space<vmem>>
        %dma_start3A_70 = arith.constant 0 : i32
        %dma_start3A_71 = arith.constant 0 : i32
        %dma_start3A_72 = tpu.memref_slice %arg7[%dma_start3A_70, %dma_start3A_71] : memref<10240x128xf32, #tpu.memory_space<hbm>> -> memref<10240x128xf32, #tpu.memory_space<hbm>>
        tpu.enqueue_indirect_dma source(%dma_start3A_72 : memref<10240x128xf32, #tpu.memory_space<hbm>>) target(%arg17 : memref<128x128xf32, #tpu.memory_space<vmem>>) offsets(%dma_start3A_69 : memref<128xi32, #tpu.memory_space<vmem>>) semaphore(%arg20 : memref<!tpu.dma_semaphore, #tpu.memory_space<semaphore_mem>>)
        %dma_start3A_73 = arith.constant 128 : i32
        %dma_start3A_74 = tpu.memref_slice %arg14[%dma_start3A_73] : memref<256xi32, #tpu.memory_space<vmem>> -> memref<128xi32, #tpu.memory_space<vmem>>
        %dma_start3A_75 = arith.constant 0 : i32
        %dma_start3A_76 = arith.constant 0 : i32
        %dma_start3A_77 = tpu.memref_slice %arg7[%dma_start3A_75, %dma_start3A_76] : memref<10240x128xf32, #tpu.memory_space<hbm>> -> memref<10240x128xf32, #tpu.memory_space<hbm>>
        tpu.enqueue_indirect_dma source(%dma_start3A_77 : memref<10240x128xf32, #tpu.memory_space<hbm>>) target(%arg18 : memref<128x128xf32, #tpu.memory_space<vmem>>) offsets(%dma_start3A_74 : memref<128xi32, #tpu.memory_space<vmem>>) semaphore(%arg21 : memref<!tpu.dma_semaphore, #tpu.memory_space<semaphore_mem>>)
        %dma_wait3A_78 = arith.constant 0 : i32
        %dma_wait3A_79 = tpu.memref_slice %arg14[%dma_wait3A_78] : memref<256xi32, #tpu.memory_space<vmem>> -> memref<128xi32, #tpu.memory_space<vmem>>
        %dma_wait3A_80 = arith.constant 0 : i32
        %dma_wait3A_81 = arith.constant 0 : i32
        %dma_wait3A_82 = tpu.memref_slice %arg7[%dma_wait3A_80, %dma_wait3A_81] : memref<10240x128xf32, #tpu.memory_space<hbm>> -> memref<10240x128xf32, #tpu.memory_space<hbm>>
        tpu.wait_indirect_dma semaphore(%arg20 : memref<!tpu.dma_semaphore, #tpu.memory_space<semaphore_mem>>) src(%dma_wait3A_82 : memref<10240x128xf32, #tpu.memory_space<hbm>>) dst(%arg17 : memref<128x128xf32, #tpu.memory_space<vmem>>)
        %dma_start3A_83 = arith.constant 0 : i32
        %dma_start3A_84 = arith.constant 0 : i32
        %dma_start3A_85 = tpu.memref_slice %arg19[%dma_start3A_83, %dma_start3A_84] : memref<10240x128xf32, #tpu.memory_space<vmem_shared>> -> memref<10240x128xf32, #tpu.memory_space<vmem_shared>>
        tpu.enqueue_indirect_dma source(%arg17 : memref<128x128xf32, #tpu.memory_space<vmem>>) target(%dma_start3A_85 : memref<10240x128xf32, #tpu.memory_space<vmem_shared>>) offsets(%arg15 : memref<128xi32, #tpu.memory_space<vmem>>) semaphore(%arg20 : memref<!tpu.dma_semaphore, #tpu.memory_space<semaphore_mem>>) {add = true}
        %dma_wait3A_86 = arith.constant 128 : i32
        %dma_wait3A_87 = tpu.memref_slice %arg14[%dma_wait3A_86] : memref<256xi32, #tpu.memory_space<vmem>> -> memref<128xi32, #tpu.memory_space<vmem>>
        %dma_wait3A_88 = arith.constant 0 : i32
        %dma_wait3A_89 = arith.constant 0 : i32
        %dma_wait3A_90 = tpu.memref_slice %arg7[%dma_wait3A_88, %dma_wait3A_89] : memref<10240x128xf32, #tpu.memory_space<hbm>> -> memref<10240x128xf32, #tpu.memory_space<hbm>>
        tpu.wait_indirect_dma semaphore(%arg21 : memref<!tpu.dma_semaphore, #tpu.memory_space<semaphore_mem>>) src(%dma_wait3A_90 : memref<10240x128xf32, #tpu.memory_space<hbm>>) dst(%arg18 : memref<128x128xf32, #tpu.memory_space<vmem>>)
        %dma_start3A_91 = arith.constant 0 : i32
        %dma_start3A_92 = arith.constant 0 : i32
        %dma_start3A_93 = tpu.memref_slice %arg19[%dma_start3A_91, %dma_start3A_92] : memref<10240x128xf32, #tpu.memory_space<vmem_shared>> -> memref<10240x128xf32, #tpu.memory_space<vmem_shared>>
        tpu.enqueue_indirect_dma source(%arg18 : memref<128x128xf32, #tpu.memory_space<vmem>>) target(%dma_start3A_93 : memref<10240x128xf32, #tpu.memory_space<vmem_shared>>) offsets(%arg16 : memref<128xi32, #tpu.memory_space<vmem>>) semaphore(%arg21 : memref<!tpu.dma_semaphore, #tpu.memory_space<semaphore_mem>>) {add = true}
        %dma_wait3A_94 = arith.constant 0 : i32
        %dma_wait3A_95 = arith.constant 0 : i32
        %dma_wait3A_96 = tpu.memref_slice %arg19[%dma_wait3A_94, %dma_wait3A_95] : memref<10240x128xf32, #tpu.memory_space<vmem_shared>> -> memref<10240x128xf32, #tpu.memory_space<vmem_shared>>
        tpu.wait_indirect_dma semaphore(%arg20 : memref<!tpu.dma_semaphore, #tpu.memory_space<semaphore_mem>>) src(%arg17 : memref<128x128xf32, #tpu.memory_space<vmem>>) dst(%dma_wait3A_96 : memref<10240x128xf32, #tpu.memory_space<vmem_shared>>)
        %dma_wait3A_97 = arith.constant 0 : i32
        %dma_wait3A_98 = arith.constant 0 : i32
        %dma_wait3A_99 = tpu.memref_slice %arg19[%dma_wait3A_97, %dma_wait3A_98] : memref<10240x128xf32, #tpu.memory_space<vmem_shared>> -> memref<10240x128xf32, #tpu.memory_space<vmem_shared>>
        tpu.wait_indirect_dma semaphore(%arg21 : memref<!tpu.dma_semaphore, #tpu.memory_space<semaphore_mem>>) src(%arg18 : memref<128x128xf32, #tpu.memory_space<vmem>>) dst(%dma_wait3A_99 : memref<10240x128xf32, #tpu.memory_space<vmem_shared>>)
      }
      %scan3A_50 = arith.constant 78 : i32
      %add3A = arith.constant 19968 : i32
      %add3A_51 = arith.addi %mul3A_45, %add3A : i32
      "tpu.region"() ({
        %run_scoped3A = tpu.sem_alloc : memref<!tpu.dma_semaphore, #tpu.memory_space<semaphore_mem>>
        %dma_start3A_60 = arith.constant 0 : i32
        %dma_start3A_61 = tpu.memref_slice %arg14[%dma_start3A_60] : memref<256xi32, #tpu.memory_space<vmem>> -> memref<128xi32, #tpu.memory_space<vmem>>
        %dma_start3A_62 = tpu.memref_slice %arg4[%add3A_51] : memref<321536xi32, #tpu.memory_space<hbm>> -> memref<128xi32, #tpu.memory_space<hbm>>
        %dma_start3A_63 = arith.constant 0 : i32
        %dma_start3A_64 = tpu.memref_slice %arg14[%dma_start3A_63] : memref<256xi32, #tpu.memory_space<vmem>> -> memref<128xi32, #tpu.memory_space<vmem>>
        %dma_start3A_65 = tpu.memref_slice %arg4[%add3A_51] : memref<321536xi32, #tpu.memory_space<hbm>> -> memref<128xi32, #tpu.memory_space<hbm>>
        tpu.enqueue_dma source(%dma_start3A_65 : memref<128xi32, #tpu.memory_space<hbm>>) target(%dma_start3A_64 : memref<128xi32, #tpu.memory_space<vmem>>) target_semaphore(%run_scoped3A : memref<!tpu.dma_semaphore, #tpu.memory_space<semaphore_mem>>)
        %dma_wait3A_66 = arith.constant 0 : i32
        %dma_wait3A_67 = tpu.memref_slice %arg14[%dma_wait3A_66] : memref<256xi32, #tpu.memory_space<vmem>> -> memref<128xi32, #tpu.memory_space<vmem>>
        %dma_wait3A_68 = tpu.memref_slice %arg4[%add3A_51] : memref<321536xi32, #tpu.memory_space<hbm>> -> memref<128xi32, #tpu.memory_space<hbm>>
        %dma_wait3A_69 = arith.constant 0 : i32
        %dma_wait3A_70 = tpu.memref_slice %arg14[%dma_wait3A_69] : memref<256xi32, #tpu.memory_space<vmem>> -> memref<128xi32, #tpu.memory_space<vmem>>
        %dma_wait3A_71 = tpu.memref_slice %arg4[%add3A_51] : memref<321536xi32, #tpu.memory_space<hbm>> -> memref<128xi32, #tpu.memory_space<hbm>>
        tpu.wait_dma2 semaphore(%run_scoped3A : memref<!tpu.dma_semaphore, #tpu.memory_space<semaphore_mem>>) src(%dma_wait3A_71 : memref<128xi32, #tpu.memory_space<hbm>>) dst(%dma_wait3A_70 : memref<128xi32, #tpu.memory_space<vmem>>)
        tpu.yield
      }) : () -> ()
      "tpu.region"() ({
        %run_scoped3A = tpu.sem_alloc : memref<!tpu.dma_semaphore, #tpu.memory_space<semaphore_mem>>
        %dma_start3A_60 = tpu.memref_slice %arg5[%add3A_51] : memref<321536xi32, #tpu.memory_space<hbm>> -> memref<128xi32, #tpu.memory_space<hbm>>
        %dma_start3A_61 = tpu.memref_slice %arg5[%add3A_51] : memref<321536xi32, #tpu.memory_space<hbm>> -> memref<128xi32, #tpu.memory_space<hbm>>
        tpu.enqueue_dma source(%dma_start3A_61 : memref<128xi32, #tpu.memory_space<hbm>>) target(%arg15 : memref<128xi32, #tpu.memory_space<vmem>>) target_semaphore(%run_scoped3A : memref<!tpu.dma_semaphore, #tpu.memory_space<semaphore_mem>>)
        %dma_wait3A_62 = tpu.memref_slice %arg5[%add3A_51] : memref<321536xi32, #tpu.memory_space<hbm>> -> memref<128xi32, #tpu.memory_space<hbm>>
        %dma_wait3A_63 = tpu.memref_slice %arg5[%add3A_51] : memref<321536xi32, #tpu.memory_space<hbm>> -> memref<128xi32, #tpu.memory_space<hbm>>
        tpu.wait_dma2 semaphore(%run_scoped3A : memref<!tpu.dma_semaphore, #tpu.memory_space<semaphore_mem>>) src(%dma_wait3A_63 : memref<128xi32, #tpu.memory_space<hbm>>) dst(%arg15 : memref<128xi32, #tpu.memory_space<vmem>>)
        tpu.yield
      }) : () -> ()
      %dma_start3A = arith.constant 0 : i32
      %dma_start3A_52 = tpu.memref_slice %arg14[%dma_start3A] : memref<256xi32, #tpu.memory_space<vmem>> -> memref<128xi32, #tpu.memory_space<vmem>>
      %dma_start3A_53 = arith.constant 0 : i32
      %dma_start3A_54 = arith.constant 0 : i32
      %dma_start3A_55 = tpu.memref_slice %arg7[%dma_start3A_53, %dma_start3A_54] : memref<10240x128xf32, #tpu.memory_space<hbm>> -> memref<10240x128xf32, #tpu.memory_space<hbm>>
      tpu.enqueue_indirect_dma source(%dma_start3A_55 : memref<10240x128xf32, #tpu.memory_space<hbm>>) target(%arg17 : memref<128x128xf32, #tpu.memory_space<vmem>>) offsets(%dma_start3A_52 : memref<128xi32, #tpu.memory_space<vmem>>) semaphore(%arg20 : memref<!tpu.dma_semaphore, #tpu.memory_space<semaphore_mem>>)
      %dma_wait3A = arith.constant 0 : i32
      %dma_wait3A_56 = tpu.memref_slice %arg14[%dma_wait3A] : memref<256xi32, #tpu.memory_space<vmem>> -> memref<128xi32, #tpu.memory_space<vmem>>
      %dma_wait3A_57 = arith.constant 0 : i32
      %dma_wait3A_58 = arith.constant 0 : i32
      %dma_wait3A_59 = tpu.memref_slice %arg7[%dma_wait3A_57, %dma_wait3A_58] : memref<10240x128xf32, #tpu.memory_space<hbm>> -> memref<10240x128xf32, #tpu.memory_space<hbm>>
      tpu.wait_indirect_dma semaphore(%arg20 : memref<!tpu.dma_semaphore, #tpu.memory_space<semaphore_mem>>) src(%dma_wait3A_59 : memref<10240x128xf32, #tpu.memory_space<hbm>>) dst(%arg17 : memref<128x128xf32, #tpu.memory_space<vmem>>)
      "tpu.region"() ({
        %run_scoped3A = tpu.sem_alloc : memref<!tpu.dma_semaphore, #tpu.memory_space<semaphore_mem>>
        %dma_start3A_60 = arith.constant 0 : i32
        %dma_start3A_61 = arith.constant 0 : i32
        %dma_start3A_62 = tpu.memref_slice %arg19[%dma_start3A_60, %dma_start3A_61] : memref<10240x128xf32, #tpu.memory_space<vmem_shared>> -> memref<10240x128xf32, #tpu.memory_space<vmem_shared>>
        tpu.enqueue_indirect_dma source(%arg17 : memref<128x128xf32, #tpu.memory_space<vmem>>) target(%dma_start3A_62 : memref<10240x128xf32, #tpu.memory_space<vmem_shared>>) offsets(%arg15 : memref<128xi32, #tpu.memory_space<vmem>>) semaphore(%run_scoped3A : memref<!tpu.dma_semaphore, #tpu.memory_space<semaphore_mem>>) {add = true}
        %dma_wait3A_63 = arith.constant 0 : i32
        %dma_wait3A_64 = arith.constant 0 : i32
        %dma_wait3A_65 = tpu.memref_slice %arg19[%dma_wait3A_63, %dma_wait3A_64] : memref<10240x128xf32, #tpu.memory_space<vmem_shared>> -> memref<10240x128xf32, #tpu.memory_space<vmem_shared>>
        tpu.wait_indirect_dma semaphore(%run_scoped3A : memref<!tpu.dma_semaphore, #tpu.memory_space<semaphore_mem>>) src(%arg17 : memref<128x128xf32, #tpu.memory_space<vmem>>) dst(%dma_wait3A_65 : memref<10240x128xf32, #tpu.memory_space<vmem_shared>>)
        tpu.yield
      }) : () -> ()
    } else {
    }
    %barrier3A_8 = arith.constant 0 : index
    tpu.barrier barrier_id(%barrier3A_8)
    %eq3A_9 = arith.constant 0 : i32
    %eq3A_10 = arith.cmpi eq, %arg0, %eq3A_9 : i32
    %convert_element_type3A_11 = arith.extui %eq3A_10 : i1 to i32
    %cond3A_12 = arith.constant 0 : i32
    %cond3A_13 = arith.cmpi ne, %convert_element_type3A_11, %cond3A_12 : i32
    scf.if %cond3A_13 {
      "tpu.region"() ({
        %run_scoped3A = tpu.sem_alloc : memref<!tpu.dma_semaphore, #tpu.memory_space<semaphore_mem>>
        %dma_start3A = arith.constant 0 : i32
        %dma_start3A_42 = tpu.memref_slice %arg10[%mul3A_0, %dma_start3A] : memref<10240x128xf32, #tpu.memory_space<hbm>> -> memref<640x128xf32, #tpu.memory_space<hbm>>
        %dma_start3A_43 = arith.constant 0 : i32
        %dma_start3A_44 = tpu.memref_slice %arg19[%mul3A_0, %dma_start3A_43] : memref<10240x128xf32, #tpu.memory_space<vmem_shared>> -> memref<640x128xf32, #tpu.memory_space<vmem_shared>>
        tpu.enqueue_dma source(%dma_start3A_44 : memref<640x128xf32, #tpu.memory_space<vmem_shared>>) target(%dma_start3A_42 : memref<640x128xf32, #tpu.memory_space<hbm>>) target_semaphore(%run_scoped3A : memref<!tpu.dma_semaphore, #tpu.memory_space<semaphore_mem>>)
        %dma_wait3A = arith.constant 0 : i32
        %dma_wait3A_45 = tpu.memref_slice %arg10[%mul3A_0, %dma_wait3A] : memref<10240x128xf32, #tpu.memory_space<hbm>> -> memref<640x128xf32, #tpu.memory_space<hbm>>
        %dma_wait3A_46 = arith.constant 0 : i32
        %dma_wait3A_47 = tpu.memref_slice %arg19[%mul3A_0, %dma_wait3A_46] : memref<10240x128xf32, #tpu.memory_space<vmem_shared>> -> memref<640x128xf32, #tpu.memory_space<vmem_shared>>
        tpu.wait_dma2 semaphore(%run_scoped3A : memref<!tpu.dma_semaphore, #tpu.memory_space<semaphore_mem>>) src(%dma_wait3A_47 : memref<640x128xf32, #tpu.memory_space<vmem_shared>>) dst(%dma_wait3A_45 : memref<640x128xf32, #tpu.memory_space<hbm>>)
        tpu.yield
      }) : () -> ()
    } else {
    }
    %eq3A_14 = arith.constant 1 : i32
    %eq3A_15 = arith.cmpi eq, %arg0, %eq3A_14 : i32
    %convert_element_type3A_16 = arith.extui %eq3A_15 : i1 to i32
    %cond3A_17 = arith.constant 0 : i32
    %cond3A_18 = arith.cmpi ne, %convert_element_type3A_16, %cond3A_17 : i32
    scf.if %cond3A_18 {
      "tpu.region"() ({
        %run_scoped3A = tpu.sem_alloc : memref<!tpu.dma_semaphore, #tpu.memory_space<semaphore_mem>>
        %dma_start3A = arith.constant 0 : i32
        %dma_start3A_42 = tpu.memref_slice %arg11[%mul3A_0, %dma_start3A] : memref<10240x128xf32, #tpu.memory_space<hbm>> -> memref<640x128xf32, #tpu.memory_space<hbm>>
        %dma_start3A_43 = arith.constant 0 : i32
        %dma_start3A_44 = tpu.memref_slice %arg19[%mul3A_0, %dma_start3A_43] : memref<10240x128xf32, #tpu.memory_space<vmem_shared>> -> memref<640x128xf32, #tpu.memory_space<vmem_shared>>
        tpu.enqueue_dma source(%dma_start3A_44 : memref<640x128xf32, #tpu.memory_space<vmem_shared>>) target(%dma_start3A_42 : memref<640x128xf32, #tpu.memory_space<hbm>>) target_semaphore(%run_scoped3A : memref<!tpu.dma_semaphore, #tpu.memory_space<semaphore_mem>>)
        %dma_wait3A = arith.constant 0 : i32
        %dma_wait3A_45 = tpu.memref_slice %arg11[%mul3A_0, %dma_wait3A] : memref<10240x128xf32, #tpu.memory_space<hbm>> -> memref<640x128xf32, #tpu.memory_space<hbm>>
        %dma_wait3A_46 = arith.constant 0 : i32
        %dma_wait3A_47 = tpu.memref_slice %arg19[%mul3A_0, %dma_wait3A_46] : memref<10240x128xf32, #tpu.memory_space<vmem_shared>> -> memref<640x128xf32, #tpu.memory_space<vmem_shared>>
        tpu.wait_dma2 semaphore(%run_scoped3A : memref<!tpu.dma_semaphore, #tpu.memory_space<semaphore_mem>>) src(%dma_wait3A_47 : memref<640x128xf32, #tpu.memory_space<vmem_shared>>) dst(%dma_wait3A_45 : memref<640x128xf32, #tpu.memory_space<hbm>>)
        tpu.yield
      }) : () -> ()
    } else {
    }
    %barrier3A_19 = arith.constant 0 : index
    tpu.barrier barrier_id(%barrier3A_19)
    "tpu.region"() ({
      %run_scoped3A = tpu.sem_alloc : memref<!tpu.dma_semaphore, #tpu.memory_space<semaphore_mem>>
      %dma_start3A = arith.constant 0 : i32
      %dma_start3A_42 = tpu.memref_slice %arg19[%mul3A_0, %dma_start3A] : memref<10240x128xf32, #tpu.memory_space<vmem_shared>> -> memref<640x128xf32, #tpu.memory_space<vmem_shared>>
      %dma_start3A_43 = arith.constant 0 : i32
      %dma_start3A_44 = tpu.memref_slice %arg8[%mul3A_0, %dma_start3A_43] : memref<10240x128xf32, #tpu.memory_space<hbm>> -> memref<640x128xf32, #tpu.memory_space<hbm>>
      tpu.enqueue_dma source(%dma_start3A_44 : memref<640x128xf32, #tpu.memory_space<hbm>>) target(%dma_start3A_42 : memref<640x128xf32, #tpu.memory_space<vmem_shared>>) target_semaphore(%run_scoped3A : memref<!tpu.dma_semaphore, #tpu.memory_space<semaphore_mem>>)
      %dma_wait3A = arith.constant 0 : i32
      %dma_wait3A_45 = tpu.memref_slice %arg19[%mul3A_0, %dma_wait3A] : memref<10240x128xf32, #tpu.memory_space<vmem_shared>> -> memref<640x128xf32, #tpu.memory_space<vmem_shared>>
      %dma_wait3A_46 = arith.constant 0 : i32
      %dma_wait3A_47 = tpu.memref_slice %arg8[%mul3A_0, %dma_wait3A_46] : memref<10240x128xf32, #tpu.memory_space<hbm>> -> memref<640x128xf32, #tpu.memory_space<hbm>>
      tpu.wait_dma2 semaphore(%run_scoped3A : memref<!tpu.dma_semaphore, #tpu.memory_space<semaphore_mem>>) src(%dma_wait3A_47 : memref<640x128xf32, #tpu.memory_space<hbm>>) dst(%dma_wait3A_45 : memref<640x128xf32, #tpu.memory_space<vmem_shared>>)
      tpu.yield
    }) : () -> ()
    "tpu.region"() ({
      %run_scoped3A = tpu.sem_alloc : memref<!tpu.dma_semaphore, #tpu.memory_space<semaphore_mem>>
      tpu.enqueue_dma source(%arg9 : memref<128x128xf32, #tpu.memory_space<hbm>>) target(%arg17 : memref<128x128xf32, #tpu.memory_space<vmem>>) target_semaphore(%run_scoped3A : memref<!tpu.dma_semaphore, #tpu.memory_space<semaphore_mem>>)
      tpu.wait_dma2 semaphore(%run_scoped3A : memref<!tpu.dma_semaphore, #tpu.memory_space<semaphore_mem>>) src(%arg9 : memref<128x128xf32, #tpu.memory_space<hbm>>) dst(%arg17 : memref<128x128xf32, #tpu.memory_space<vmem>>)
      tpu.yield
    }) : () -> ()
    %barrier3A_20 = arith.constant 0 : index
    tpu.barrier barrier_id(%barrier3A_20)
    %eq3A_21 = arith.constant 0 : i32
    %eq3A_22 = arith.cmpi eq, %arg0, %eq3A_21 : i32
    %convert_element_type3A_23 = arith.extui %eq3A_22 : i1 to i32
    %cond3A_24 = arith.constant 0 : i32
    %cond3A_25 = arith.cmpi ne, %convert_element_type3A_23, %cond3A_24 : i32
    scf.if %cond3A_25 {
      %mul3A_42 = arith.constant 157 : i32
      %mul3A_43 = arith.muli %arg1, %mul3A_42 : i32
      %mul3A_44 = arith.constant 128 : i32
      %mul3A_45 = arith.muli %mul3A_43, %mul3A_44 : i32
      %scan3A = arith.constant 0 : i32
      %scan3A_46 = arith.constant 0 : i32
      %scan3A_47 = arith.constant 78 : i32
      %scan3A_48 = arith.addi %scan3A_46, %scan3A_47 : i32
      %scan3A_49 = arith.constant 1 : i32
      scf.for %scan3A_52 = %scan3A_46 to %scan3A_48 step %scan3A_49  : i32 {
        %mul3A_53 = arith.constant 2 : i32
        %mul3A_54 = arith.muli %mul3A_53, %scan3A_52 : i32
        %mul3A_55 = arith.constant 128 : i32
        %mul3A_56 = arith.muli %mul3A_54, %mul3A_55 : i32
        %add3A_57 = arith.addi %mul3A_45, %mul3A_56 : i32
        "tpu.region"() ({
          %run_scoped3A = tpu.sem_alloc : memref<!tpu.dma_semaphore, #tpu.memory_space<semaphore_mem>>
          %dma_start3A_70 = tpu.memref_slice %arg3[%add3A_57] : memref<321536xi32, #tpu.memory_space<hbm>> -> memref<128xi32, #tpu.memory_space<hbm>>
          %dma_start3A_71 = tpu.memref_slice %arg3[%add3A_57] : memref<321536xi32, #tpu.memory_space<hbm>> -> memref<128xi32, #tpu.memory_space<hbm>>
          tpu.enqueue_dma source(%dma_start3A_71 : memref<128xi32, #tpu.memory_space<hbm>>) target(%arg15 : memref<128xi32, #tpu.memory_space<vmem>>) target_semaphore(%run_scoped3A : memref<!tpu.dma_semaphore, #tpu.memory_space<semaphore_mem>>)
          %dma_wait3A_72 = tpu.memref_slice %arg3[%add3A_57] : memref<321536xi32, #tpu.memory_space<hbm>> -> memref<128xi32, #tpu.memory_space<hbm>>
          %dma_wait3A_73 = tpu.memref_slice %arg3[%add3A_57] : memref<321536xi32, #tpu.memory_space<hbm>> -> memref<128xi32, #tpu.memory_space<hbm>>
          tpu.wait_dma2 semaphore(%run_scoped3A : memref<!tpu.dma_semaphore, #tpu.memory_space<semaphore_mem>>) src(%dma_wait3A_73 : memref<128xi32, #tpu.memory_space<hbm>>) dst(%arg15 : memref<128xi32, #tpu.memory_space<vmem>>)
          tpu.yield
        }) : () -> ()
        %add3A_58 = arith.constant 128 : i32
        %add3A_59 = arith.addi %add3A_57, %add3A_58 : i32
        "tpu.region"() ({
          %run_scoped3A = tpu.sem_alloc : memref<!tpu.dma_semaphore, #tpu.memory_space<semaphore_mem>>
          %dma_start3A_70 = tpu.memref_slice %arg3[%add3A_59] : memref<321536xi32, #tpu.memory_space<hbm>> -> memref<128xi32, #tpu.memory_space<hbm>>
          %dma_start3A_71 = tpu.memref_slice %arg3[%add3A_59] : memref<321536xi32, #tpu.memory_space<hbm>> -> memref<128xi32, #tpu.memory_space<hbm>>
          tpu.enqueue_dma source(%dma_start3A_71 : memref<128xi32, #tpu.memory_space<hbm>>) target(%arg16 : memref<128xi32, #tpu.memory_space<vmem>>) target_semaphore(%run_scoped3A : memref<!tpu.dma_semaphore, #tpu.memory_space<semaphore_mem>>)
          %dma_wait3A_72 = tpu.memref_slice %arg3[%add3A_59] : memref<321536xi32, #tpu.memory_space<hbm>> -> memref<128xi32, #tpu.memory_space<hbm>>
          %dma_wait3A_73 = tpu.memref_slice %arg3[%add3A_59] : memref<321536xi32, #tpu.memory_space<hbm>> -> memref<128xi32, #tpu.memory_space<hbm>>
          tpu.wait_dma2 semaphore(%run_scoped3A : memref<!tpu.dma_semaphore, #tpu.memory_space<semaphore_mem>>) src(%dma_wait3A_73 : memref<128xi32, #tpu.memory_space<hbm>>) dst(%arg16 : memref<128xi32, #tpu.memory_space<vmem>>)
          tpu.yield
        }) : () -> ()
        %dma_start3A = arith.constant 0 : i32
        %dma_start3A_60 = arith.constant 0 : i32
        %dma_start3A_61 = tpu.memref_slice %arg19[%dma_start3A, %dma_start3A_60] : memref<10240x128xf32, #tpu.memory_space<vmem_shared>> -> memref<10240x128xf32, #tpu.memory_space<vmem_shared>>
        tpu.enqueue_indirect_dma source(%arg17 : memref<128x128xf32, #tpu.memory_space<vmem>>) target(%dma_start3A_61 : memref<10240x128xf32, #tpu.memory_space<vmem_shared>>) offsets(%arg15 : memref<128xi32, #tpu.memory_space<vmem>>) semaphore(%arg20 : memref<!tpu.dma_semaphore, #tpu.memory_space<semaphore_mem>>) {add = true}
        %dma_start3A_62 = arith.constant 0 : i32
        %dma_start3A_63 = arith.constant 0 : i32
        %dma_start3A_64 = tpu.memref_slice %arg19[%dma_start3A_62, %dma_start3A_63] : memref<10240x128xf32, #tpu.memory_space<vmem_shared>> -> memref<10240x128xf32, #tpu.memory_space<vmem_shared>>
        tpu.enqueue_indirect_dma source(%arg17 : memref<128x128xf32, #tpu.memory_space<vmem>>) target(%dma_start3A_64 : memref<10240x128xf32, #tpu.memory_space<vmem_shared>>) offsets(%arg16 : memref<128xi32, #tpu.memory_space<vmem>>) semaphore(%arg21 : memref<!tpu.dma_semaphore, #tpu.memory_space<semaphore_mem>>) {add = true}
        %dma_wait3A = arith.constant 0 : i32
        %dma_wait3A_65 = arith.constant 0 : i32
        %dma_wait3A_66 = tpu.memref_slice %arg19[%dma_wait3A, %dma_wait3A_65] : memref<10240x128xf32, #tpu.memory_space<vmem_shared>> -> memref<10240x128xf32, #tpu.memory_space<vmem_shared>>
        tpu.wait_indirect_dma semaphore(%arg20 : memref<!tpu.dma_semaphore, #tpu.memory_space<semaphore_mem>>) src(%arg17 : memref<128x128xf32, #tpu.memory_space<vmem>>) dst(%dma_wait3A_66 : memref<10240x128xf32, #tpu.memory_space<vmem_shared>>)
        %dma_wait3A_67 = arith.constant 0 : i32
        %dma_wait3A_68 = arith.constant 0 : i32
        %dma_wait3A_69 = tpu.memref_slice %arg19[%dma_wait3A_67, %dma_wait3A_68] : memref<10240x128xf32, #tpu.memory_space<vmem_shared>> -> memref<10240x128xf32, #tpu.memory_space<vmem_shared>>
        tpu.wait_indirect_dma semaphore(%arg21 : memref<!tpu.dma_semaphore, #tpu.memory_space<semaphore_mem>>) src(%arg17 : memref<128x128xf32, #tpu.memory_space<vmem>>) dst(%dma_wait3A_69 : memref<10240x128xf32, #tpu.memory_space<vmem_shared>>)
      }
      %scan3A_50 = arith.constant 78 : i32
      %add3A = arith.constant 19968 : i32
      %add3A_51 = arith.addi %mul3A_45, %add3A : i32
      "tpu.region"() ({
        %run_scoped3A = tpu.sem_alloc : memref<!tpu.dma_semaphore, #tpu.memory_space<semaphore_mem>>
        %dma_start3A = tpu.memref_slice %arg3[%add3A_51] : memref<321536xi32, #tpu.memory_space<hbm>> -> memref<128xi32, #tpu.memory_space<hbm>>
        %dma_start3A_52 = tpu.memref_slice %arg3[%add3A_51] : memref<321536xi32, #tpu.memory_space<hbm>> -> memref<128xi32, #tpu.memory_space<hbm>>
        tpu.enqueue_dma source(%dma_start3A_52 : memref<128xi32, #tpu.memory_space<hbm>>) target(%arg15 : memref<128xi32, #tpu.memory_space<vmem>>) target_semaphore(%run_scoped3A : memref<!tpu.dma_semaphore, #tpu.memory_space<semaphore_mem>>)
        %dma_wait3A = tpu.memref_slice %arg3[%add3A_51] : memref<321536xi32, #tpu.memory_space<hbm>> -> memref<128xi32, #tpu.memory_space<hbm>>
        %dma_wait3A_53 = tpu.memref_slice %arg3[%add3A_51] : memref<321536xi32, #tpu.memory_space<hbm>> -> memref<128xi32, #tpu.memory_space<hbm>>
        tpu.wait_dma2 semaphore(%run_scoped3A : memref<!tpu.dma_semaphore, #tpu.memory_space<semaphore_mem>>) src(%dma_wait3A_53 : memref<128xi32, #tpu.memory_space<hbm>>) dst(%arg15 : memref<128xi32, #tpu.memory_space<vmem>>)
        tpu.yield
      }) : () -> ()
      "tpu.region"() ({
        %run_scoped3A = tpu.sem_alloc : memref<!tpu.dma_semaphore, #tpu.memory_space<semaphore_mem>>
        %dma_start3A = arith.constant 0 : i32
        %dma_start3A_52 = arith.constant 0 : i32
        %dma_start3A_53 = tpu.memref_slice %arg19[%dma_start3A, %dma_start3A_52] : memref<10240x128xf32, #tpu.memory_space<vmem_shared>> -> memref<10240x128xf32, #tpu.memory_space<vmem_shared>>
        tpu.enqueue_indirect_dma source(%arg17 : memref<128x128xf32, #tpu.memory_space<vmem>>) target(%dma_start3A_53 : memref<10240x128xf32, #tpu.memory_space<vmem_shared>>) offsets(%arg15 : memref<128xi32, #tpu.memory_space<vmem>>) semaphore(%run_scoped3A : memref<!tpu.dma_semaphore, #tpu.memory_space<semaphore_mem>>) {add = true}
        %dma_wait3A = arith.constant 0 : i32
        %dma_wait3A_54 = arith.constant 0 : i32
        %dma_wait3A_55 = tpu.memref_slice %arg19[%dma_wait3A, %dma_wait3A_54] : memref<10240x128xf32, #tpu.memory_space<vmem_shared>> -> memref<10240x128xf32, #tpu.memory_space<vmem_shared>>
        tpu.wait_indirect_dma semaphore(%run_scoped3A : memref<!tpu.dma_semaphore, #tpu.memory_space<semaphore_mem>>) src(%arg17 : memref<128x128xf32, #tpu.memory_space<vmem>>) dst(%dma_wait3A_55 : memref<10240x128xf32, #tpu.memory_space<vmem_shared>>)
        tpu.yield
      }) : () -> ()
    } else {
    }
    %eq3A_26 = arith.constant 1 : i32
    %eq3A_27 = arith.cmpi eq, %arg0, %eq3A_26 : i32
    %convert_element_type3A_28 = arith.extui %eq3A_27 : i1 to i32
    %cond3A_29 = arith.constant 0 : i32
    %cond3A_30 = arith.cmpi ne, %convert_element_type3A_28, %cond3A_29 : i32
    scf.if %cond3A_30 {
      %mul3A_42 = arith.constant 157 : i32
      %mul3A_43 = arith.muli %arg1, %mul3A_42 : i32
      %mul3A_44 = arith.constant 128 : i32
      %mul3A_45 = arith.muli %mul3A_43, %mul3A_44 : i32
      %scan3A = arith.constant 0 : i32
      %scan3A_46 = arith.constant 0 : i32
      %scan3A_47 = arith.constant 78 : i32
      %scan3A_48 = arith.addi %scan3A_46, %scan3A_47 : i32
      %scan3A_49 = arith.constant 1 : i32
      scf.for %scan3A_52 = %scan3A_46 to %scan3A_48 step %scan3A_49  : i32 {
        %mul3A_53 = arith.constant 2 : i32
        %mul3A_54 = arith.muli %mul3A_53, %scan3A_52 : i32
        %mul3A_55 = arith.constant 128 : i32
        %mul3A_56 = arith.muli %mul3A_54, %mul3A_55 : i32
        %add3A_57 = arith.addi %mul3A_45, %mul3A_56 : i32
        "tpu.region"() ({
          %run_scoped3A = tpu.sem_alloc : memref<!tpu.dma_semaphore, #tpu.memory_space<semaphore_mem>>
          %dma_start3A_70 = tpu.memref_slice %arg5[%add3A_57] : memref<321536xi32, #tpu.memory_space<hbm>> -> memref<128xi32, #tpu.memory_space<hbm>>
          %dma_start3A_71 = tpu.memref_slice %arg5[%add3A_57] : memref<321536xi32, #tpu.memory_space<hbm>> -> memref<128xi32, #tpu.memory_space<hbm>>
          tpu.enqueue_dma source(%dma_start3A_71 : memref<128xi32, #tpu.memory_space<hbm>>) target(%arg15 : memref<128xi32, #tpu.memory_space<vmem>>) target_semaphore(%run_scoped3A : memref<!tpu.dma_semaphore, #tpu.memory_space<semaphore_mem>>)
          %dma_wait3A_72 = tpu.memref_slice %arg5[%add3A_57] : memref<321536xi32, #tpu.memory_space<hbm>> -> memref<128xi32, #tpu.memory_space<hbm>>
          %dma_wait3A_73 = tpu.memref_slice %arg5[%add3A_57] : memref<321536xi32, #tpu.memory_space<hbm>> -> memref<128xi32, #tpu.memory_space<hbm>>
          tpu.wait_dma2 semaphore(%run_scoped3A : memref<!tpu.dma_semaphore, #tpu.memory_space<semaphore_mem>>) src(%dma_wait3A_73 : memref<128xi32, #tpu.memory_space<hbm>>) dst(%arg15 : memref<128xi32, #tpu.memory_space<vmem>>)
          tpu.yield
        }) : () -> ()
        %add3A_58 = arith.constant 128 : i32
        %add3A_59 = arith.addi %add3A_57, %add3A_58 : i32
        "tpu.region"() ({
          %run_scoped3A = tpu.sem_alloc : memref<!tpu.dma_semaphore, #tpu.memory_space<semaphore_mem>>
          %dma_start3A_70 = tpu.memref_slice %arg5[%add3A_59] : memref<321536xi32, #tpu.memory_space<hbm>> -> memref<128xi32, #tpu.memory_space<hbm>>
          %dma_start3A_71 = tpu.memref_slice %arg5[%add3A_59] : memref<321536xi32, #tpu.memory_space<hbm>> -> memref<128xi32, #tpu.memory_space<hbm>>
          tpu.enqueue_dma source(%dma_start3A_71 : memref<128xi32, #tpu.memory_space<hbm>>) target(%arg16 : memref<128xi32, #tpu.memory_space<vmem>>) target_semaphore(%run_scoped3A : memref<!tpu.dma_semaphore, #tpu.memory_space<semaphore_mem>>)
          %dma_wait3A_72 = tpu.memref_slice %arg5[%add3A_59] : memref<321536xi32, #tpu.memory_space<hbm>> -> memref<128xi32, #tpu.memory_space<hbm>>
          %dma_wait3A_73 = tpu.memref_slice %arg5[%add3A_59] : memref<321536xi32, #tpu.memory_space<hbm>> -> memref<128xi32, #tpu.memory_space<hbm>>
          tpu.wait_dma2 semaphore(%run_scoped3A : memref<!tpu.dma_semaphore, #tpu.memory_space<semaphore_mem>>) src(%dma_wait3A_73 : memref<128xi32, #tpu.memory_space<hbm>>) dst(%arg16 : memref<128xi32, #tpu.memory_space<vmem>>)
          tpu.yield
        }) : () -> ()
        %dma_start3A = arith.constant 0 : i32
        %dma_start3A_60 = arith.constant 0 : i32
        %dma_start3A_61 = tpu.memref_slice %arg19[%dma_start3A, %dma_start3A_60] : memref<10240x128xf32, #tpu.memory_space<vmem_shared>> -> memref<10240x128xf32, #tpu.memory_space<vmem_shared>>
        tpu.enqueue_indirect_dma source(%arg17 : memref<128x128xf32, #tpu.memory_space<vmem>>) target(%dma_start3A_61 : memref<10240x128xf32, #tpu.memory_space<vmem_shared>>) offsets(%arg15 : memref<128xi32, #tpu.memory_space<vmem>>) semaphore(%arg20 : memref<!tpu.dma_semaphore, #tpu.memory_space<semaphore_mem>>) {add = true}
        %dma_start3A_62 = arith.constant 0 : i32
        %dma_start3A_63 = arith.constant 0 : i32
        %dma_start3A_64 = tpu.memref_slice %arg19[%dma_start3A_62, %dma_start3A_63] : memref<10240x128xf32, #tpu.memory_space<vmem_shared>> -> memref<10240x128xf32, #tpu.memory_space<vmem_shared>>
        tpu.enqueue_indirect_dma source(%arg17 : memref<128x128xf32, #tpu.memory_space<vmem>>) target(%dma_start3A_64 : memref<10240x128xf32, #tpu.memory_space<vmem_shared>>) offsets(%arg16 : memref<128xi32, #tpu.memory_space<vmem>>) semaphore(%arg21 : memref<!tpu.dma_semaphore, #tpu.memory_space<semaphore_mem>>) {add = true}
        %dma_wait3A = arith.constant 0 : i32
        %dma_wait3A_65 = arith.constant 0 : i32
        %dma_wait3A_66 = tpu.memref_slice %arg19[%dma_wait3A, %dma_wait3A_65] : memref<10240x128xf32, #tpu.memory_space<vmem_shared>> -> memref<10240x128xf32, #tpu.memory_space<vmem_shared>>
        tpu.wait_indirect_dma semaphore(%arg20 : memref<!tpu.dma_semaphore, #tpu.memory_space<semaphore_mem>>) src(%arg17 : memref<128x128xf32, #tpu.memory_space<vmem>>) dst(%dma_wait3A_66 : memref<10240x128xf32, #tpu.memory_space<vmem_shared>>)
        %dma_wait3A_67 = arith.constant 0 : i32
        %dma_wait3A_68 = arith.constant 0 : i32
        %dma_wait3A_69 = tpu.memref_slice %arg19[%dma_wait3A_67, %dma_wait3A_68] : memref<10240x128xf32, #tpu.memory_space<vmem_shared>> -> memref<10240x128xf32, #tpu.memory_space<vmem_shared>>
        tpu.wait_indirect_dma semaphore(%arg21 : memref<!tpu.dma_semaphore, #tpu.memory_space<semaphore_mem>>) src(%arg17 : memref<128x128xf32, #tpu.memory_space<vmem>>) dst(%dma_wait3A_69 : memref<10240x128xf32, #tpu.memory_space<vmem_shared>>)
      }
      %scan3A_50 = arith.constant 78 : i32
      %add3A = arith.constant 19968 : i32
      %add3A_51 = arith.addi %mul3A_45, %add3A : i32
      "tpu.region"() ({
        %run_scoped3A = tpu.sem_alloc : memref<!tpu.dma_semaphore, #tpu.memory_space<semaphore_mem>>
        %dma_start3A = tpu.memref_slice %arg5[%add3A_51] : memref<321536xi32, #tpu.memory_space<hbm>> -> memref<128xi32, #tpu.memory_space<hbm>>
        %dma_start3A_52 = tpu.memref_slice %arg5[%add3A_51] : memref<321536xi32, #tpu.memory_space<hbm>> -> memref<128xi32, #tpu.memory_space<hbm>>
        tpu.enqueue_dma source(%dma_start3A_52 : memref<128xi32, #tpu.memory_space<hbm>>) target(%arg15 : memref<128xi32, #tpu.memory_space<vmem>>) target_semaphore(%run_scoped3A : memref<!tpu.dma_semaphore, #tpu.memory_space<semaphore_mem>>)
        %dma_wait3A = tpu.memref_slice %arg5[%add3A_51] : memref<321536xi32, #tpu.memory_space<hbm>> -> memref<128xi32, #tpu.memory_space<hbm>>
        %dma_wait3A_53 = tpu.memref_slice %arg5[%add3A_51] : memref<321536xi32, #tpu.memory_space<hbm>> -> memref<128xi32, #tpu.memory_space<hbm>>
        tpu.wait_dma2 semaphore(%run_scoped3A : memref<!tpu.dma_semaphore, #tpu.memory_space<semaphore_mem>>) src(%dma_wait3A_53 : memref<128xi32, #tpu.memory_space<hbm>>) dst(%arg15 : memref<128xi32, #tpu.memory_space<vmem>>)
        tpu.yield
      }) : () -> ()
      "tpu.region"() ({
        %run_scoped3A = tpu.sem_alloc : memref<!tpu.dma_semaphore, #tpu.memory_space<semaphore_mem>>
        %dma_start3A = arith.constant 0 : i32
        %dma_start3A_52 = arith.constant 0 : i32
        %dma_start3A_53 = tpu.memref_slice %arg19[%dma_start3A, %dma_start3A_52] : memref<10240x128xf32, #tpu.memory_space<vmem_shared>> -> memref<10240x128xf32, #tpu.memory_space<vmem_shared>>
        tpu.enqueue_indirect_dma source(%arg17 : memref<128x128xf32, #tpu.memory_space<vmem>>) target(%dma_start3A_53 : memref<10240x128xf32, #tpu.memory_space<vmem_shared>>) offsets(%arg15 : memref<128xi32, #tpu.memory_space<vmem>>) semaphore(%run_scoped3A : memref<!tpu.dma_semaphore, #tpu.memory_space<semaphore_mem>>) {add = true}
        %dma_wait3A = arith.constant 0 : i32
        %dma_wait3A_54 = arith.constant 0 : i32
        %dma_wait3A_55 = tpu.memref_slice %arg19[%dma_wait3A, %dma_wait3A_54] : memref<10240x128xf32, #tpu.memory_space<vmem_shared>> -> memref<10240x128xf32, #tpu.memory_space<vmem_shared>>
        tpu.wait_indirect_dma semaphore(%run_scoped3A : memref<!tpu.dma_semaphore, #tpu.memory_space<semaphore_mem>>) src(%arg17 : memref<128x128xf32, #tpu.memory_space<vmem>>) dst(%dma_wait3A_55 : memref<10240x128xf32, #tpu.memory_space<vmem_shared>>)
        tpu.yield
      }) : () -> ()
    } else {
    }
    %barrier3A_31 = arith.constant 0 : index
    tpu.barrier barrier_id(%barrier3A_31)
    %eq3A_32 = arith.constant 0 : i32
    %eq3A_33 = arith.cmpi eq, %arg0, %eq3A_32 : i32
    %convert_element_type3A_34 = arith.extui %eq3A_33 : i1 to i32
    %cond3A_35 = arith.constant 0 : i32
    %cond3A_36 = arith.cmpi ne, %convert_element_type3A_34, %cond3A_35 : i32
    scf.if %cond3A_36 {
      "tpu.region"() ({
        %run_scoped3A = tpu.sem_alloc : memref<!tpu.dma_semaphore, #tpu.memory_space<semaphore_mem>>
        %dma_start3A = arith.constant 0 : i32
        %dma_start3A_42 = tpu.memref_slice %arg12[%mul3A_0, %dma_start3A] : memref<10240x128xf32, #tpu.memory_space<hbm>> -> memref<640x128xf32, #tpu.memory_space<hbm>>
        %dma_start3A_43 = arith.constant 0 : i32
        %dma_start3A_44 = tpu.memref_slice %arg19[%mul3A_0, %dma_start3A_43] : memref<10240x128xf32, #tpu.memory_space<vmem_shared>> -> memref<640x128xf32, #tpu.memory_space<vmem_shared>>
        tpu.enqueue_dma source(%dma_start3A_44 : memref<640x128xf32, #tpu.memory_space<vmem_shared>>) target(%dma_start3A_42 : memref<640x128xf32, #tpu.memory_space<hbm>>) target_semaphore(%run_scoped3A : memref<!tpu.dma_semaphore, #tpu.memory_space<semaphore_mem>>)
        %dma_wait3A = arith.constant 0 : i32
        %dma_wait3A_45 = tpu.memref_slice %arg12[%mul3A_0, %dma_wait3A] : memref<10240x128xf32, #tpu.memory_space<hbm>> -> memref<640x128xf32, #tpu.memory_space<hbm>>
        %dma_wait3A_46 = arith.constant 0 : i32
        %dma_wait3A_47 = tpu.memref_slice %arg19[%mul3A_0, %dma_wait3A_46] : memref<10240x128xf32, #tpu.memory_space<vmem_shared>> -> memref<640x128xf32, #tpu.memory_space<vmem_shared>>
        tpu.wait_dma2 semaphore(%run_scoped3A : memref<!tpu.dma_semaphore, #tpu.memory_space<semaphore_mem>>) src(%dma_wait3A_47 : memref<640x128xf32, #tpu.memory_space<vmem_shared>>) dst(%dma_wait3A_45 : memref<640x128xf32, #tpu.memory_space<hbm>>)
        tpu.yield
      }) : () -> ()
    } else {
    }
    %eq3A_37 = arith.constant 1 : i32
    %eq3A_38 = arith.cmpi eq, %arg0, %eq3A_37 : i32
    %convert_element_type3A_39 = arith.extui %eq3A_38 : i1 to i32
    %cond3A_40 = arith.constant 0 : i32
    %cond3A_41 = arith.cmpi ne, %convert_element_type3A_39, %cond3A_40 : i32
    scf.if %cond3A_41 {
      "tpu.region"() ({
        %run_scoped3A = tpu.sem_alloc : memref<!tpu.dma_semaphore, #tpu.memory_space<semaphore_mem>>
        %dma_start3A = arith.constant 0 : i32
        %dma_start3A_42 = tpu.memref_slice %arg13[%mul3A_0, %dma_start3A] : memref<10240x128xf32, #tpu.memory_space<hbm>> -> memref<640x128xf32, #tpu.memory_space<hbm>>
        %dma_start3A_43 = arith.constant 0 : i32
        %dma_start3A_44 = tpu.memref_slice %arg19[%mul3A_0, %dma_start3A_43] : memref<10240x128xf32, #tpu.memory_space<vmem_shared>> -> memref<640x128xf32, #tpu.memory_space<vmem_shared>>
        tpu.enqueue_dma source(%dma_start3A_44 : memref<640x128xf32, #tpu.memory_space<vmem_shared>>) target(%dma_start3A_42 : memref<640x128xf32, #tpu.memory_space<hbm>>) target_semaphore(%run_scoped3A : memref<!tpu.dma_semaphore, #tpu.memory_space<semaphore_mem>>)
        %dma_wait3A = arith.constant 0 : i32
        %dma_wait3A_45 = tpu.memref_slice %arg13[%mul3A_0, %dma_wait3A] : memref<10240x128xf32, #tpu.memory_space<hbm>> -> memref<640x128xf32, #tpu.memory_space<hbm>>
        %dma_wait3A_46 = arith.constant 0 : i32
        %dma_wait3A_47 = tpu.memref_slice %arg19[%mul3A_0, %dma_wait3A_46] : memref<10240x128xf32, #tpu.memory_space<vmem_shared>> -> memref<640x128xf32, #tpu.memory_space<vmem_shared>>
        tpu.wait_dma2 semaphore(%run_scoped3A : memref<!tpu.dma_semaphore, #tpu.memory_space<semaphore_mem>>) src(%dma_wait3A_47 : memref<640x128xf32, #tpu.memory_space<vmem_shared>>) dst(%dma_wait3A_45 : memref<640x128xf32, #tpu.memory_space<hbm>>)
        tpu.yield
      }) : () -> ()
    } else {
    }
    return
  }
}

#map = affine_map<(d0, d1) -> (0)>
#map1 = affine_map<(d0, d1) -> (0, 0)>
module attributes {stable_mosaic.version = 14 : i64} {
  func.func @agg(%arg0: i32, %arg1: i32, %arg2: memref<321536xi32, #tpu.memory_space<hbm>>, %arg3: memref<321536xi32, #tpu.memory_space<hbm>>, %arg4: memref<321536xi32, #tpu.memory_space<hbm>>, %arg5: memref<321536xi32, #tpu.memory_space<hbm>>, %arg6: memref<10240x128xf32, #tpu.memory_space<hbm>>, %arg7: memref<10240x128xf32, #tpu.memory_space<hbm>>, %arg8: memref<10240x128xf32, #tpu.memory_space<hbm>>, %arg9: memref<128x128xf32, #tpu.memory_space<hbm>>, %arg10: memref<10240x128xf32, #tpu.memory_space<hbm>>, %arg11: memref<10240x128xf32, #tpu.memory_space<hbm>>, %arg12: memref<256xi32, #tpu.memory_space<vmem>>, %arg13: memref<128xi32, #tpu.memory_space<vmem>>, %arg14: memref<128xi32, #tpu.memory_space<vmem>>, %arg15: memref<128x128xf32, #tpu.memory_space<vmem>>, %arg16: memref<128x128xf32, #tpu.memory_space<vmem>>, %arg17: memref<10240x128xf32, #tpu.memory_space<vmem_shared>>, %arg18: memref<!tpu.dma_semaphore, #tpu.memory_space<semaphore_mem>>, %arg19: memref<!tpu.dma_semaphore, #tpu.memory_space<semaphore_mem>>) attributes {dimension_semantics = [#tpu.dimension_semantics<core_parallel>, #tpu.dimension_semantics<subcore_parallel>], iteration_bounds = array<i64: 2, 16>, scalar_prefetch = 0 : i64, scratch_operands = 8 : i64, tpu.core_type = #tpu.core_type<sc_vector_subcore>, window_params = [{transform_indices = #map}, {transform_indices = #map}, {transform_indices = #map}, {transform_indices = #map}, {transform_indices = #map1}, {transform_indices = #map1}, {transform_indices = #map1}, {transform_indices = #map1}, {transform_indices = #map1}, {transform_indices = #map1}]} {
    %mul3A = arith.constant 640 : i32
    %mul3A_0 = arith.muli %arg1, %mul3A : i32
    "tpu.region"() ({
      %run_scoped3A = tpu.sem_alloc : memref<!tpu.dma_semaphore, #tpu.memory_space<semaphore_mem>>
      %dma_start3A = arith.constant 0 : i32
      %dma_start3A_19 = tpu.memref_slice %arg17[%mul3A_0, %dma_start3A] : memref<10240x128xf32, #tpu.memory_space<vmem_shared>> -> memref<640x128xf32, #tpu.memory_space<vmem_shared>>
      %dma_start3A_20 = arith.constant 0 : i32
      %dma_start3A_21 = tpu.memref_slice %arg8[%mul3A_0, %dma_start3A_20] : memref<10240x128xf32, #tpu.memory_space<hbm>> -> memref<640x128xf32, #tpu.memory_space<hbm>>
      tpu.enqueue_dma source(%dma_start3A_21 : memref<640x128xf32, #tpu.memory_space<hbm>>) target(%dma_start3A_19 : memref<640x128xf32, #tpu.memory_space<vmem_shared>>) target_semaphore(%run_scoped3A : memref<!tpu.dma_semaphore, #tpu.memory_space<semaphore_mem>>)
      %dma_wait3A = arith.constant 0 : i32
      %dma_wait3A_22 = tpu.memref_slice %arg17[%mul3A_0, %dma_wait3A] : memref<10240x128xf32, #tpu.memory_space<vmem_shared>> -> memref<640x128xf32, #tpu.memory_space<vmem_shared>>
      %dma_wait3A_23 = arith.constant 0 : i32
      %dma_wait3A_24 = tpu.memref_slice %arg8[%mul3A_0, %dma_wait3A_23] : memref<10240x128xf32, #tpu.memory_space<hbm>> -> memref<640x128xf32, #tpu.memory_space<hbm>>
      tpu.wait_dma2 semaphore(%run_scoped3A : memref<!tpu.dma_semaphore, #tpu.memory_space<semaphore_mem>>) src(%dma_wait3A_24 : memref<640x128xf32, #tpu.memory_space<hbm>>) dst(%dma_wait3A_22 : memref<640x128xf32, #tpu.memory_space<vmem_shared>>)
      tpu.yield
    }) : () -> ()
    %barrier3A = arith.constant 0 : index
    tpu.barrier barrier_id(%barrier3A)
    %eq3A = arith.constant 0 : i32
    %eq3A_1 = arith.cmpi eq, %arg0, %eq3A : i32
    %convert_element_type3A = arith.extui %eq3A_1 : i1 to i32
    %cond3A = arith.constant 0 : i32
    %cond3A_2 = arith.cmpi ne, %convert_element_type3A, %cond3A : i32
    scf.if %cond3A_2 {
      %mul3A_19 = arith.constant 157 : i32
      %mul3A_20 = arith.muli %arg1, %mul3A_19 : i32
      %mul3A_21 = arith.constant 128 : i32
      %mul3A_22 = arith.muli %mul3A_20, %mul3A_21 : i32
      %scan3A = arith.constant 0 : i32
      %scan3A_23 = arith.constant 0 : i32
      %scan3A_24 = arith.constant 78 : i32
      %scan3A_25 = arith.addi %scan3A_23, %scan3A_24 : i32
      %scan3A_26 = arith.constant 1 : i32
      scf.for %scan3A_37 = %scan3A_23 to %scan3A_25 step %scan3A_26  : i32 {
        %mul3A_38 = arith.constant 2 : i32
        %mul3A_39 = arith.muli %mul3A_38, %scan3A_37 : i32
        %mul3A_40 = arith.constant 128 : i32
        %mul3A_41 = arith.muli %mul3A_39, %mul3A_40 : i32
        %add3A_42 = arith.addi %mul3A_22, %mul3A_41 : i32
        "tpu.region"() ({
          %run_scoped3A = tpu.sem_alloc : memref<!tpu.dma_semaphore, #tpu.memory_space<semaphore_mem>>
          %dma_start3A_77 = tpu.memref_slice %arg2[%add3A_42] : memref<321536xi32, #tpu.memory_space<hbm>> -> memref<256xi32, #tpu.memory_space<hbm>>
          %dma_start3A_78 = tpu.memref_slice %arg2[%add3A_42] : memref<321536xi32, #tpu.memory_space<hbm>> -> memref<256xi32, #tpu.memory_space<hbm>>
          tpu.enqueue_dma source(%dma_start3A_78 : memref<256xi32, #tpu.memory_space<hbm>>) target(%arg12 : memref<256xi32, #tpu.memory_space<vmem>>) target_semaphore(%run_scoped3A : memref<!tpu.dma_semaphore, #tpu.memory_space<semaphore_mem>>)
          %dma_wait3A_79 = tpu.memref_slice %arg2[%add3A_42] : memref<321536xi32, #tpu.memory_space<hbm>> -> memref<256xi32, #tpu.memory_space<hbm>>
          %dma_wait3A_80 = tpu.memref_slice %arg2[%add3A_42] : memref<321536xi32, #tpu.memory_space<hbm>> -> memref<256xi32, #tpu.memory_space<hbm>>
          tpu.wait_dma2 semaphore(%run_scoped3A : memref<!tpu.dma_semaphore, #tpu.memory_space<semaphore_mem>>) src(%dma_wait3A_80 : memref<256xi32, #tpu.memory_space<hbm>>) dst(%arg12 : memref<256xi32, #tpu.memory_space<vmem>>)
          tpu.yield
        }) : () -> ()
        "tpu.region"() ({
          %run_scoped3A = tpu.sem_alloc : memref<!tpu.dma_semaphore, #tpu.memory_space<semaphore_mem>>
          %dma_start3A_77 = tpu.memref_slice %arg3[%add3A_42] : memref<321536xi32, #tpu.memory_space<hbm>> -> memref<128xi32, #tpu.memory_space<hbm>>
          %dma_start3A_78 = tpu.memref_slice %arg3[%add3A_42] : memref<321536xi32, #tpu.memory_space<hbm>> -> memref<128xi32, #tpu.memory_space<hbm>>
          tpu.enqueue_dma source(%dma_start3A_78 : memref<128xi32, #tpu.memory_space<hbm>>) target(%arg13 : memref<128xi32, #tpu.memory_space<vmem>>) target_semaphore(%run_scoped3A : memref<!tpu.dma_semaphore, #tpu.memory_space<semaphore_mem>>)
          %dma_wait3A_79 = tpu.memref_slice %arg3[%add3A_42] : memref<321536xi32, #tpu.memory_space<hbm>> -> memref<128xi32, #tpu.memory_space<hbm>>
          %dma_wait3A_80 = tpu.memref_slice %arg3[%add3A_42] : memref<321536xi32, #tpu.memory_space<hbm>> -> memref<128xi32, #tpu.memory_space<hbm>>
          tpu.wait_dma2 semaphore(%run_scoped3A : memref<!tpu.dma_semaphore, #tpu.memory_space<semaphore_mem>>) src(%dma_wait3A_80 : memref<128xi32, #tpu.memory_space<hbm>>) dst(%arg13 : memref<128xi32, #tpu.memory_space<vmem>>)
          tpu.yield
        }) : () -> ()
        %add3A_43 = arith.constant 128 : i32
        %add3A_44 = arith.addi %add3A_42, %add3A_43 : i32
        "tpu.region"() ({
          %run_scoped3A = tpu.sem_alloc : memref<!tpu.dma_semaphore, #tpu.memory_space<semaphore_mem>>
          %dma_start3A_77 = tpu.memref_slice %arg3[%add3A_44] : memref<321536xi32, #tpu.memory_space<hbm>> -> memref<128xi32, #tpu.memory_space<hbm>>
          %dma_start3A_78 = tpu.memref_slice %arg3[%add3A_44] : memref<321536xi32, #tpu.memory_space<hbm>> -> memref<128xi32, #tpu.memory_space<hbm>>
          tpu.enqueue_dma source(%dma_start3A_78 : memref<128xi32, #tpu.memory_space<hbm>>) target(%arg14 : memref<128xi32, #tpu.memory_space<vmem>>) target_semaphore(%run_scoped3A : memref<!tpu.dma_semaphore, #tpu.memory_space<semaphore_mem>>)
          %dma_wait3A_79 = tpu.memref_slice %arg3[%add3A_44] : memref<321536xi32, #tpu.memory_space<hbm>> -> memref<128xi32, #tpu.memory_space<hbm>>
          %dma_wait3A_80 = tpu.memref_slice %arg3[%add3A_44] : memref<321536xi32, #tpu.memory_space<hbm>> -> memref<128xi32, #tpu.memory_space<hbm>>
          tpu.wait_dma2 semaphore(%run_scoped3A : memref<!tpu.dma_semaphore, #tpu.memory_space<semaphore_mem>>) src(%dma_wait3A_80 : memref<128xi32, #tpu.memory_space<hbm>>) dst(%arg14 : memref<128xi32, #tpu.memory_space<vmem>>)
          tpu.yield
        }) : () -> ()
        %dma_start3A_45 = arith.constant 0 : i32
        %dma_start3A_46 = tpu.memref_slice %arg12[%dma_start3A_45] : memref<256xi32, #tpu.memory_space<vmem>> -> memref<128xi32, #tpu.memory_space<vmem>>
        %dma_start3A_47 = arith.constant 0 : i32
        %dma_start3A_48 = arith.constant 0 : i32
        %dma_start3A_49 = tpu.memref_slice %arg6[%dma_start3A_47, %dma_start3A_48] : memref<10240x128xf32, #tpu.memory_space<hbm>> -> memref<10240x128xf32, #tpu.memory_space<hbm>>
        tpu.enqueue_indirect_dma source(%dma_start3A_49 : memref<10240x128xf32, #tpu.memory_space<hbm>>) target(%arg15 : memref<128x128xf32, #tpu.memory_space<vmem>>) offsets(%dma_start3A_46 : memref<128xi32, #tpu.memory_space<vmem>>) semaphore(%arg18 : memref<!tpu.dma_semaphore, #tpu.memory_space<semaphore_mem>>)
        %dma_start3A_50 = arith.constant 128 : i32
        %dma_start3A_51 = tpu.memref_slice %arg12[%dma_start3A_50] : memref<256xi32, #tpu.memory_space<vmem>> -> memref<128xi32, #tpu.memory_space<vmem>>
        %dma_start3A_52 = arith.constant 0 : i32
        %dma_start3A_53 = arith.constant 0 : i32
        %dma_start3A_54 = tpu.memref_slice %arg6[%dma_start3A_52, %dma_start3A_53] : memref<10240x128xf32, #tpu.memory_space<hbm>> -> memref<10240x128xf32, #tpu.memory_space<hbm>>
        tpu.enqueue_indirect_dma source(%dma_start3A_54 : memref<10240x128xf32, #tpu.memory_space<hbm>>) target(%arg16 : memref<128x128xf32, #tpu.memory_space<vmem>>) offsets(%dma_start3A_51 : memref<128xi32, #tpu.memory_space<vmem>>) semaphore(%arg19 : memref<!tpu.dma_semaphore, #tpu.memory_space<semaphore_mem>>)
        %dma_wait3A_55 = arith.constant 0 : i32
        %dma_wait3A_56 = tpu.memref_slice %arg12[%dma_wait3A_55] : memref<256xi32, #tpu.memory_space<vmem>> -> memref<128xi32, #tpu.memory_space<vmem>>
        %dma_wait3A_57 = arith.constant 0 : i32
        %dma_wait3A_58 = arith.constant 0 : i32
        %dma_wait3A_59 = tpu.memref_slice %arg6[%dma_wait3A_57, %dma_wait3A_58] : memref<10240x128xf32, #tpu.memory_space<hbm>> -> memref<10240x128xf32, #tpu.memory_space<hbm>>
        tpu.wait_indirect_dma semaphore(%arg18 : memref<!tpu.dma_semaphore, #tpu.memory_space<semaphore_mem>>) src(%dma_wait3A_59 : memref<10240x128xf32, #tpu.memory_space<hbm>>) dst(%arg15 : memref<128x128xf32, #tpu.memory_space<vmem>>)
        %dma_start3A_60 = arith.constant 0 : i32
        %dma_start3A_61 = arith.constant 0 : i32
        %dma_start3A_62 = tpu.memref_slice %arg17[%dma_start3A_60, %dma_start3A_61] : memref<10240x128xf32, #tpu.memory_space<vmem_shared>> -> memref<10240x128xf32, #tpu.memory_space<vmem_shared>>
        tpu.enqueue_indirect_dma source(%arg15 : memref<128x128xf32, #tpu.memory_space<vmem>>) target(%dma_start3A_62 : memref<10240x128xf32, #tpu.memory_space<vmem_shared>>) offsets(%arg13 : memref<128xi32, #tpu.memory_space<vmem>>) semaphore(%arg18 : memref<!tpu.dma_semaphore, #tpu.memory_space<semaphore_mem>>) {add = true}
        %dma_wait3A_63 = arith.constant 128 : i32
        %dma_wait3A_64 = tpu.memref_slice %arg12[%dma_wait3A_63] : memref<256xi32, #tpu.memory_space<vmem>> -> memref<128xi32, #tpu.memory_space<vmem>>
        %dma_wait3A_65 = arith.constant 0 : i32
        %dma_wait3A_66 = arith.constant 0 : i32
        %dma_wait3A_67 = tpu.memref_slice %arg6[%dma_wait3A_65, %dma_wait3A_66] : memref<10240x128xf32, #tpu.memory_space<hbm>> -> memref<10240x128xf32, #tpu.memory_space<hbm>>
        tpu.wait_indirect_dma semaphore(%arg19 : memref<!tpu.dma_semaphore, #tpu.memory_space<semaphore_mem>>) src(%dma_wait3A_67 : memref<10240x128xf32, #tpu.memory_space<hbm>>) dst(%arg16 : memref<128x128xf32, #tpu.memory_space<vmem>>)
        %dma_start3A_68 = arith.constant 0 : i32
        %dma_start3A_69 = arith.constant 0 : i32
        %dma_start3A_70 = tpu.memref_slice %arg17[%dma_start3A_68, %dma_start3A_69] : memref<10240x128xf32, #tpu.memory_space<vmem_shared>> -> memref<10240x128xf32, #tpu.memory_space<vmem_shared>>
        tpu.enqueue_indirect_dma source(%arg16 : memref<128x128xf32, #tpu.memory_space<vmem>>) target(%dma_start3A_70 : memref<10240x128xf32, #tpu.memory_space<vmem_shared>>) offsets(%arg14 : memref<128xi32, #tpu.memory_space<vmem>>) semaphore(%arg19 : memref<!tpu.dma_semaphore, #tpu.memory_space<semaphore_mem>>) {add = true}
        %dma_wait3A_71 = arith.constant 0 : i32
        %dma_wait3A_72 = arith.constant 0 : i32
        %dma_wait3A_73 = tpu.memref_slice %arg17[%dma_wait3A_71, %dma_wait3A_72] : memref<10240x128xf32, #tpu.memory_space<vmem_shared>> -> memref<10240x128xf32, #tpu.memory_space<vmem_shared>>
        tpu.wait_indirect_dma semaphore(%arg18 : memref<!tpu.dma_semaphore, #tpu.memory_space<semaphore_mem>>) src(%arg15 : memref<128x128xf32, #tpu.memory_space<vmem>>) dst(%dma_wait3A_73 : memref<10240x128xf32, #tpu.memory_space<vmem_shared>>)
        %dma_wait3A_74 = arith.constant 0 : i32
        %dma_wait3A_75 = arith.constant 0 : i32
        %dma_wait3A_76 = tpu.memref_slice %arg17[%dma_wait3A_74, %dma_wait3A_75] : memref<10240x128xf32, #tpu.memory_space<vmem_shared>> -> memref<10240x128xf32, #tpu.memory_space<vmem_shared>>
        tpu.wait_indirect_dma semaphore(%arg19 : memref<!tpu.dma_semaphore, #tpu.memory_space<semaphore_mem>>) src(%arg16 : memref<128x128xf32, #tpu.memory_space<vmem>>) dst(%dma_wait3A_76 : memref<10240x128xf32, #tpu.memory_space<vmem_shared>>)
      }
      %scan3A_27 = arith.constant 78 : i32
      %add3A = arith.constant 19968 : i32
      %add3A_28 = arith.addi %mul3A_22, %add3A : i32
      "tpu.region"() ({
        %run_scoped3A = tpu.sem_alloc : memref<!tpu.dma_semaphore, #tpu.memory_space<semaphore_mem>>
        %dma_start3A_37 = arith.constant 0 : i32
        %dma_start3A_38 = tpu.memref_slice %arg12[%dma_start3A_37] : memref<256xi32, #tpu.memory_space<vmem>> -> memref<128xi32, #tpu.memory_space<vmem>>
        %dma_start3A_39 = tpu.memref_slice %arg2[%add3A_28] : memref<321536xi32, #tpu.memory_space<hbm>> -> memref<128xi32, #tpu.memory_space<hbm>>
        %dma_start3A_40 = arith.constant 0 : i32
        %dma_start3A_41 = tpu.memref_slice %arg12[%dma_start3A_40] : memref<256xi32, #tpu.memory_space<vmem>> -> memref<128xi32, #tpu.memory_space<vmem>>
        %dma_start3A_42 = tpu.memref_slice %arg2[%add3A_28] : memref<321536xi32, #tpu.memory_space<hbm>> -> memref<128xi32, #tpu.memory_space<hbm>>
        tpu.enqueue_dma source(%dma_start3A_42 : memref<128xi32, #tpu.memory_space<hbm>>) target(%dma_start3A_41 : memref<128xi32, #tpu.memory_space<vmem>>) target_semaphore(%run_scoped3A : memref<!tpu.dma_semaphore, #tpu.memory_space<semaphore_mem>>)
        %dma_wait3A_43 = arith.constant 0 : i32
        %dma_wait3A_44 = tpu.memref_slice %arg12[%dma_wait3A_43] : memref<256xi32, #tpu.memory_space<vmem>> -> memref<128xi32, #tpu.memory_space<vmem>>
        %dma_wait3A_45 = tpu.memref_slice %arg2[%add3A_28] : memref<321536xi32, #tpu.memory_space<hbm>> -> memref<128xi32, #tpu.memory_space<hbm>>
        %dma_wait3A_46 = arith.constant 0 : i32
        %dma_wait3A_47 = tpu.memref_slice %arg12[%dma_wait3A_46] : memref<256xi32, #tpu.memory_space<vmem>> -> memref<128xi32, #tpu.memory_space<vmem>>
        %dma_wait3A_48 = tpu.memref_slice %arg2[%add3A_28] : memref<321536xi32, #tpu.memory_space<hbm>> -> memref<128xi32, #tpu.memory_space<hbm>>
        tpu.wait_dma2 semaphore(%run_scoped3A : memref<!tpu.dma_semaphore, #tpu.memory_space<semaphore_mem>>) src(%dma_wait3A_48 : memref<128xi32, #tpu.memory_space<hbm>>) dst(%dma_wait3A_47 : memref<128xi32, #tpu.memory_space<vmem>>)
        tpu.yield
      }) : () -> ()
      "tpu.region"() ({
        %run_scoped3A = tpu.sem_alloc : memref<!tpu.dma_semaphore, #tpu.memory_space<semaphore_mem>>
        %dma_start3A_37 = tpu.memref_slice %arg3[%add3A_28] : memref<321536xi32, #tpu.memory_space<hbm>> -> memref<128xi32, #tpu.memory_space<hbm>>
        %dma_start3A_38 = tpu.memref_slice %arg3[%add3A_28] : memref<321536xi32, #tpu.memory_space<hbm>> -> memref<128xi32, #tpu.memory_space<hbm>>
        tpu.enqueue_dma source(%dma_start3A_38 : memref<128xi32, #tpu.memory_space<hbm>>) target(%arg13 : memref<128xi32, #tpu.memory_space<vmem>>) target_semaphore(%run_scoped3A : memref<!tpu.dma_semaphore, #tpu.memory_space<semaphore_mem>>)
        %dma_wait3A_39 = tpu.memref_slice %arg3[%add3A_28] : memref<321536xi32, #tpu.memory_space<hbm>> -> memref<128xi32, #tpu.memory_space<hbm>>
        %dma_wait3A_40 = tpu.memref_slice %arg3[%add3A_28] : memref<321536xi32, #tpu.memory_space<hbm>> -> memref<128xi32, #tpu.memory_space<hbm>>
        tpu.wait_dma2 semaphore(%run_scoped3A : memref<!tpu.dma_semaphore, #tpu.memory_space<semaphore_mem>>) src(%dma_wait3A_40 : memref<128xi32, #tpu.memory_space<hbm>>) dst(%arg13 : memref<128xi32, #tpu.memory_space<vmem>>)
        tpu.yield
      }) : () -> ()
      %dma_start3A = arith.constant 0 : i32
      %dma_start3A_29 = tpu.memref_slice %arg12[%dma_start3A] : memref<256xi32, #tpu.memory_space<vmem>> -> memref<128xi32, #tpu.memory_space<vmem>>
      %dma_start3A_30 = arith.constant 0 : i32
      %dma_start3A_31 = arith.constant 0 : i32
      %dma_start3A_32 = tpu.memref_slice %arg6[%dma_start3A_30, %dma_start3A_31] : memref<10240x128xf32, #tpu.memory_space<hbm>> -> memref<10240x128xf32, #tpu.memory_space<hbm>>
      tpu.enqueue_indirect_dma source(%dma_start3A_32 : memref<10240x128xf32, #tpu.memory_space<hbm>>) target(%arg15 : memref<128x128xf32, #tpu.memory_space<vmem>>) offsets(%dma_start3A_29 : memref<128xi32, #tpu.memory_space<vmem>>) semaphore(%arg18 : memref<!tpu.dma_semaphore, #tpu.memory_space<semaphore_mem>>)
      %dma_wait3A = arith.constant 0 : i32
      %dma_wait3A_33 = tpu.memref_slice %arg12[%dma_wait3A] : memref<256xi32, #tpu.memory_space<vmem>> -> memref<128xi32, #tpu.memory_space<vmem>>
      %dma_wait3A_34 = arith.constant 0 : i32
      %dma_wait3A_35 = arith.constant 0 : i32
      %dma_wait3A_36 = tpu.memref_slice %arg6[%dma_wait3A_34, %dma_wait3A_35] : memref<10240x128xf32, #tpu.memory_space<hbm>> -> memref<10240x128xf32, #tpu.memory_space<hbm>>
      tpu.wait_indirect_dma semaphore(%arg18 : memref<!tpu.dma_semaphore, #tpu.memory_space<semaphore_mem>>) src(%dma_wait3A_36 : memref<10240x128xf32, #tpu.memory_space<hbm>>) dst(%arg15 : memref<128x128xf32, #tpu.memory_space<vmem>>)
      "tpu.region"() ({
        %run_scoped3A = tpu.sem_alloc : memref<!tpu.dma_semaphore, #tpu.memory_space<semaphore_mem>>
        %dma_start3A_37 = arith.constant 0 : i32
        %dma_start3A_38 = arith.constant 0 : i32
        %dma_start3A_39 = tpu.memref_slice %arg17[%dma_start3A_37, %dma_start3A_38] : memref<10240x128xf32, #tpu.memory_space<vmem_shared>> -> memref<10240x128xf32, #tpu.memory_space<vmem_shared>>
        tpu.enqueue_indirect_dma source(%arg15 : memref<128x128xf32, #tpu.memory_space<vmem>>) target(%dma_start3A_39 : memref<10240x128xf32, #tpu.memory_space<vmem_shared>>) offsets(%arg13 : memref<128xi32, #tpu.memory_space<vmem>>) semaphore(%run_scoped3A : memref<!tpu.dma_semaphore, #tpu.memory_space<semaphore_mem>>) {add = true}
        %dma_wait3A_40 = arith.constant 0 : i32
        %dma_wait3A_41 = arith.constant 0 : i32
        %dma_wait3A_42 = tpu.memref_slice %arg17[%dma_wait3A_40, %dma_wait3A_41] : memref<10240x128xf32, #tpu.memory_space<vmem_shared>> -> memref<10240x128xf32, #tpu.memory_space<vmem_shared>>
        tpu.wait_indirect_dma semaphore(%run_scoped3A : memref<!tpu.dma_semaphore, #tpu.memory_space<semaphore_mem>>) src(%arg15 : memref<128x128xf32, #tpu.memory_space<vmem>>) dst(%dma_wait3A_42 : memref<10240x128xf32, #tpu.memory_space<vmem_shared>>)
        tpu.yield
      }) : () -> ()
    } else {
    }
    %eq3A_3 = arith.constant 1 : i32
    %eq3A_4 = arith.cmpi eq, %arg0, %eq3A_3 : i32
    %convert_element_type3A_5 = arith.extui %eq3A_4 : i1 to i32
    %cond3A_6 = arith.constant 0 : i32
    %cond3A_7 = arith.cmpi ne, %convert_element_type3A_5, %cond3A_6 : i32
    scf.if %cond3A_7 {
      %mul3A_19 = arith.constant 157 : i32
      %mul3A_20 = arith.muli %arg1, %mul3A_19 : i32
      %mul3A_21 = arith.constant 128 : i32
      %mul3A_22 = arith.muli %mul3A_20, %mul3A_21 : i32
      %scan3A = arith.constant 0 : i32
      %scan3A_23 = arith.constant 0 : i32
      %scan3A_24 = arith.constant 78 : i32
      %scan3A_25 = arith.addi %scan3A_23, %scan3A_24 : i32
      %scan3A_26 = arith.constant 1 : i32
      scf.for %scan3A_37 = %scan3A_23 to %scan3A_25 step %scan3A_26  : i32 {
        %mul3A_38 = arith.constant 2 : i32
        %mul3A_39 = arith.muli %mul3A_38, %scan3A_37 : i32
        %mul3A_40 = arith.constant 128 : i32
        %mul3A_41 = arith.muli %mul3A_39, %mul3A_40 : i32
        %add3A_42 = arith.addi %mul3A_22, %mul3A_41 : i32
        "tpu.region"() ({
          %run_scoped3A = tpu.sem_alloc : memref<!tpu.dma_semaphore, #tpu.memory_space<semaphore_mem>>
          %dma_start3A_77 = tpu.memref_slice %arg4[%add3A_42] : memref<321536xi32, #tpu.memory_space<hbm>> -> memref<256xi32, #tpu.memory_space<hbm>>
          %dma_start3A_78 = tpu.memref_slice %arg4[%add3A_42] : memref<321536xi32, #tpu.memory_space<hbm>> -> memref<256xi32, #tpu.memory_space<hbm>>
          tpu.enqueue_dma source(%dma_start3A_78 : memref<256xi32, #tpu.memory_space<hbm>>) target(%arg12 : memref<256xi32, #tpu.memory_space<vmem>>) target_semaphore(%run_scoped3A : memref<!tpu.dma_semaphore, #tpu.memory_space<semaphore_mem>>)
          %dma_wait3A_79 = tpu.memref_slice %arg4[%add3A_42] : memref<321536xi32, #tpu.memory_space<hbm>> -> memref<256xi32, #tpu.memory_space<hbm>>
          %dma_wait3A_80 = tpu.memref_slice %arg4[%add3A_42] : memref<321536xi32, #tpu.memory_space<hbm>> -> memref<256xi32, #tpu.memory_space<hbm>>
          tpu.wait_dma2 semaphore(%run_scoped3A : memref<!tpu.dma_semaphore, #tpu.memory_space<semaphore_mem>>) src(%dma_wait3A_80 : memref<256xi32, #tpu.memory_space<hbm>>) dst(%arg12 : memref<256xi32, #tpu.memory_space<vmem>>)
          tpu.yield
        }) : () -> ()
        "tpu.region"() ({
          %run_scoped3A = tpu.sem_alloc : memref<!tpu.dma_semaphore, #tpu.memory_space<semaphore_mem>>
          %dma_start3A_77 = tpu.memref_slice %arg5[%add3A_42] : memref<321536xi32, #tpu.memory_space<hbm>> -> memref<128xi32, #tpu.memory_space<hbm>>
          %dma_start3A_78 = tpu.memref_slice %arg5[%add3A_42] : memref<321536xi32, #tpu.memory_space<hbm>> -> memref<128xi32, #tpu.memory_space<hbm>>
          tpu.enqueue_dma source(%dma_start3A_78 : memref<128xi32, #tpu.memory_space<hbm>>) target(%arg13 : memref<128xi32, #tpu.memory_space<vmem>>) target_semaphore(%run_scoped3A : memref<!tpu.dma_semaphore, #tpu.memory_space<semaphore_mem>>)
          %dma_wait3A_79 = tpu.memref_slice %arg5[%add3A_42] : memref<321536xi32, #tpu.memory_space<hbm>> -> memref<128xi32, #tpu.memory_space<hbm>>
          %dma_wait3A_80 = tpu.memref_slice %arg5[%add3A_42] : memref<321536xi32, #tpu.memory_space<hbm>> -> memref<128xi32, #tpu.memory_space<hbm>>
          tpu.wait_dma2 semaphore(%run_scoped3A : memref<!tpu.dma_semaphore, #tpu.memory_space<semaphore_mem>>) src(%dma_wait3A_80 : memref<128xi32, #tpu.memory_space<hbm>>) dst(%arg13 : memref<128xi32, #tpu.memory_space<vmem>>)
          tpu.yield
        }) : () -> ()
        %add3A_43 = arith.constant 128 : i32
        %add3A_44 = arith.addi %add3A_42, %add3A_43 : i32
        "tpu.region"() ({
          %run_scoped3A = tpu.sem_alloc : memref<!tpu.dma_semaphore, #tpu.memory_space<semaphore_mem>>
          %dma_start3A_77 = tpu.memref_slice %arg5[%add3A_44] : memref<321536xi32, #tpu.memory_space<hbm>> -> memref<128xi32, #tpu.memory_space<hbm>>
          %dma_start3A_78 = tpu.memref_slice %arg5[%add3A_44] : memref<321536xi32, #tpu.memory_space<hbm>> -> memref<128xi32, #tpu.memory_space<hbm>>
          tpu.enqueue_dma source(%dma_start3A_78 : memref<128xi32, #tpu.memory_space<hbm>>) target(%arg14 : memref<128xi32, #tpu.memory_space<vmem>>) target_semaphore(%run_scoped3A : memref<!tpu.dma_semaphore, #tpu.memory_space<semaphore_mem>>)
          %dma_wait3A_79 = tpu.memref_slice %arg5[%add3A_44] : memref<321536xi32, #tpu.memory_space<hbm>> -> memref<128xi32, #tpu.memory_space<hbm>>
          %dma_wait3A_80 = tpu.memref_slice %arg5[%add3A_44] : memref<321536xi32, #tpu.memory_space<hbm>> -> memref<128xi32, #tpu.memory_space<hbm>>
          tpu.wait_dma2 semaphore(%run_scoped3A : memref<!tpu.dma_semaphore, #tpu.memory_space<semaphore_mem>>) src(%dma_wait3A_80 : memref<128xi32, #tpu.memory_space<hbm>>) dst(%arg14 : memref<128xi32, #tpu.memory_space<vmem>>)
          tpu.yield
        }) : () -> ()
        %dma_start3A_45 = arith.constant 0 : i32
        %dma_start3A_46 = tpu.memref_slice %arg12[%dma_start3A_45] : memref<256xi32, #tpu.memory_space<vmem>> -> memref<128xi32, #tpu.memory_space<vmem>>
        %dma_start3A_47 = arith.constant 0 : i32
        %dma_start3A_48 = arith.constant 0 : i32
        %dma_start3A_49 = tpu.memref_slice %arg7[%dma_start3A_47, %dma_start3A_48] : memref<10240x128xf32, #tpu.memory_space<hbm>> -> memref<10240x128xf32, #tpu.memory_space<hbm>>
        tpu.enqueue_indirect_dma source(%dma_start3A_49 : memref<10240x128xf32, #tpu.memory_space<hbm>>) target(%arg15 : memref<128x128xf32, #tpu.memory_space<vmem>>) offsets(%dma_start3A_46 : memref<128xi32, #tpu.memory_space<vmem>>) semaphore(%arg18 : memref<!tpu.dma_semaphore, #tpu.memory_space<semaphore_mem>>)
        %dma_start3A_50 = arith.constant 128 : i32
        %dma_start3A_51 = tpu.memref_slice %arg12[%dma_start3A_50] : memref<256xi32, #tpu.memory_space<vmem>> -> memref<128xi32, #tpu.memory_space<vmem>>
        %dma_start3A_52 = arith.constant 0 : i32
        %dma_start3A_53 = arith.constant 0 : i32
        %dma_start3A_54 = tpu.memref_slice %arg7[%dma_start3A_52, %dma_start3A_53] : memref<10240x128xf32, #tpu.memory_space<hbm>> -> memref<10240x128xf32, #tpu.memory_space<hbm>>
        tpu.enqueue_indirect_dma source(%dma_start3A_54 : memref<10240x128xf32, #tpu.memory_space<hbm>>) target(%arg16 : memref<128x128xf32, #tpu.memory_space<vmem>>) offsets(%dma_start3A_51 : memref<128xi32, #tpu.memory_space<vmem>>) semaphore(%arg19 : memref<!tpu.dma_semaphore, #tpu.memory_space<semaphore_mem>>)
        %dma_wait3A_55 = arith.constant 0 : i32
        %dma_wait3A_56 = tpu.memref_slice %arg12[%dma_wait3A_55] : memref<256xi32, #tpu.memory_space<vmem>> -> memref<128xi32, #tpu.memory_space<vmem>>
        %dma_wait3A_57 = arith.constant 0 : i32
        %dma_wait3A_58 = arith.constant 0 : i32
        %dma_wait3A_59 = tpu.memref_slice %arg7[%dma_wait3A_57, %dma_wait3A_58] : memref<10240x128xf32, #tpu.memory_space<hbm>> -> memref<10240x128xf32, #tpu.memory_space<hbm>>
        tpu.wait_indirect_dma semaphore(%arg18 : memref<!tpu.dma_semaphore, #tpu.memory_space<semaphore_mem>>) src(%dma_wait3A_59 : memref<10240x128xf32, #tpu.memory_space<hbm>>) dst(%arg15 : memref<128x128xf32, #tpu.memory_space<vmem>>)
        %dma_start3A_60 = arith.constant 0 : i32
        %dma_start3A_61 = arith.constant 0 : i32
        %dma_start3A_62 = tpu.memref_slice %arg17[%dma_start3A_60, %dma_start3A_61] : memref<10240x128xf32, #tpu.memory_space<vmem_shared>> -> memref<10240x128xf32, #tpu.memory_space<vmem_shared>>
        tpu.enqueue_indirect_dma source(%arg15 : memref<128x128xf32, #tpu.memory_space<vmem>>) target(%dma_start3A_62 : memref<10240x128xf32, #tpu.memory_space<vmem_shared>>) offsets(%arg13 : memref<128xi32, #tpu.memory_space<vmem>>) semaphore(%arg18 : memref<!tpu.dma_semaphore, #tpu.memory_space<semaphore_mem>>) {add = true}
        %dma_wait3A_63 = arith.constant 128 : i32
        %dma_wait3A_64 = tpu.memref_slice %arg12[%dma_wait3A_63] : memref<256xi32, #tpu.memory_space<vmem>> -> memref<128xi32, #tpu.memory_space<vmem>>
        %dma_wait3A_65 = arith.constant 0 : i32
        %dma_wait3A_66 = arith.constant 0 : i32
        %dma_wait3A_67 = tpu.memref_slice %arg7[%dma_wait3A_65, %dma_wait3A_66] : memref<10240x128xf32, #tpu.memory_space<hbm>> -> memref<10240x128xf32, #tpu.memory_space<hbm>>
        tpu.wait_indirect_dma semaphore(%arg19 : memref<!tpu.dma_semaphore, #tpu.memory_space<semaphore_mem>>) src(%dma_wait3A_67 : memref<10240x128xf32, #tpu.memory_space<hbm>>) dst(%arg16 : memref<128x128xf32, #tpu.memory_space<vmem>>)
        %dma_start3A_68 = arith.constant 0 : i32
        %dma_start3A_69 = arith.constant 0 : i32
        %dma_start3A_70 = tpu.memref_slice %arg17[%dma_start3A_68, %dma_start3A_69] : memref<10240x128xf32, #tpu.memory_space<vmem_shared>> -> memref<10240x128xf32, #tpu.memory_space<vmem_shared>>
        tpu.enqueue_indirect_dma source(%arg16 : memref<128x128xf32, #tpu.memory_space<vmem>>) target(%dma_start3A_70 : memref<10240x128xf32, #tpu.memory_space<vmem_shared>>) offsets(%arg14 : memref<128xi32, #tpu.memory_space<vmem>>) semaphore(%arg19 : memref<!tpu.dma_semaphore, #tpu.memory_space<semaphore_mem>>) {add = true}
        %dma_wait3A_71 = arith.constant 0 : i32
        %dma_wait3A_72 = arith.constant 0 : i32
        %dma_wait3A_73 = tpu.memref_slice %arg17[%dma_wait3A_71, %dma_wait3A_72] : memref<10240x128xf32, #tpu.memory_space<vmem_shared>> -> memref<10240x128xf32, #tpu.memory_space<vmem_shared>>
        tpu.wait_indirect_dma semaphore(%arg18 : memref<!tpu.dma_semaphore, #tpu.memory_space<semaphore_mem>>) src(%arg15 : memref<128x128xf32, #tpu.memory_space<vmem>>) dst(%dma_wait3A_73 : memref<10240x128xf32, #tpu.memory_space<vmem_shared>>)
        %dma_wait3A_74 = arith.constant 0 : i32
        %dma_wait3A_75 = arith.constant 0 : i32
        %dma_wait3A_76 = tpu.memref_slice %arg17[%dma_wait3A_74, %dma_wait3A_75] : memref<10240x128xf32, #tpu.memory_space<vmem_shared>> -> memref<10240x128xf32, #tpu.memory_space<vmem_shared>>
        tpu.wait_indirect_dma semaphore(%arg19 : memref<!tpu.dma_semaphore, #tpu.memory_space<semaphore_mem>>) src(%arg16 : memref<128x128xf32, #tpu.memory_space<vmem>>) dst(%dma_wait3A_76 : memref<10240x128xf32, #tpu.memory_space<vmem_shared>>)
      }
      %scan3A_27 = arith.constant 78 : i32
      %add3A = arith.constant 19968 : i32
      %add3A_28 = arith.addi %mul3A_22, %add3A : i32
      "tpu.region"() ({
        %run_scoped3A = tpu.sem_alloc : memref<!tpu.dma_semaphore, #tpu.memory_space<semaphore_mem>>
        %dma_start3A_37 = arith.constant 0 : i32
        %dma_start3A_38 = tpu.memref_slice %arg12[%dma_start3A_37] : memref<256xi32, #tpu.memory_space<vmem>> -> memref<128xi32, #tpu.memory_space<vmem>>
        %dma_start3A_39 = tpu.memref_slice %arg4[%add3A_28] : memref<321536xi32, #tpu.memory_space<hbm>> -> memref<128xi32, #tpu.memory_space<hbm>>
        %dma_start3A_40 = arith.constant 0 : i32
        %dma_start3A_41 = tpu.memref_slice %arg12[%dma_start3A_40] : memref<256xi32, #tpu.memory_space<vmem>> -> memref<128xi32, #tpu.memory_space<vmem>>
        %dma_start3A_42 = tpu.memref_slice %arg4[%add3A_28] : memref<321536xi32, #tpu.memory_space<hbm>> -> memref<128xi32, #tpu.memory_space<hbm>>
        tpu.enqueue_dma source(%dma_start3A_42 : memref<128xi32, #tpu.memory_space<hbm>>) target(%dma_start3A_41 : memref<128xi32, #tpu.memory_space<vmem>>) target_semaphore(%run_scoped3A : memref<!tpu.dma_semaphore, #tpu.memory_space<semaphore_mem>>)
        %dma_wait3A_43 = arith.constant 0 : i32
        %dma_wait3A_44 = tpu.memref_slice %arg12[%dma_wait3A_43] : memref<256xi32, #tpu.memory_space<vmem>> -> memref<128xi32, #tpu.memory_space<vmem>>
        %dma_wait3A_45 = tpu.memref_slice %arg4[%add3A_28] : memref<321536xi32, #tpu.memory_space<hbm>> -> memref<128xi32, #tpu.memory_space<hbm>>
        %dma_wait3A_46 = arith.constant 0 : i32
        %dma_wait3A_47 = tpu.memref_slice %arg12[%dma_wait3A_46] : memref<256xi32, #tpu.memory_space<vmem>> -> memref<128xi32, #tpu.memory_space<vmem>>
        %dma_wait3A_48 = tpu.memref_slice %arg4[%add3A_28] : memref<321536xi32, #tpu.memory_space<hbm>> -> memref<128xi32, #tpu.memory_space<hbm>>
        tpu.wait_dma2 semaphore(%run_scoped3A : memref<!tpu.dma_semaphore, #tpu.memory_space<semaphore_mem>>) src(%dma_wait3A_48 : memref<128xi32, #tpu.memory_space<hbm>>) dst(%dma_wait3A_47 : memref<128xi32, #tpu.memory_space<vmem>>)
        tpu.yield
      }) : () -> ()
      "tpu.region"() ({
        %run_scoped3A = tpu.sem_alloc : memref<!tpu.dma_semaphore, #tpu.memory_space<semaphore_mem>>
        %dma_start3A_37 = tpu.memref_slice %arg5[%add3A_28] : memref<321536xi32, #tpu.memory_space<hbm>> -> memref<128xi32, #tpu.memory_space<hbm>>
        %dma_start3A_38 = tpu.memref_slice %arg5[%add3A_28] : memref<321536xi32, #tpu.memory_space<hbm>> -> memref<128xi32, #tpu.memory_space<hbm>>
        tpu.enqueue_dma source(%dma_start3A_38 : memref<128xi32, #tpu.memory_space<hbm>>) target(%arg13 : memref<128xi32, #tpu.memory_space<vmem>>) target_semaphore(%run_scoped3A : memref<!tpu.dma_semaphore, #tpu.memory_space<semaphore_mem>>)
        %dma_wait3A_39 = tpu.memref_slice %arg5[%add3A_28] : memref<321536xi32, #tpu.memory_space<hbm>> -> memref<128xi32, #tpu.memory_space<hbm>>
        %dma_wait3A_40 = tpu.memref_slice %arg5[%add3A_28] : memref<321536xi32, #tpu.memory_space<hbm>> -> memref<128xi32, #tpu.memory_space<hbm>>
        tpu.wait_dma2 semaphore(%run_scoped3A : memref<!tpu.dma_semaphore, #tpu.memory_space<semaphore_mem>>) src(%dma_wait3A_40 : memref<128xi32, #tpu.memory_space<hbm>>) dst(%arg13 : memref<128xi32, #tpu.memory_space<vmem>>)
        tpu.yield
      }) : () -> ()
      %dma_start3A = arith.constant 0 : i32
      %dma_start3A_29 = tpu.memref_slice %arg12[%dma_start3A] : memref<256xi32, #tpu.memory_space<vmem>> -> memref<128xi32, #tpu.memory_space<vmem>>
      %dma_start3A_30 = arith.constant 0 : i32
      %dma_start3A_31 = arith.constant 0 : i32
      %dma_start3A_32 = tpu.memref_slice %arg7[%dma_start3A_30, %dma_start3A_31] : memref<10240x128xf32, #tpu.memory_space<hbm>> -> memref<10240x128xf32, #tpu.memory_space<hbm>>
      tpu.enqueue_indirect_dma source(%dma_start3A_32 : memref<10240x128xf32, #tpu.memory_space<hbm>>) target(%arg15 : memref<128x128xf32, #tpu.memory_space<vmem>>) offsets(%dma_start3A_29 : memref<128xi32, #tpu.memory_space<vmem>>) semaphore(%arg18 : memref<!tpu.dma_semaphore, #tpu.memory_space<semaphore_mem>>)
      %dma_wait3A = arith.constant 0 : i32
      %dma_wait3A_33 = tpu.memref_slice %arg12[%dma_wait3A] : memref<256xi32, #tpu.memory_space<vmem>> -> memref<128xi32, #tpu.memory_space<vmem>>
      %dma_wait3A_34 = arith.constant 0 : i32
      %dma_wait3A_35 = arith.constant 0 : i32
      %dma_wait3A_36 = tpu.memref_slice %arg7[%dma_wait3A_34, %dma_wait3A_35] : memref<10240x128xf32, #tpu.memory_space<hbm>> -> memref<10240x128xf32, #tpu.memory_space<hbm>>
      tpu.wait_indirect_dma semaphore(%arg18 : memref<!tpu.dma_semaphore, #tpu.memory_space<semaphore_mem>>) src(%dma_wait3A_36 : memref<10240x128xf32, #tpu.memory_space<hbm>>) dst(%arg15 : memref<128x128xf32, #tpu.memory_space<vmem>>)
      "tpu.region"() ({
        %run_scoped3A = tpu.sem_alloc : memref<!tpu.dma_semaphore, #tpu.memory_space<semaphore_mem>>
        %dma_start3A_37 = arith.constant 0 : i32
        %dma_start3A_38 = arith.constant 0 : i32
        %dma_start3A_39 = tpu.memref_slice %arg17[%dma_start3A_37, %dma_start3A_38] : memref<10240x128xf32, #tpu.memory_space<vmem_shared>> -> memref<10240x128xf32, #tpu.memory_space<vmem_shared>>
        tpu.enqueue_indirect_dma source(%arg15 : memref<128x128xf32, #tpu.memory_space<vmem>>) target(%dma_start3A_39 : memref<10240x128xf32, #tpu.memory_space<vmem_shared>>) offsets(%arg13 : memref<128xi32, #tpu.memory_space<vmem>>) semaphore(%run_scoped3A : memref<!tpu.dma_semaphore, #tpu.memory_space<semaphore_mem>>) {add = true}
        %dma_wait3A_40 = arith.constant 0 : i32
        %dma_wait3A_41 = arith.constant 0 : i32
        %dma_wait3A_42 = tpu.memref_slice %arg17[%dma_wait3A_40, %dma_wait3A_41] : memref<10240x128xf32, #tpu.memory_space<vmem_shared>> -> memref<10240x128xf32, #tpu.memory_space<vmem_shared>>
        tpu.wait_indirect_dma semaphore(%run_scoped3A : memref<!tpu.dma_semaphore, #tpu.memory_space<semaphore_mem>>) src(%arg15 : memref<128x128xf32, #tpu.memory_space<vmem>>) dst(%dma_wait3A_42 : memref<10240x128xf32, #tpu.memory_space<vmem_shared>>)
        tpu.yield
      }) : () -> ()
    } else {
    }
    %barrier3A_8 = arith.constant 0 : index
    tpu.barrier barrier_id(%barrier3A_8)
    %eq3A_9 = arith.constant 0 : i32
    %eq3A_10 = arith.cmpi eq, %arg0, %eq3A_9 : i32
    %convert_element_type3A_11 = arith.extui %eq3A_10 : i1 to i32
    %cond3A_12 = arith.constant 0 : i32
    %cond3A_13 = arith.cmpi ne, %convert_element_type3A_11, %cond3A_12 : i32
    scf.if %cond3A_13 {
      "tpu.region"() ({
        %run_scoped3A = tpu.sem_alloc : memref<!tpu.dma_semaphore, #tpu.memory_space<semaphore_mem>>
        %dma_start3A = arith.constant 0 : i32
        %dma_start3A_19 = tpu.memref_slice %arg10[%mul3A_0, %dma_start3A] : memref<10240x128xf32, #tpu.memory_space<hbm>> -> memref<640x128xf32, #tpu.memory_space<hbm>>
        %dma_start3A_20 = arith.constant 0 : i32
        %dma_start3A_21 = tpu.memref_slice %arg17[%mul3A_0, %dma_start3A_20] : memref<10240x128xf32, #tpu.memory_space<vmem_shared>> -> memref<640x128xf32, #tpu.memory_space<vmem_shared>>
        tpu.enqueue_dma source(%dma_start3A_21 : memref<640x128xf32, #tpu.memory_space<vmem_shared>>) target(%dma_start3A_19 : memref<640x128xf32, #tpu.memory_space<hbm>>) target_semaphore(%run_scoped3A : memref<!tpu.dma_semaphore, #tpu.memory_space<semaphore_mem>>)
        %dma_wait3A = arith.constant 0 : i32
        %dma_wait3A_22 = tpu.memref_slice %arg10[%mul3A_0, %dma_wait3A] : memref<10240x128xf32, #tpu.memory_space<hbm>> -> memref<640x128xf32, #tpu.memory_space<hbm>>
        %dma_wait3A_23 = arith.constant 0 : i32
        %dma_wait3A_24 = tpu.memref_slice %arg17[%mul3A_0, %dma_wait3A_23] : memref<10240x128xf32, #tpu.memory_space<vmem_shared>> -> memref<640x128xf32, #tpu.memory_space<vmem_shared>>
        tpu.wait_dma2 semaphore(%run_scoped3A : memref<!tpu.dma_semaphore, #tpu.memory_space<semaphore_mem>>) src(%dma_wait3A_24 : memref<640x128xf32, #tpu.memory_space<vmem_shared>>) dst(%dma_wait3A_22 : memref<640x128xf32, #tpu.memory_space<hbm>>)
        tpu.yield
      }) : () -> ()
    } else {
    }
    %eq3A_14 = arith.constant 1 : i32
    %eq3A_15 = arith.cmpi eq, %arg0, %eq3A_14 : i32
    %convert_element_type3A_16 = arith.extui %eq3A_15 : i1 to i32
    %cond3A_17 = arith.constant 0 : i32
    %cond3A_18 = arith.cmpi ne, %convert_element_type3A_16, %cond3A_17 : i32
    scf.if %cond3A_18 {
      "tpu.region"() ({
        %run_scoped3A = tpu.sem_alloc : memref<!tpu.dma_semaphore, #tpu.memory_space<semaphore_mem>>
        %dma_start3A = arith.constant 0 : i32
        %dma_start3A_19 = tpu.memref_slice %arg11[%mul3A_0, %dma_start3A] : memref<10240x128xf32, #tpu.memory_space<hbm>> -> memref<640x128xf32, #tpu.memory_space<hbm>>
        %dma_start3A_20 = arith.constant 0 : i32
        %dma_start3A_21 = tpu.memref_slice %arg17[%mul3A_0, %dma_start3A_20] : memref<10240x128xf32, #tpu.memory_space<vmem_shared>> -> memref<640x128xf32, #tpu.memory_space<vmem_shared>>
        tpu.enqueue_dma source(%dma_start3A_21 : memref<640x128xf32, #tpu.memory_space<vmem_shared>>) target(%dma_start3A_19 : memref<640x128xf32, #tpu.memory_space<hbm>>) target_semaphore(%run_scoped3A : memref<!tpu.dma_semaphore, #tpu.memory_space<semaphore_mem>>)
        %dma_wait3A = arith.constant 0 : i32
        %dma_wait3A_22 = tpu.memref_slice %arg11[%mul3A_0, %dma_wait3A] : memref<10240x128xf32, #tpu.memory_space<hbm>> -> memref<640x128xf32, #tpu.memory_space<hbm>>
        %dma_wait3A_23 = arith.constant 0 : i32
        %dma_wait3A_24 = tpu.memref_slice %arg17[%mul3A_0, %dma_wait3A_23] : memref<10240x128xf32, #tpu.memory_space<vmem_shared>> -> memref<640x128xf32, #tpu.memory_space<vmem_shared>>
        tpu.wait_dma2 semaphore(%run_scoped3A : memref<!tpu.dma_semaphore, #tpu.memory_space<semaphore_mem>>) src(%dma_wait3A_24 : memref<640x128xf32, #tpu.memory_space<vmem_shared>>) dst(%dma_wait3A_22 : memref<640x128xf32, #tpu.memory_space<hbm>>)
        tpu.yield
      }) : () -> ()
    } else {
    }
    return
  }
}

#map = affine_map<(d0, d1) -> (0)>
#map1 = affine_map<(d0, d1) -> (0, 0)>
module attributes {stable_mosaic.version = 14 : i64} {
  func.func @gat(%arg0: i32, %arg1: i32, %arg2: memref<100352xi32, #tpu.memory_space<hbm>>, %arg3: memref<100352xi32, #tpu.memory_space<hbm>>, %arg4: memref<10240x128xf32, #tpu.memory_space<hbm>>, %arg5: memref<10240x128xf32, #tpu.memory_space<hbm>>, %arg6: memref<100352x128xf32, #tpu.memory_space<hbm>>, %arg7: memref<100352x128xf32, #tpu.memory_space<hbm>>, %arg8: memref<896xi32, #tpu.memory_space<vmem>>, %arg9: memref<128x128xf32, #tpu.memory_space<vmem>>, %arg10: memref<128x128xf32, #tpu.memory_space<vmem>>, %arg11: memref<!tpu.dma_semaphore, #tpu.memory_space<semaphore_mem>>, %arg12: memref<!tpu.dma_semaphore, #tpu.memory_space<semaphore_mem>>) attributes {dimension_semantics = [#tpu.dimension_semantics<core_parallel>, #tpu.dimension_semantics<subcore_parallel>], iteration_bounds = array<i64: 2, 16>, scalar_prefetch = 0 : i64, scratch_operands = 5 : i64, tpu.core_type = #tpu.core_type<sc_vector_subcore>, window_params = [{transform_indices = #map}, {transform_indices = #map}, {transform_indices = #map1}, {transform_indices = #map1}, {transform_indices = #map1}, {transform_indices = #map1}]} {
    %mul3A = arith.constant 49 : i32
    %mul3A_0 = arith.muli %arg1, %mul3A : i32
    %eq3A = arith.constant 0 : i32
    %eq3A_1 = arith.cmpi eq, %arg0, %eq3A : i32
    %convert_element_type3A = arith.extui %eq3A_1 : i1 to i32
    %cond3A = arith.constant 0 : i32
    %cond3A_2 = arith.cmpi ne, %convert_element_type3A, %cond3A : i32
    scf.if %cond3A_2 {
      %scan3A = arith.constant 0 : i32
      %scan3A_8 = arith.constant 0 : i32
      %scan3A_9 = arith.constant 7 : i32
      %scan3A_10 = arith.addi %scan3A_8, %scan3A_9 : i32
      %scan3A_11 = arith.constant 1 : i32
      scf.for %scan3A_13 = %scan3A_8 to %scan3A_10 step %scan3A_11  : i32 {
        %mul3A_14 = arith.constant 7 : i32
        %mul3A_15 = arith.muli %scan3A_13, %mul3A_14 : i32
        %add3A = arith.addi %mul3A_0, %mul3A_15 : i32
        %mul3A_16 = arith.constant 128 : i32
        %mul3A_17 = arith.muli %add3A, %mul3A_16 : i32
        "tpu.region"() ({
          %run_scoped3A = tpu.sem_alloc : memref<!tpu.dma_semaphore, #tpu.memory_space<semaphore_mem>>
          %dma_start3A_100 = tpu.memref_slice %arg2[%mul3A_17] : memref<100352xi32, #tpu.memory_space<hbm>> -> memref<896xi32, #tpu.memory_space<hbm>>
          %dma_start3A_101 = tpu.memref_slice %arg2[%mul3A_17] : memref<100352xi32, #tpu.memory_space<hbm>> -> memref<896xi32, #tpu.memory_space<hbm>>
          tpu.enqueue_dma source(%dma_start3A_101 : memref<896xi32, #tpu.memory_space<hbm>>) target(%arg8 : memref<896xi32, #tpu.memory_space<vmem>>) target_semaphore(%run_scoped3A : memref<!tpu.dma_semaphore, #tpu.memory_space<semaphore_mem>>)
          %dma_wait3A_102 = tpu.memref_slice %arg2[%mul3A_17] : memref<100352xi32, #tpu.memory_space<hbm>> -> memref<896xi32, #tpu.memory_space<hbm>>
          %dma_wait3A_103 = tpu.memref_slice %arg2[%mul3A_17] : memref<100352xi32, #tpu.memory_space<hbm>> -> memref<896xi32, #tpu.memory_space<hbm>>
          tpu.wait_dma2 semaphore(%run_scoped3A : memref<!tpu.dma_semaphore, #tpu.memory_space<semaphore_mem>>) src(%dma_wait3A_103 : memref<896xi32, #tpu.memory_space<hbm>>) dst(%arg8 : memref<896xi32, #tpu.memory_space<vmem>>)
          tpu.yield
        }) : () -> ()
        %dma_start3A = arith.constant 0 : i32
        %dma_start3A_18 = tpu.memref_slice %arg8[%dma_start3A] : memref<896xi32, #tpu.memory_space<vmem>> -> memref<128xi32, #tpu.memory_space<vmem>>
        %dma_start3A_19 = arith.constant 0 : i32
        %dma_start3A_20 = arith.constant 0 : i32
        %dma_start3A_21 = tpu.memref_slice %arg4[%dma_start3A_19, %dma_start3A_20] : memref<10240x128xf32, #tpu.memory_space<hbm>> -> memref<10240x128xf32, #tpu.memory_space<hbm>>
        tpu.enqueue_indirect_dma source(%dma_start3A_21 : memref<10240x128xf32, #tpu.memory_space<hbm>>) target(%arg9 : memref<128x128xf32, #tpu.memory_space<vmem>>) offsets(%dma_start3A_18 : memref<128xi32, #tpu.memory_space<vmem>>) semaphore(%arg11 : memref<!tpu.dma_semaphore, #tpu.memory_space<semaphore_mem>>)
        %dma_start3A_22 = arith.constant 128 : i32
        %dma_start3A_23 = tpu.memref_slice %arg8[%dma_start3A_22] : memref<896xi32, #tpu.memory_space<vmem>> -> memref<128xi32, #tpu.memory_space<vmem>>
        %dma_start3A_24 = arith.constant 0 : i32
        %dma_start3A_25 = arith.constant 0 : i32
        %dma_start3A_26 = tpu.memref_slice %arg4[%dma_start3A_24, %dma_start3A_25] : memref<10240x128xf32, #tpu.memory_space<hbm>> -> memref<10240x128xf32, #tpu.memory_space<hbm>>
        tpu.enqueue_indirect_dma source(%dma_start3A_26 : memref<10240x128xf32, #tpu.memory_space<hbm>>) target(%arg10 : memref<128x128xf32, #tpu.memory_space<vmem>>) offsets(%dma_start3A_23 : memref<128xi32, #tpu.memory_space<vmem>>) semaphore(%arg12 : memref<!tpu.dma_semaphore, #tpu.memory_space<semaphore_mem>>)
        %dma_wait3A = arith.constant 0 : i32
        %dma_wait3A_27 = tpu.memref_slice %arg8[%dma_wait3A] : memref<896xi32, #tpu.memory_space<vmem>> -> memref<128xi32, #tpu.memory_space<vmem>>
        %dma_wait3A_28 = arith.constant 0 : i32
        %dma_wait3A_29 = arith.constant 0 : i32
        %dma_wait3A_30 = tpu.memref_slice %arg4[%dma_wait3A_28, %dma_wait3A_29] : memref<10240x128xf32, #tpu.memory_space<hbm>> -> memref<10240x128xf32, #tpu.memory_space<hbm>>
        tpu.wait_indirect_dma semaphore(%arg11 : memref<!tpu.dma_semaphore, #tpu.memory_space<semaphore_mem>>) src(%dma_wait3A_30 : memref<10240x128xf32, #tpu.memory_space<hbm>>) dst(%arg9 : memref<128x128xf32, #tpu.memory_space<vmem>>)
        %add3A_31 = arith.constant 0 : i32
        %add3A_32 = arith.addi %mul3A_17, %add3A_31 : i32
        "tpu.region"() ({
          %run_scoped3A = tpu.sem_alloc : memref<!tpu.dma_semaphore, #tpu.memory_space<semaphore_mem>>
          %dma_start3A_100 = arith.constant 0 : i32
          %dma_start3A_101 = tpu.memref_slice %arg6[%add3A_32, %dma_start3A_100] : memref<100352x128xf32, #tpu.memory_space<hbm>> -> memref<128x128xf32, #tpu.memory_space<hbm>>
          %dma_start3A_102 = arith.constant 0 : i32
          %dma_start3A_103 = tpu.memref_slice %arg6[%add3A_32, %dma_start3A_102] : memref<100352x128xf32, #tpu.memory_space<hbm>> -> memref<128x128xf32, #tpu.memory_space<hbm>>
          tpu.enqueue_dma source(%arg9 : memref<128x128xf32, #tpu.memory_space<vmem>>) target(%dma_start3A_103 : memref<128x128xf32, #tpu.memory_space<hbm>>) target_semaphore(%run_scoped3A : memref<!tpu.dma_semaphore, #tpu.memory_space<semaphore_mem>>)
          %dma_wait3A_104 = arith.constant 0 : i32
          %dma_wait3A_105 = tpu.memref_slice %arg6[%add3A_32, %dma_wait3A_104] : memref<100352x128xf32, #tpu.memory_space<hbm>> -> memref<128x128xf32, #tpu.memory_space<hbm>>
          %dma_wait3A_106 = arith.constant 0 : i32
          %dma_wait3A_107 = tpu.memref_slice %arg6[%add3A_32, %dma_wait3A_106] : memref<100352x128xf32, #tpu.memory_space<hbm>> -> memref<128x128xf32, #tpu.memory_space<hbm>>
          tpu.wait_dma2 semaphore(%run_scoped3A : memref<!tpu.dma_semaphore, #tpu.memory_space<semaphore_mem>>) src(%arg9 : memref<128x128xf32, #tpu.memory_space<vmem>>) dst(%dma_wait3A_107 : memref<128x128xf32, #tpu.memory_space<hbm>>)
          tpu.yield
        }) : () -> ()
        %dma_start3A_33 = arith.constant 256 : i32
        %dma_start3A_34 = tpu.memref_slice %arg8[%dma_start3A_33] : memref<896xi32, #tpu.memory_space<vmem>> -> memref<128xi32, #tpu.memory_space<vmem>>
        %dma_start3A_35 = arith.constant 0 : i32
        %dma_start3A_36 = arith.constant 0 : i32
        %dma_start3A_37 = tpu.memref_slice %arg4[%dma_start3A_35, %dma_start3A_36] : memref<10240x128xf32, #tpu.memory_space<hbm>> -> memref<10240x128xf32, #tpu.memory_space<hbm>>
        tpu.enqueue_indirect_dma source(%dma_start3A_37 : memref<10240x128xf32, #tpu.memory_space<hbm>>) target(%arg9 : memref<128x128xf32, #tpu.memory_space<vmem>>) offsets(%dma_start3A_34 : memref<128xi32, #tpu.memory_space<vmem>>) semaphore(%arg11 : memref<!tpu.dma_semaphore, #tpu.memory_space<semaphore_mem>>)
        %dma_wait3A_38 = arith.constant 128 : i32
        %dma_wait3A_39 = tpu.memref_slice %arg8[%dma_wait3A_38] : memref<896xi32, #tpu.memory_space<vmem>> -> memref<128xi32, #tpu.memory_space<vmem>>
        %dma_wait3A_40 = arith.constant 0 : i32
        %dma_wait3A_41 = arith.constant 0 : i32
        %dma_wait3A_42 = tpu.memref_slice %arg4[%dma_wait3A_40, %dma_wait3A_41] : memref<10240x128xf32, #tpu.memory_space<hbm>> -> memref<10240x128xf32, #tpu.memory_space<hbm>>
        tpu.wait_indirect_dma semaphore(%arg12 : memref<!tpu.dma_semaphore, #tpu.memory_space<semaphore_mem>>) src(%dma_wait3A_42 : memref<10240x128xf32, #tpu.memory_space<hbm>>) dst(%arg10 : memref<128x128xf32, #tpu.memory_space<vmem>>)
        %add3A_43 = arith.constant 128 : i32
        %add3A_44 = arith.addi %mul3A_17, %add3A_43 : i32
        "tpu.region"() ({
          %run_scoped3A = tpu.sem_alloc : memref<!tpu.dma_semaphore, #tpu.memory_space<semaphore_mem>>
          %dma_start3A_100 = arith.constant 0 : i32
          %dma_start3A_101 = tpu.memref_slice %arg6[%add3A_44, %dma_start3A_100] : memref<100352x128xf32, #tpu.memory_space<hbm>> -> memref<128x128xf32, #tpu.memory_space<hbm>>
          %dma_start3A_102 = arith.constant 0 : i32
          %dma_start3A_103 = tpu.memref_slice %arg6[%add3A_44, %dma_start3A_102] : memref<100352x128xf32, #tpu.memory_space<hbm>> -> memref<128x128xf32, #tpu.memory_space<hbm>>
          tpu.enqueue_dma source(%arg10 : memref<128x128xf32, #tpu.memory_space<vmem>>) target(%dma_start3A_103 : memref<128x128xf32, #tpu.memory_space<hbm>>) target_semaphore(%run_scoped3A : memref<!tpu.dma_semaphore, #tpu.memory_space<semaphore_mem>>)
          %dma_wait3A_104 = arith.constant 0 : i32
          %dma_wait3A_105 = tpu.memref_slice %arg6[%add3A_44, %dma_wait3A_104] : memref<100352x128xf32, #tpu.memory_space<hbm>> -> memref<128x128xf32, #tpu.memory_space<hbm>>
          %dma_wait3A_106 = arith.constant 0 : i32
          %dma_wait3A_107 = tpu.memref_slice %arg6[%add3A_44, %dma_wait3A_106] : memref<100352x128xf32, #tpu.memory_space<hbm>> -> memref<128x128xf32, #tpu.memory_space<hbm>>
          tpu.wait_dma2 semaphore(%run_scoped3A : memref<!tpu.dma_semaphore, #tpu.memory_space<semaphore_mem>>) src(%arg10 : memref<128x128xf32, #tpu.memory_space<vmem>>) dst(%dma_wait3A_107 : memref<128x128xf32, #tpu.memory_space<hbm>>)
          tpu.yield
        }) : () -> ()
        %dma_start3A_45 = arith.constant 384 : i32
        %dma_start3A_46 = tpu.memref_slice %arg8[%dma_start3A_45] : memref<896xi32, #tpu.memory_space<vmem>> -> memref<128xi32, #tpu.memory_space<vmem>>
        %dma_start3A_47 = arith.constant 0 : i32
        %dma_start3A_48 = arith.constant 0 : i32
        %dma_start3A_49 = tpu.memref_slice %arg4[%dma_start3A_47, %dma_start3A_48] : memref<10240x128xf32, #tpu.memory_space<hbm>> -> memref<10240x128xf32, #tpu.memory_space<hbm>>
        tpu.enqueue_indirect_dma source(%dma_start3A_49 : memref<10240x128xf32, #tpu.memory_space<hbm>>) target(%arg10 : memref<128x128xf32, #tpu.memory_space<vmem>>) offsets(%dma_start3A_46 : memref<128xi32, #tpu.memory_space<vmem>>) semaphore(%arg12 : memref<!tpu.dma_semaphore, #tpu.memory_space<semaphore_mem>>)
        %dma_wait3A_50 = arith.constant 256 : i32
        %dma_wait3A_51 = tpu.memref_slice %arg8[%dma_wait3A_50] : memref<896xi32, #tpu.memory_space<vmem>> -> memref<128xi32, #tpu.memory_space<vmem>>
        %dma_wait3A_52 = arith.constant 0 : i32
        %dma_wait3A_53 = arith.constant 0 : i32
        %dma_wait3A_54 = tpu.memref_slice %arg4[%dma_wait3A_52, %dma_wait3A_53] : memref<10240x128xf32, #tpu.memory_space<hbm>> -> memref<10240x128xf32, #tpu.memory_space<hbm>>
        tpu.wait_indirect_dma semaphore(%arg11 : memref<!tpu.dma_semaphore, #tpu.memory_space<semaphore_mem>>) src(%dma_wait3A_54 : memref<10240x128xf32, #tpu.memory_space<hbm>>) dst(%arg9 : memref<128x128xf32, #tpu.memory_space<vmem>>)
        %add3A_55 = arith.constant 256 : i32
        %add3A_56 = arith.addi %mul3A_17, %add3A_55 : i32
        "tpu.region"() ({
          %run_scoped3A = tpu.sem_alloc : memref<!tpu.dma_semaphore, #tpu.memory_space<semaphore_mem>>
          %dma_start3A_100 = arith.constant 0 : i32
          %dma_start3A_101 = tpu.memref_slice %arg6[%add3A_56, %dma_start3A_100] : memref<100352x128xf32, #tpu.memory_space<hbm>> -> memref<128x128xf32, #tpu.memory_space<hbm>>
          %dma_start3A_102 = arith.constant 0 : i32
          %dma_start3A_103 = tpu.memref_slice %arg6[%add3A_56, %dma_start3A_102] : memref<100352x128xf32, #tpu.memory_space<hbm>> -> memref<128x128xf32, #tpu.memory_space<hbm>>
          tpu.enqueue_dma source(%arg9 : memref<128x128xf32, #tpu.memory_space<vmem>>) target(%dma_start3A_103 : memref<128x128xf32, #tpu.memory_space<hbm>>) target_semaphore(%run_scoped3A : memref<!tpu.dma_semaphore, #tpu.memory_space<semaphore_mem>>)
          %dma_wait3A_104 = arith.constant 0 : i32
          %dma_wait3A_105 = tpu.memref_slice %arg6[%add3A_56, %dma_wait3A_104] : memref<100352x128xf32, #tpu.memory_space<hbm>> -> memref<128x128xf32, #tpu.memory_space<hbm>>
          %dma_wait3A_106 = arith.constant 0 : i32
          %dma_wait3A_107 = tpu.memref_slice %arg6[%add3A_56, %dma_wait3A_106] : memref<100352x128xf32, #tpu.memory_space<hbm>> -> memref<128x128xf32, #tpu.memory_space<hbm>>
          tpu.wait_dma2 semaphore(%run_scoped3A : memref<!tpu.dma_semaphore, #tpu.memory_space<semaphore_mem>>) src(%arg9 : memref<128x128xf32, #tpu.memory_space<vmem>>) dst(%dma_wait3A_107 : memref<128x128xf32, #tpu.memory_space<hbm>>)
          tpu.yield
        }) : () -> ()
        %dma_start3A_57 = arith.constant 512 : i32
        %dma_start3A_58 = tpu.memref_slice %arg8[%dma_start3A_57] : memref<896xi32, #tpu.memory_space<vmem>> -> memref<128xi32, #tpu.memory_space<vmem>>
        %dma_start3A_59 = arith.constant 0 : i32
        %dma_start3A_60 = arith.constant 0 : i32
        %dma_start3A_61 = tpu.memref_slice %arg4[%dma_start3A_59, %dma_start3A_60] : memref<10240x128xf32, #tpu.memory_space<hbm>> -> memref<10240x128xf32, #tpu.memory_space<hbm>>
        tpu.enqueue_indirect_dma source(%dma_start3A_61 : memref<10240x128xf32, #tpu.memory_space<hbm>>) target(%arg9 : memref<128x128xf32, #tpu.memory_space<vmem>>) offsets(%dma_start3A_58 : memref<128xi32, #tpu.memory_space<vmem>>) semaphore(%arg11 : memref<!tpu.dma_semaphore, #tpu.memory_space<semaphore_mem>>)
        %dma_wait3A_62 = arith.constant 384 : i32
        %dma_wait3A_63 = tpu.memref_slice %arg8[%dma_wait3A_62] : memref<896xi32, #tpu.memory_space<vmem>> -> memref<128xi32, #tpu.memory_space<vmem>>
        %dma_wait3A_64 = arith.constant 0 : i32
        %dma_wait3A_65 = arith.constant 0 : i32
        %dma_wait3A_66 = tpu.memref_slice %arg4[%dma_wait3A_64, %dma_wait3A_65] : memref<10240x128xf32, #tpu.memory_space<hbm>> -> memref<10240x128xf32, #tpu.memory_space<hbm>>
        tpu.wait_indirect_dma semaphore(%arg12 : memref<!tpu.dma_semaphore, #tpu.memory_space<semaphore_mem>>) src(%dma_wait3A_66 : memref<10240x128xf32, #tpu.memory_space<hbm>>) dst(%arg10 : memref<128x128xf32, #tpu.memory_space<vmem>>)
        %add3A_67 = arith.constant 384 : i32
        %add3A_68 = arith.addi %mul3A_17, %add3A_67 : i32
        "tpu.region"() ({
          %run_scoped3A = tpu.sem_alloc : memref<!tpu.dma_semaphore, #tpu.memory_space<semaphore_mem>>
          %dma_start3A_100 = arith.constant 0 : i32
          %dma_start3A_101 = tpu.memref_slice %arg6[%add3A_68, %dma_start3A_100] : memref<100352x128xf32, #tpu.memory_space<hbm>> -> memref<128x128xf32, #tpu.memory_space<hbm>>
          %dma_start3A_102 = arith.constant 0 : i32
          %dma_start3A_103 = tpu.memref_slice %arg6[%add3A_68, %dma_start3A_102] : memref<100352x128xf32, #tpu.memory_space<hbm>> -> memref<128x128xf32, #tpu.memory_space<hbm>>
          tpu.enqueue_dma source(%arg10 : memref<128x128xf32, #tpu.memory_space<vmem>>) target(%dma_start3A_103 : memref<128x128xf32, #tpu.memory_space<hbm>>) target_semaphore(%run_scoped3A : memref<!tpu.dma_semaphore, #tpu.memory_space<semaphore_mem>>)
          %dma_wait3A_104 = arith.constant 0 : i32
          %dma_wait3A_105 = tpu.memref_slice %arg6[%add3A_68, %dma_wait3A_104] : memref<100352x128xf32, #tpu.memory_space<hbm>> -> memref<128x128xf32, #tpu.memory_space<hbm>>
          %dma_wait3A_106 = arith.constant 0 : i32
          %dma_wait3A_107 = tpu.memref_slice %arg6[%add3A_68, %dma_wait3A_106] : memref<100352x128xf32, #tpu.memory_space<hbm>> -> memref<128x128xf32, #tpu.memory_space<hbm>>
          tpu.wait_dma2 semaphore(%run_scoped3A : memref<!tpu.dma_semaphore, #tpu.memory_space<semaphore_mem>>) src(%arg10 : memref<128x128xf32, #tpu.memory_space<vmem>>) dst(%dma_wait3A_107 : memref<128x128xf32, #tpu.memory_space<hbm>>)
          tpu.yield
        }) : () -> ()
        %dma_start3A_69 = arith.constant 640 : i32
        %dma_start3A_70 = tpu.memref_slice %arg8[%dma_start3A_69] : memref<896xi32, #tpu.memory_space<vmem>> -> memref<128xi32, #tpu.memory_space<vmem>>
        %dma_start3A_71 = arith.constant 0 : i32
        %dma_start3A_72 = arith.constant 0 : i32
        %dma_start3A_73 = tpu.memref_slice %arg4[%dma_start3A_71, %dma_start3A_72] : memref<10240x128xf32, #tpu.memory_space<hbm>> -> memref<10240x128xf32, #tpu.memory_space<hbm>>
        tpu.enqueue_indirect_dma source(%dma_start3A_73 : memref<10240x128xf32, #tpu.memory_space<hbm>>) target(%arg10 : memref<128x128xf32, #tpu.memory_space<vmem>>) offsets(%dma_start3A_70 : memref<128xi32, #tpu.memory_space<vmem>>) semaphore(%arg12 : memref<!tpu.dma_semaphore, #tpu.memory_space<semaphore_mem>>)
        %dma_wait3A_74 = arith.constant 512 : i32
        %dma_wait3A_75 = tpu.memref_slice %arg8[%dma_wait3A_74] : memref<896xi32, #tpu.memory_space<vmem>> -> memref<128xi32, #tpu.memory_space<vmem>>
        %dma_wait3A_76 = arith.constant 0 : i32
        %dma_wait3A_77 = arith.constant 0 : i32
        %dma_wait3A_78 = tpu.memref_slice %arg4[%dma_wait3A_76, %dma_wait3A_77] : memref<10240x128xf32, #tpu.memory_space<hbm>> -> memref<10240x128xf32, #tpu.memory_space<hbm>>
        tpu.wait_indirect_dma semaphore(%arg11 : memref<!tpu.dma_semaphore, #tpu.memory_space<semaphore_mem>>) src(%dma_wait3A_78 : memref<10240x128xf32, #tpu.memory_space<hbm>>) dst(%arg9 : memref<128x128xf32, #tpu.memory_space<vmem>>)
        %add3A_79 = arith.constant 512 : i32
        %add3A_80 = arith.addi %mul3A_17, %add3A_79 : i32
        "tpu.region"() ({
          %run_scoped3A = tpu.sem_alloc : memref<!tpu.dma_semaphore, #tpu.memory_space<semaphore_mem>>
          %dma_start3A_100 = arith.constant 0 : i32
          %dma_start3A_101 = tpu.memref_slice %arg6[%add3A_80, %dma_start3A_100] : memref<100352x128xf32, #tpu.memory_space<hbm>> -> memref<128x128xf32, #tpu.memory_space<hbm>>
          %dma_start3A_102 = arith.constant 0 : i32
          %dma_start3A_103 = tpu.memref_slice %arg6[%add3A_80, %dma_start3A_102] : memref<100352x128xf32, #tpu.memory_space<hbm>> -> memref<128x128xf32, #tpu.memory_space<hbm>>
          tpu.enqueue_dma source(%arg9 : memref<128x128xf32, #tpu.memory_space<vmem>>) target(%dma_start3A_103 : memref<128x128xf32, #tpu.memory_space<hbm>>) target_semaphore(%run_scoped3A : memref<!tpu.dma_semaphore, #tpu.memory_space<semaphore_mem>>)
          %dma_wait3A_104 = arith.constant 0 : i32
          %dma_wait3A_105 = tpu.memref_slice %arg6[%add3A_80, %dma_wait3A_104] : memref<100352x128xf32, #tpu.memory_space<hbm>> -> memref<128x128xf32, #tpu.memory_space<hbm>>
          %dma_wait3A_106 = arith.constant 0 : i32
          %dma_wait3A_107 = tpu.memref_slice %arg6[%add3A_80, %dma_wait3A_106] : memref<100352x128xf32, #tpu.memory_space<hbm>> -> memref<128x128xf32, #tpu.memory_space<hbm>>
          tpu.wait_dma2 semaphore(%run_scoped3A : memref<!tpu.dma_semaphore, #tpu.memory_space<semaphore_mem>>) src(%arg9 : memref<128x128xf32, #tpu.memory_space<vmem>>) dst(%dma_wait3A_107 : memref<128x128xf32, #tpu.memory_space<hbm>>)
          tpu.yield
        }) : () -> ()
        %dma_start3A_81 = arith.constant 768 : i32
        %dma_start3A_82 = tpu.memref_slice %arg8[%dma_start3A_81] : memref<896xi32, #tpu.memory_space<vmem>> -> memref<128xi32, #tpu.memory_space<vmem>>
        %dma_start3A_83 = arith.constant 0 : i32
        %dma_start3A_84 = arith.constant 0 : i32
        %dma_start3A_85 = tpu.memref_slice %arg4[%dma_start3A_83, %dma_start3A_84] : memref<10240x128xf32, #tpu.memory_space<hbm>> -> memref<10240x128xf32, #tpu.memory_space<hbm>>
        tpu.enqueue_indirect_dma source(%dma_start3A_85 : memref<10240x128xf32, #tpu.memory_space<hbm>>) target(%arg9 : memref<128x128xf32, #tpu.memory_space<vmem>>) offsets(%dma_start3A_82 : memref<128xi32, #tpu.memory_space<vmem>>) semaphore(%arg11 : memref<!tpu.dma_semaphore, #tpu.memory_space<semaphore_mem>>)
        %dma_wait3A_86 = arith.constant 640 : i32
        %dma_wait3A_87 = tpu.memref_slice %arg8[%dma_wait3A_86] : memref<896xi32, #tpu.memory_space<vmem>> -> memref<128xi32, #tpu.memory_space<vmem>>
        %dma_wait3A_88 = arith.constant 0 : i32
        %dma_wait3A_89 = arith.constant 0 : i32
        %dma_wait3A_90 = tpu.memref_slice %arg4[%dma_wait3A_88, %dma_wait3A_89] : memref<10240x128xf32, #tpu.memory_space<hbm>> -> memref<10240x128xf32, #tpu.memory_space<hbm>>
        tpu.wait_indirect_dma semaphore(%arg12 : memref<!tpu.dma_semaphore, #tpu.memory_space<semaphore_mem>>) src(%dma_wait3A_90 : memref<10240x128xf32, #tpu.memory_space<hbm>>) dst(%arg10 : memref<128x128xf32, #tpu.memory_space<vmem>>)
        %add3A_91 = arith.constant 640 : i32
        %add3A_92 = arith.addi %mul3A_17, %add3A_91 : i32
        "tpu.region"() ({
          %run_scoped3A = tpu.sem_alloc : memref<!tpu.dma_semaphore, #tpu.memory_space<semaphore_mem>>
          %dma_start3A_100 = arith.constant 0 : i32
          %dma_start3A_101 = tpu.memref_slice %arg6[%add3A_92, %dma_start3A_100] : memref<100352x128xf32, #tpu.memory_space<hbm>> -> memref<128x128xf32, #tpu.memory_space<hbm>>
          %dma_start3A_102 = arith.constant 0 : i32
          %dma_start3A_103 = tpu.memref_slice %arg6[%add3A_92, %dma_start3A_102] : memref<100352x128xf32, #tpu.memory_space<hbm>> -> memref<128x128xf32, #tpu.memory_space<hbm>>
          tpu.enqueue_dma source(%arg10 : memref<128x128xf32, #tpu.memory_space<vmem>>) target(%dma_start3A_103 : memref<128x128xf32, #tpu.memory_space<hbm>>) target_semaphore(%run_scoped3A : memref<!tpu.dma_semaphore, #tpu.memory_space<semaphore_mem>>)
          %dma_wait3A_104 = arith.constant 0 : i32
          %dma_wait3A_105 = tpu.memref_slice %arg6[%add3A_92, %dma_wait3A_104] : memref<100352x128xf32, #tpu.memory_space<hbm>> -> memref<128x128xf32, #tpu.memory_space<hbm>>
          %dma_wait3A_106 = arith.constant 0 : i32
          %dma_wait3A_107 = tpu.memref_slice %arg6[%add3A_92, %dma_wait3A_106] : memref<100352x128xf32, #tpu.memory_space<hbm>> -> memref<128x128xf32, #tpu.memory_space<hbm>>
          tpu.wait_dma2 semaphore(%run_scoped3A : memref<!tpu.dma_semaphore, #tpu.memory_space<semaphore_mem>>) src(%arg10 : memref<128x128xf32, #tpu.memory_space<vmem>>) dst(%dma_wait3A_107 : memref<128x128xf32, #tpu.memory_space<hbm>>)
          tpu.yield
        }) : () -> ()
        %dma_wait3A_93 = arith.constant 768 : i32
        %dma_wait3A_94 = tpu.memref_slice %arg8[%dma_wait3A_93] : memref<896xi32, #tpu.memory_space<vmem>> -> memref<128xi32, #tpu.memory_space<vmem>>
        %dma_wait3A_95 = arith.constant 0 : i32
        %dma_wait3A_96 = arith.constant 0 : i32
        %dma_wait3A_97 = tpu.memref_slice %arg4[%dma_wait3A_95, %dma_wait3A_96] : memref<10240x128xf32, #tpu.memory_space<hbm>> -> memref<10240x128xf32, #tpu.memory_space<hbm>>
        tpu.wait_indirect_dma semaphore(%arg11 : memref<!tpu.dma_semaphore, #tpu.memory_space<semaphore_mem>>) src(%dma_wait3A_97 : memref<10240x128xf32, #tpu.memory_space<hbm>>) dst(%arg9 : memref<128x128xf32, #tpu.memory_space<vmem>>)
        %add3A_98 = arith.constant 768 : i32
        %add3A_99 = arith.addi %mul3A_17, %add3A_98 : i32
        "tpu.region"() ({
          %run_scoped3A = tpu.sem_alloc : memref<!tpu.dma_semaphore, #tpu.memory_space<semaphore_mem>>
          %dma_start3A_100 = arith.constant 0 : i32
          %dma_start3A_101 = tpu.memref_slice %arg6[%add3A_99, %dma_start3A_100] : memref<100352x128xf32, #tpu.memory_space<hbm>> -> memref<128x128xf32, #tpu.memory_space<hbm>>
          %dma_start3A_102 = arith.constant 0 : i32
          %dma_start3A_103 = tpu.memref_slice %arg6[%add3A_99, %dma_start3A_102] : memref<100352x128xf32, #tpu.memory_space<hbm>> -> memref<128x128xf32, #tpu.memory_space<hbm>>
          tpu.enqueue_dma source(%arg9 : memref<128x128xf32, #tpu.memory_space<vmem>>) target(%dma_start3A_103 : memref<128x128xf32, #tpu.memory_space<hbm>>) target_semaphore(%run_scoped3A : memref<!tpu.dma_semaphore, #tpu.memory_space<semaphore_mem>>)
          %dma_wait3A_104 = arith.constant 0 : i32
          %dma_wait3A_105 = tpu.memref_slice %arg6[%add3A_99, %dma_wait3A_104] : memref<100352x128xf32, #tpu.memory_space<hbm>> -> memref<128x128xf32, #tpu.memory_space<hbm>>
          %dma_wait3A_106 = arith.constant 0 : i32
          %dma_wait3A_107 = tpu.memref_slice %arg6[%add3A_99, %dma_wait3A_106] : memref<100352x128xf32, #tpu.memory_space<hbm>> -> memref<128x128xf32, #tpu.memory_space<hbm>>
          tpu.wait_dma2 semaphore(%run_scoped3A : memref<!tpu.dma_semaphore, #tpu.memory_space<semaphore_mem>>) src(%arg9 : memref<128x128xf32, #tpu.memory_space<vmem>>) dst(%dma_wait3A_107 : memref<128x128xf32, #tpu.memory_space<hbm>>)
          tpu.yield
        }) : () -> ()
      }
      %scan3A_12 = arith.constant 7 : i32
    } else {
    }
    %eq3A_3 = arith.constant 1 : i32
    %eq3A_4 = arith.cmpi eq, %arg0, %eq3A_3 : i32
    %convert_element_type3A_5 = arith.extui %eq3A_4 : i1 to i32
    %cond3A_6 = arith.constant 0 : i32
    %cond3A_7 = arith.cmpi ne, %convert_element_type3A_5, %cond3A_6 : i32
    scf.if %cond3A_7 {
      %scan3A = arith.constant 0 : i32
      %scan3A_8 = arith.constant 0 : i32
      %scan3A_9 = arith.constant 7 : i32
      %scan3A_10 = arith.addi %scan3A_8, %scan3A_9 : i32
      %scan3A_11 = arith.constant 1 : i32
      scf.for %scan3A_13 = %scan3A_8 to %scan3A_10 step %scan3A_11  : i32 {
        %mul3A_14 = arith.constant 7 : i32
        %mul3A_15 = arith.muli %scan3A_13, %mul3A_14 : i32
        %add3A = arith.addi %mul3A_0, %mul3A_15 : i32
        %mul3A_16 = arith.constant 128 : i32
        %mul3A_17 = arith.muli %add3A, %mul3A_16 : i32
        "tpu.region"() ({
          %run_scoped3A = tpu.sem_alloc : memref<!tpu.dma_semaphore, #tpu.memory_space<semaphore_mem>>
          %dma_start3A_100 = tpu.memref_slice %arg3[%mul3A_17] : memref<100352xi32, #tpu.memory_space<hbm>> -> memref<896xi32, #tpu.memory_space<hbm>>
          %dma_start3A_101 = tpu.memref_slice %arg3[%mul3A_17] : memref<100352xi32, #tpu.memory_space<hbm>> -> memref<896xi32, #tpu.memory_space<hbm>>
          tpu.enqueue_dma source(%dma_start3A_101 : memref<896xi32, #tpu.memory_space<hbm>>) target(%arg8 : memref<896xi32, #tpu.memory_space<vmem>>) target_semaphore(%run_scoped3A : memref<!tpu.dma_semaphore, #tpu.memory_space<semaphore_mem>>)
          %dma_wait3A_102 = tpu.memref_slice %arg3[%mul3A_17] : memref<100352xi32, #tpu.memory_space<hbm>> -> memref<896xi32, #tpu.memory_space<hbm>>
          %dma_wait3A_103 = tpu.memref_slice %arg3[%mul3A_17] : memref<100352xi32, #tpu.memory_space<hbm>> -> memref<896xi32, #tpu.memory_space<hbm>>
          tpu.wait_dma2 semaphore(%run_scoped3A : memref<!tpu.dma_semaphore, #tpu.memory_space<semaphore_mem>>) src(%dma_wait3A_103 : memref<896xi32, #tpu.memory_space<hbm>>) dst(%arg8 : memref<896xi32, #tpu.memory_space<vmem>>)
          tpu.yield
        }) : () -> ()
        %dma_start3A = arith.constant 0 : i32
        %dma_start3A_18 = tpu.memref_slice %arg8[%dma_start3A] : memref<896xi32, #tpu.memory_space<vmem>> -> memref<128xi32, #tpu.memory_space<vmem>>
        %dma_start3A_19 = arith.constant 0 : i32
        %dma_start3A_20 = arith.constant 0 : i32
        %dma_start3A_21 = tpu.memref_slice %arg5[%dma_start3A_19, %dma_start3A_20] : memref<10240x128xf32, #tpu.memory_space<hbm>> -> memref<10240x128xf32, #tpu.memory_space<hbm>>
        tpu.enqueue_indirect_dma source(%dma_start3A_21 : memref<10240x128xf32, #tpu.memory_space<hbm>>) target(%arg9 : memref<128x128xf32, #tpu.memory_space<vmem>>) offsets(%dma_start3A_18 : memref<128xi32, #tpu.memory_space<vmem>>) semaphore(%arg11 : memref<!tpu.dma_semaphore, #tpu.memory_space<semaphore_mem>>)
        %dma_start3A_22 = arith.constant 128 : i32
        %dma_start3A_23 = tpu.memref_slice %arg8[%dma_start3A_22] : memref<896xi32, #tpu.memory_space<vmem>> -> memref<128xi32, #tpu.memory_space<vmem>>
        %dma_start3A_24 = arith.constant 0 : i32
        %dma_start3A_25 = arith.constant 0 : i32
        %dma_start3A_26 = tpu.memref_slice %arg5[%dma_start3A_24, %dma_start3A_25] : memref<10240x128xf32, #tpu.memory_space<hbm>> -> memref<10240x128xf32, #tpu.memory_space<hbm>>
        tpu.enqueue_indirect_dma source(%dma_start3A_26 : memref<10240x128xf32, #tpu.memory_space<hbm>>) target(%arg10 : memref<128x128xf32, #tpu.memory_space<vmem>>) offsets(%dma_start3A_23 : memref<128xi32, #tpu.memory_space<vmem>>) semaphore(%arg12 : memref<!tpu.dma_semaphore, #tpu.memory_space<semaphore_mem>>)
        %dma_wait3A = arith.constant 0 : i32
        %dma_wait3A_27 = tpu.memref_slice %arg8[%dma_wait3A] : memref<896xi32, #tpu.memory_space<vmem>> -> memref<128xi32, #tpu.memory_space<vmem>>
        %dma_wait3A_28 = arith.constant 0 : i32
        %dma_wait3A_29 = arith.constant 0 : i32
        %dma_wait3A_30 = tpu.memref_slice %arg5[%dma_wait3A_28, %dma_wait3A_29] : memref<10240x128xf32, #tpu.memory_space<hbm>> -> memref<10240x128xf32, #tpu.memory_space<hbm>>
        tpu.wait_indirect_dma semaphore(%arg11 : memref<!tpu.dma_semaphore, #tpu.memory_space<semaphore_mem>>) src(%dma_wait3A_30 : memref<10240x128xf32, #tpu.memory_space<hbm>>) dst(%arg9 : memref<128x128xf32, #tpu.memory_space<vmem>>)
        %add3A_31 = arith.constant 0 : i32
        %add3A_32 = arith.addi %mul3A_17, %add3A_31 : i32
        "tpu.region"() ({
          %run_scoped3A = tpu.sem_alloc : memref<!tpu.dma_semaphore, #tpu.memory_space<semaphore_mem>>
          %dma_start3A_100 = arith.constant 0 : i32
          %dma_start3A_101 = tpu.memref_slice %arg7[%add3A_32, %dma_start3A_100] : memref<100352x128xf32, #tpu.memory_space<hbm>> -> memref<128x128xf32, #tpu.memory_space<hbm>>
          %dma_start3A_102 = arith.constant 0 : i32
          %dma_start3A_103 = tpu.memref_slice %arg7[%add3A_32, %dma_start3A_102] : memref<100352x128xf32, #tpu.memory_space<hbm>> -> memref<128x128xf32, #tpu.memory_space<hbm>>
          tpu.enqueue_dma source(%arg9 : memref<128x128xf32, #tpu.memory_space<vmem>>) target(%dma_start3A_103 : memref<128x128xf32, #tpu.memory_space<hbm>>) target_semaphore(%run_scoped3A : memref<!tpu.dma_semaphore, #tpu.memory_space<semaphore_mem>>)
          %dma_wait3A_104 = arith.constant 0 : i32
          %dma_wait3A_105 = tpu.memref_slice %arg7[%add3A_32, %dma_wait3A_104] : memref<100352x128xf32, #tpu.memory_space<hbm>> -> memref<128x128xf32, #tpu.memory_space<hbm>>
          %dma_wait3A_106 = arith.constant 0 : i32
          %dma_wait3A_107 = tpu.memref_slice %arg7[%add3A_32, %dma_wait3A_106] : memref<100352x128xf32, #tpu.memory_space<hbm>> -> memref<128x128xf32, #tpu.memory_space<hbm>>
          tpu.wait_dma2 semaphore(%run_scoped3A : memref<!tpu.dma_semaphore, #tpu.memory_space<semaphore_mem>>) src(%arg9 : memref<128x128xf32, #tpu.memory_space<vmem>>) dst(%dma_wait3A_107 : memref<128x128xf32, #tpu.memory_space<hbm>>)
          tpu.yield
        }) : () -> ()
        %dma_start3A_33 = arith.constant 256 : i32
        %dma_start3A_34 = tpu.memref_slice %arg8[%dma_start3A_33] : memref<896xi32, #tpu.memory_space<vmem>> -> memref<128xi32, #tpu.memory_space<vmem>>
        %dma_start3A_35 = arith.constant 0 : i32
        %dma_start3A_36 = arith.constant 0 : i32
        %dma_start3A_37 = tpu.memref_slice %arg5[%dma_start3A_35, %dma_start3A_36] : memref<10240x128xf32, #tpu.memory_space<hbm>> -> memref<10240x128xf32, #tpu.memory_space<hbm>>
        tpu.enqueue_indirect_dma source(%dma_start3A_37 : memref<10240x128xf32, #tpu.memory_space<hbm>>) target(%arg9 : memref<128x128xf32, #tpu.memory_space<vmem>>) offsets(%dma_start3A_34 : memref<128xi32, #tpu.memory_space<vmem>>) semaphore(%arg11 : memref<!tpu.dma_semaphore, #tpu.memory_space<semaphore_mem>>)
        %dma_wait3A_38 = arith.constant 128 : i32
        %dma_wait3A_39 = tpu.memref_slice %arg8[%dma_wait3A_38] : memref<896xi32, #tpu.memory_space<vmem>> -> memref<128xi32, #tpu.memory_space<vmem>>
        %dma_wait3A_40 = arith.constant 0 : i32
        %dma_wait3A_41 = arith.constant 0 : i32
        %dma_wait3A_42 = tpu.memref_slice %arg5[%dma_wait3A_40, %dma_wait3A_41] : memref<10240x128xf32, #tpu.memory_space<hbm>> -> memref<10240x128xf32, #tpu.memory_space<hbm>>
        tpu.wait_indirect_dma semaphore(%arg12 : memref<!tpu.dma_semaphore, #tpu.memory_space<semaphore_mem>>) src(%dma_wait3A_42 : memref<10240x128xf32, #tpu.memory_space<hbm>>) dst(%arg10 : memref<128x128xf32, #tpu.memory_space<vmem>>)
        %add3A_43 = arith.constant 128 : i32
        %add3A_44 = arith.addi %mul3A_17, %add3A_43 : i32
        "tpu.region"() ({
          %run_scoped3A = tpu.sem_alloc : memref<!tpu.dma_semaphore, #tpu.memory_space<semaphore_mem>>
          %dma_start3A_100 = arith.constant 0 : i32
          %dma_start3A_101 = tpu.memref_slice %arg7[%add3A_44, %dma_start3A_100] : memref<100352x128xf32, #tpu.memory_space<hbm>> -> memref<128x128xf32, #tpu.memory_space<hbm>>
          %dma_start3A_102 = arith.constant 0 : i32
          %dma_start3A_103 = tpu.memref_slice %arg7[%add3A_44, %dma_start3A_102] : memref<100352x128xf32, #tpu.memory_space<hbm>> -> memref<128x128xf32, #tpu.memory_space<hbm>>
          tpu.enqueue_dma source(%arg10 : memref<128x128xf32, #tpu.memory_space<vmem>>) target(%dma_start3A_103 : memref<128x128xf32, #tpu.memory_space<hbm>>) target_semaphore(%run_scoped3A : memref<!tpu.dma_semaphore, #tpu.memory_space<semaphore_mem>>)
          %dma_wait3A_104 = arith.constant 0 : i32
          %dma_wait3A_105 = tpu.memref_slice %arg7[%add3A_44, %dma_wait3A_104] : memref<100352x128xf32, #tpu.memory_space<hbm>> -> memref<128x128xf32, #tpu.memory_space<hbm>>
          %dma_wait3A_106 = arith.constant 0 : i32
          %dma_wait3A_107 = tpu.memref_slice %arg7[%add3A_44, %dma_wait3A_106] : memref<100352x128xf32, #tpu.memory_space<hbm>> -> memref<128x128xf32, #tpu.memory_space<hbm>>
          tpu.wait_dma2 semaphore(%run_scoped3A : memref<!tpu.dma_semaphore, #tpu.memory_space<semaphore_mem>>) src(%arg10 : memref<128x128xf32, #tpu.memory_space<vmem>>) dst(%dma_wait3A_107 : memref<128x128xf32, #tpu.memory_space<hbm>>)
          tpu.yield
        }) : () -> ()
        %dma_start3A_45 = arith.constant 384 : i32
        %dma_start3A_46 = tpu.memref_slice %arg8[%dma_start3A_45] : memref<896xi32, #tpu.memory_space<vmem>> -> memref<128xi32, #tpu.memory_space<vmem>>
        %dma_start3A_47 = arith.constant 0 : i32
        %dma_start3A_48 = arith.constant 0 : i32
        %dma_start3A_49 = tpu.memref_slice %arg5[%dma_start3A_47, %dma_start3A_48] : memref<10240x128xf32, #tpu.memory_space<hbm>> -> memref<10240x128xf32, #tpu.memory_space<hbm>>
        tpu.enqueue_indirect_dma source(%dma_start3A_49 : memref<10240x128xf32, #tpu.memory_space<hbm>>) target(%arg10 : memref<128x128xf32, #tpu.memory_space<vmem>>) offsets(%dma_start3A_46 : memref<128xi32, #tpu.memory_space<vmem>>) semaphore(%arg12 : memref<!tpu.dma_semaphore, #tpu.memory_space<semaphore_mem>>)
        %dma_wait3A_50 = arith.constant 256 : i32
        %dma_wait3A_51 = tpu.memref_slice %arg8[%dma_wait3A_50] : memref<896xi32, #tpu.memory_space<vmem>> -> memref<128xi32, #tpu.memory_space<vmem>>
        %dma_wait3A_52 = arith.constant 0 : i32
        %dma_wait3A_53 = arith.constant 0 : i32
        %dma_wait3A_54 = tpu.memref_slice %arg5[%dma_wait3A_52, %dma_wait3A_53] : memref<10240x128xf32, #tpu.memory_space<hbm>> -> memref<10240x128xf32, #tpu.memory_space<hbm>>
        tpu.wait_indirect_dma semaphore(%arg11 : memref<!tpu.dma_semaphore, #tpu.memory_space<semaphore_mem>>) src(%dma_wait3A_54 : memref<10240x128xf32, #tpu.memory_space<hbm>>) dst(%arg9 : memref<128x128xf32, #tpu.memory_space<vmem>>)
        %add3A_55 = arith.constant 256 : i32
        %add3A_56 = arith.addi %mul3A_17, %add3A_55 : i32
        "tpu.region"() ({
          %run_scoped3A = tpu.sem_alloc : memref<!tpu.dma_semaphore, #tpu.memory_space<semaphore_mem>>
          %dma_start3A_100 = arith.constant 0 : i32
          %dma_start3A_101 = tpu.memref_slice %arg7[%add3A_56, %dma_start3A_100] : memref<100352x128xf32, #tpu.memory_space<hbm>> -> memref<128x128xf32, #tpu.memory_space<hbm>>
          %dma_start3A_102 = arith.constant 0 : i32
          %dma_start3A_103 = tpu.memref_slice %arg7[%add3A_56, %dma_start3A_102] : memref<100352x128xf32, #tpu.memory_space<hbm>> -> memref<128x128xf32, #tpu.memory_space<hbm>>
          tpu.enqueue_dma source(%arg9 : memref<128x128xf32, #tpu.memory_space<vmem>>) target(%dma_start3A_103 : memref<128x128xf32, #tpu.memory_space<hbm>>) target_semaphore(%run_scoped3A : memref<!tpu.dma_semaphore, #tpu.memory_space<semaphore_mem>>)
          %dma_wait3A_104 = arith.constant 0 : i32
          %dma_wait3A_105 = tpu.memref_slice %arg7[%add3A_56, %dma_wait3A_104] : memref<100352x128xf32, #tpu.memory_space<hbm>> -> memref<128x128xf32, #tpu.memory_space<hbm>>
          %dma_wait3A_106 = arith.constant 0 : i32
          %dma_wait3A_107 = tpu.memref_slice %arg7[%add3A_56, %dma_wait3A_106] : memref<100352x128xf32, #tpu.memory_space<hbm>> -> memref<128x128xf32, #tpu.memory_space<hbm>>
          tpu.wait_dma2 semaphore(%run_scoped3A : memref<!tpu.dma_semaphore, #tpu.memory_space<semaphore_mem>>) src(%arg9 : memref<128x128xf32, #tpu.memory_space<vmem>>) dst(%dma_wait3A_107 : memref<128x128xf32, #tpu.memory_space<hbm>>)
          tpu.yield
        }) : () -> ()
        %dma_start3A_57 = arith.constant 512 : i32
        %dma_start3A_58 = tpu.memref_slice %arg8[%dma_start3A_57] : memref<896xi32, #tpu.memory_space<vmem>> -> memref<128xi32, #tpu.memory_space<vmem>>
        %dma_start3A_59 = arith.constant 0 : i32
        %dma_start3A_60 = arith.constant 0 : i32
        %dma_start3A_61 = tpu.memref_slice %arg5[%dma_start3A_59, %dma_start3A_60] : memref<10240x128xf32, #tpu.memory_space<hbm>> -> memref<10240x128xf32, #tpu.memory_space<hbm>>
        tpu.enqueue_indirect_dma source(%dma_start3A_61 : memref<10240x128xf32, #tpu.memory_space<hbm>>) target(%arg9 : memref<128x128xf32, #tpu.memory_space<vmem>>) offsets(%dma_start3A_58 : memref<128xi32, #tpu.memory_space<vmem>>) semaphore(%arg11 : memref<!tpu.dma_semaphore, #tpu.memory_space<semaphore_mem>>)
        %dma_wait3A_62 = arith.constant 384 : i32
        %dma_wait3A_63 = tpu.memref_slice %arg8[%dma_wait3A_62] : memref<896xi32, #tpu.memory_space<vmem>> -> memref<128xi32, #tpu.memory_space<vmem>>
        %dma_wait3A_64 = arith.constant 0 : i32
        %dma_wait3A_65 = arith.constant 0 : i32
        %dma_wait3A_66 = tpu.memref_slice %arg5[%dma_wait3A_64, %dma_wait3A_65] : memref<10240x128xf32, #tpu.memory_space<hbm>> -> memref<10240x128xf32, #tpu.memory_space<hbm>>
        tpu.wait_indirect_dma semaphore(%arg12 : memref<!tpu.dma_semaphore, #tpu.memory_space<semaphore_mem>>) src(%dma_wait3A_66 : memref<10240x128xf32, #tpu.memory_space<hbm>>) dst(%arg10 : memref<128x128xf32, #tpu.memory_space<vmem>>)
        %add3A_67 = arith.constant 384 : i32
        %add3A_68 = arith.addi %mul3A_17, %add3A_67 : i32
        "tpu.region"() ({
          %run_scoped3A = tpu.sem_alloc : memref<!tpu.dma_semaphore, #tpu.memory_space<semaphore_mem>>
          %dma_start3A_100 = arith.constant 0 : i32
          %dma_start3A_101 = tpu.memref_slice %arg7[%add3A_68, %dma_start3A_100] : memref<100352x128xf32, #tpu.memory_space<hbm>> -> memref<128x128xf32, #tpu.memory_space<hbm>>
          %dma_start3A_102 = arith.constant 0 : i32
          %dma_start3A_103 = tpu.memref_slice %arg7[%add3A_68, %dma_start3A_102] : memref<100352x128xf32, #tpu.memory_space<hbm>> -> memref<128x128xf32, #tpu.memory_space<hbm>>
          tpu.enqueue_dma source(%arg10 : memref<128x128xf32, #tpu.memory_space<vmem>>) target(%dma_start3A_103 : memref<128x128xf32, #tpu.memory_space<hbm>>) target_semaphore(%run_scoped3A : memref<!tpu.dma_semaphore, #tpu.memory_space<semaphore_mem>>)
          %dma_wait3A_104 = arith.constant 0 : i32
          %dma_wait3A_105 = tpu.memref_slice %arg7[%add3A_68, %dma_wait3A_104] : memref<100352x128xf32, #tpu.memory_space<hbm>> -> memref<128x128xf32, #tpu.memory_space<hbm>>
          %dma_wait3A_106 = arith.constant 0 : i32
          %dma_wait3A_107 = tpu.memref_slice %arg7[%add3A_68, %dma_wait3A_106] : memref<100352x128xf32, #tpu.memory_space<hbm>> -> memref<128x128xf32, #tpu.memory_space<hbm>>
          tpu.wait_dma2 semaphore(%run_scoped3A : memref<!tpu.dma_semaphore, #tpu.memory_space<semaphore_mem>>) src(%arg10 : memref<128x128xf32, #tpu.memory_space<vmem>>) dst(%dma_wait3A_107 : memref<128x128xf32, #tpu.memory_space<hbm>>)
          tpu.yield
        }) : () -> ()
        %dma_start3A_69 = arith.constant 640 : i32
        %dma_start3A_70 = tpu.memref_slice %arg8[%dma_start3A_69] : memref<896xi32, #tpu.memory_space<vmem>> -> memref<128xi32, #tpu.memory_space<vmem>>
        %dma_start3A_71 = arith.constant 0 : i32
        %dma_start3A_72 = arith.constant 0 : i32
        %dma_start3A_73 = tpu.memref_slice %arg5[%dma_start3A_71, %dma_start3A_72] : memref<10240x128xf32, #tpu.memory_space<hbm>> -> memref<10240x128xf32, #tpu.memory_space<hbm>>
        tpu.enqueue_indirect_dma source(%dma_start3A_73 : memref<10240x128xf32, #tpu.memory_space<hbm>>) target(%arg10 : memref<128x128xf32, #tpu.memory_space<vmem>>) offsets(%dma_start3A_70 : memref<128xi32, #tpu.memory_space<vmem>>) semaphore(%arg12 : memref<!tpu.dma_semaphore, #tpu.memory_space<semaphore_mem>>)
        %dma_wait3A_74 = arith.constant 512 : i32
        %dma_wait3A_75 = tpu.memref_slice %arg8[%dma_wait3A_74] : memref<896xi32, #tpu.memory_space<vmem>> -> memref<128xi32, #tpu.memory_space<vmem>>
        %dma_wait3A_76 = arith.constant 0 : i32
        %dma_wait3A_77 = arith.constant 0 : i32
        %dma_wait3A_78 = tpu.memref_slice %arg5[%dma_wait3A_76, %dma_wait3A_77] : memref<10240x128xf32, #tpu.memory_space<hbm>> -> memref<10240x128xf32, #tpu.memory_space<hbm>>
        tpu.wait_indirect_dma semaphore(%arg11 : memref<!tpu.dma_semaphore, #tpu.memory_space<semaphore_mem>>) src(%dma_wait3A_78 : memref<10240x128xf32, #tpu.memory_space<hbm>>) dst(%arg9 : memref<128x128xf32, #tpu.memory_space<vmem>>)
        %add3A_79 = arith.constant 512 : i32
        %add3A_80 = arith.addi %mul3A_17, %add3A_79 : i32
        "tpu.region"() ({
          %run_scoped3A = tpu.sem_alloc : memref<!tpu.dma_semaphore, #tpu.memory_space<semaphore_mem>>
          %dma_start3A_100 = arith.constant 0 : i32
          %dma_start3A_101 = tpu.memref_slice %arg7[%add3A_80, %dma_start3A_100] : memref<100352x128xf32, #tpu.memory_space<hbm>> -> memref<128x128xf32, #tpu.memory_space<hbm>>
          %dma_start3A_102 = arith.constant 0 : i32
          %dma_start3A_103 = tpu.memref_slice %arg7[%add3A_80, %dma_start3A_102] : memref<100352x128xf32, #tpu.memory_space<hbm>> -> memref<128x128xf32, #tpu.memory_space<hbm>>
          tpu.enqueue_dma source(%arg9 : memref<128x128xf32, #tpu.memory_space<vmem>>) target(%dma_start3A_103 : memref<128x128xf32, #tpu.memory_space<hbm>>) target_semaphore(%run_scoped3A : memref<!tpu.dma_semaphore, #tpu.memory_space<semaphore_mem>>)
          %dma_wait3A_104 = arith.constant 0 : i32
          %dma_wait3A_105 = tpu.memref_slice %arg7[%add3A_80, %dma_wait3A_104] : memref<100352x128xf32, #tpu.memory_space<hbm>> -> memref<128x128xf32, #tpu.memory_space<hbm>>
          %dma_wait3A_106 = arith.constant 0 : i32
          %dma_wait3A_107 = tpu.memref_slice %arg7[%add3A_80, %dma_wait3A_106] : memref<100352x128xf32, #tpu.memory_space<hbm>> -> memref<128x128xf32, #tpu.memory_space<hbm>>
          tpu.wait_dma2 semaphore(%run_scoped3A : memref<!tpu.dma_semaphore, #tpu.memory_space<semaphore_mem>>) src(%arg9 : memref<128x128xf32, #tpu.memory_space<vmem>>) dst(%dma_wait3A_107 : memref<128x128xf32, #tpu.memory_space<hbm>>)
          tpu.yield
        }) : () -> ()
        %dma_start3A_81 = arith.constant 768 : i32
        %dma_start3A_82 = tpu.memref_slice %arg8[%dma_start3A_81] : memref<896xi32, #tpu.memory_space<vmem>> -> memref<128xi32, #tpu.memory_space<vmem>>
        %dma_start3A_83 = arith.constant 0 : i32
        %dma_start3A_84 = arith.constant 0 : i32
        %dma_start3A_85 = tpu.memref_slice %arg5[%dma_start3A_83, %dma_start3A_84] : memref<10240x128xf32, #tpu.memory_space<hbm>> -> memref<10240x128xf32, #tpu.memory_space<hbm>>
        tpu.enqueue_indirect_dma source(%dma_start3A_85 : memref<10240x128xf32, #tpu.memory_space<hbm>>) target(%arg9 : memref<128x128xf32, #tpu.memory_space<vmem>>) offsets(%dma_start3A_82 : memref<128xi32, #tpu.memory_space<vmem>>) semaphore(%arg11 : memref<!tpu.dma_semaphore, #tpu.memory_space<semaphore_mem>>)
        %dma_wait3A_86 = arith.constant 640 : i32
        %dma_wait3A_87 = tpu.memref_slice %arg8[%dma_wait3A_86] : memref<896xi32, #tpu.memory_space<vmem>> -> memref<128xi32, #tpu.memory_space<vmem>>
        %dma_wait3A_88 = arith.constant 0 : i32
        %dma_wait3A_89 = arith.constant 0 : i32
        %dma_wait3A_90 = tpu.memref_slice %arg5[%dma_wait3A_88, %dma_wait3A_89] : memref<10240x128xf32, #tpu.memory_space<hbm>> -> memref<10240x128xf32, #tpu.memory_space<hbm>>
        tpu.wait_indirect_dma semaphore(%arg12 : memref<!tpu.dma_semaphore, #tpu.memory_space<semaphore_mem>>) src(%dma_wait3A_90 : memref<10240x128xf32, #tpu.memory_space<hbm>>) dst(%arg10 : memref<128x128xf32, #tpu.memory_space<vmem>>)
        %add3A_91 = arith.constant 640 : i32
        %add3A_92 = arith.addi %mul3A_17, %add3A_91 : i32
        "tpu.region"() ({
          %run_scoped3A = tpu.sem_alloc : memref<!tpu.dma_semaphore, #tpu.memory_space<semaphore_mem>>
          %dma_start3A_100 = arith.constant 0 : i32
          %dma_start3A_101 = tpu.memref_slice %arg7[%add3A_92, %dma_start3A_100] : memref<100352x128xf32, #tpu.memory_space<hbm>> -> memref<128x128xf32, #tpu.memory_space<hbm>>
          %dma_start3A_102 = arith.constant 0 : i32
          %dma_start3A_103 = tpu.memref_slice %arg7[%add3A_92, %dma_start3A_102] : memref<100352x128xf32, #tpu.memory_space<hbm>> -> memref<128x128xf32, #tpu.memory_space<hbm>>
          tpu.enqueue_dma source(%arg10 : memref<128x128xf32, #tpu.memory_space<vmem>>) target(%dma_start3A_103 : memref<128x128xf32, #tpu.memory_space<hbm>>) target_semaphore(%run_scoped3A : memref<!tpu.dma_semaphore, #tpu.memory_space<semaphore_mem>>)
          %dma_wait3A_104 = arith.constant 0 : i32
          %dma_wait3A_105 = tpu.memref_slice %arg7[%add3A_92, %dma_wait3A_104] : memref<100352x128xf32, #tpu.memory_space<hbm>> -> memref<128x128xf32, #tpu.memory_space<hbm>>
          %dma_wait3A_106 = arith.constant 0 : i32
          %dma_wait3A_107 = tpu.memref_slice %arg7[%add3A_92, %dma_wait3A_106] : memref<100352x128xf32, #tpu.memory_space<hbm>> -> memref<128x128xf32, #tpu.memory_space<hbm>>
          tpu.wait_dma2 semaphore(%run_scoped3A : memref<!tpu.dma_semaphore, #tpu.memory_space<semaphore_mem>>) src(%arg10 : memref<128x128xf32, #tpu.memory_space<vmem>>) dst(%dma_wait3A_107 : memref<128x128xf32, #tpu.memory_space<hbm>>)
          tpu.yield
        }) : () -> ()
        %dma_wait3A_93 = arith.constant 768 : i32
        %dma_wait3A_94 = tpu.memref_slice %arg8[%dma_wait3A_93] : memref<896xi32, #tpu.memory_space<vmem>> -> memref<128xi32, #tpu.memory_space<vmem>>
        %dma_wait3A_95 = arith.constant 0 : i32
        %dma_wait3A_96 = arith.constant 0 : i32
        %dma_wait3A_97 = tpu.memref_slice %arg5[%dma_wait3A_95, %dma_wait3A_96] : memref<10240x128xf32, #tpu.memory_space<hbm>> -> memref<10240x128xf32, #tpu.memory_space<hbm>>
        tpu.wait_indirect_dma semaphore(%arg11 : memref<!tpu.dma_semaphore, #tpu.memory_space<semaphore_mem>>) src(%dma_wait3A_97 : memref<10240x128xf32, #tpu.memory_space<hbm>>) dst(%arg9 : memref<128x128xf32, #tpu.memory_space<vmem>>)
        %add3A_98 = arith.constant 768 : i32
        %add3A_99 = arith.addi %mul3A_17, %add3A_98 : i32
        "tpu.region"() ({
          %run_scoped3A = tpu.sem_alloc : memref<!tpu.dma_semaphore, #tpu.memory_space<semaphore_mem>>
          %dma_start3A_100 = arith.constant 0 : i32
          %dma_start3A_101 = tpu.memref_slice %arg7[%add3A_99, %dma_start3A_100] : memref<100352x128xf32, #tpu.memory_space<hbm>> -> memref<128x128xf32, #tpu.memory_space<hbm>>
          %dma_start3A_102 = arith.constant 0 : i32
          %dma_start3A_103 = tpu.memref_slice %arg7[%add3A_99, %dma_start3A_102] : memref<100352x128xf32, #tpu.memory_space<hbm>> -> memref<128x128xf32, #tpu.memory_space<hbm>>
          tpu.enqueue_dma source(%arg9 : memref<128x128xf32, #tpu.memory_space<vmem>>) target(%dma_start3A_103 : memref<128x128xf32, #tpu.memory_space<hbm>>) target_semaphore(%run_scoped3A : memref<!tpu.dma_semaphore, #tpu.memory_space<semaphore_mem>>)
          %dma_wait3A_104 = arith.constant 0 : i32
          %dma_wait3A_105 = tpu.memref_slice %arg7[%add3A_99, %dma_wait3A_104] : memref<100352x128xf32, #tpu.memory_space<hbm>> -> memref<128x128xf32, #tpu.memory_space<hbm>>
          %dma_wait3A_106 = arith.constant 0 : i32
          %dma_wait3A_107 = tpu.memref_slice %arg7[%add3A_99, %dma_wait3A_106] : memref<100352x128xf32, #tpu.memory_space<hbm>> -> memref<128x128xf32, #tpu.memory_space<hbm>>
          tpu.wait_dma2 semaphore(%run_scoped3A : memref<!tpu.dma_semaphore, #tpu.memory_space<semaphore_mem>>) src(%arg9 : memref<128x128xf32, #tpu.memory_space<vmem>>) dst(%dma_wait3A_107 : memref<128x128xf32, #tpu.memory_space<hbm>>)
          tpu.yield
        }) : () -> ()
      }
      %scan3A_12 = arith.constant 7 : i32
    } else {
    }
    return
  }
}

module attributes {stable_mosaic.version = 14 : i64} {
  func.func @body(%arg0: i32, %arg1: memref<1024x128xf32, #tpu.memory_space<vmem>>, %arg2: memref<1024x128xf32, #tpu.memory_space<vmem>>, %arg3: memref<1024x128xf32, #tpu.memory_space<vmem>>, %arg4: memref<128x128xf32, #tpu.memory_space<vmem>>, %arg5: memref<1x128xf32, #tpu.memory_space<vmem>>, %arg6: memref<128x128xf32, #tpu.memory_space<vmem>>, %arg7: memref<1024x128xf32, #tpu.memory_space<vmem>>, %arg8: memref<1024x128xf32, #tpu.memory_space<vmem>>, %arg9: memref<1024x128xf32, #tpu.memory_space<vmem>>, %arg10: memref<128x128xf32, #tpu.memory_space<vmem>>, %arg11: memref<1x128xf32, #tpu.memory_space<vmem>>, %arg12: memref<128x128xf32, #tpu.memory_space<vmem>>, %arg13: memref<1024x128xf32, #tpu.memory_space<vmem>>, %arg14: memref<1024x128xf32, #tpu.memory_space<vmem>>) attributes {dimension_semantics = [#tpu.dimension_semantics<arbitrary>], iteration_bounds = array<i64: 10>, scalar_prefetch = 0 : i64, scratch_operands = 0 : i64, tpu.core_type = #tpu.core_type<tc>, window_params = [{transform_indices = @transform_0, window_bounds = array<i64: 1024, 128>}, {transform_indices = @transform_1, window_bounds = array<i64: 1024, 128>}, {transform_indices = @transform_2, window_bounds = array<i64: 1024, 128>}, {pipeline_mode = #tpu.pipeline_mode<synchronous>, transform_indices = @transform_3, window_bounds = array<i64: 128, 128>}, {pipeline_mode = #tpu.pipeline_mode<synchronous>, transform_indices = @transform_4, window_bounds = array<i64: 1, 128>}, {pipeline_mode = #tpu.pipeline_mode<synchronous>, transform_indices = @transform_5, window_bounds = array<i64: 128, 128>}, {transform_indices = @transform_6, window_bounds = array<i64: 1024, 128>}, {transform_indices = @transform_7, window_bounds = array<i64: 1024, 128>}, {transform_indices = @transform_8, window_bounds = array<i64: 1024, 128>}, {pipeline_mode = #tpu.pipeline_mode<synchronous>, transform_indices = @transform_9, window_bounds = array<i64: 128, 128>}, {pipeline_mode = #tpu.pipeline_mode<synchronous>, transform_indices = @transform_10, window_bounds = array<i64: 1, 128>}, {pipeline_mode = #tpu.pipeline_mode<synchronous>, transform_indices = @transform_11, window_bounds = array<i64: 128, 128>}, {transform_indices = @transform_12, window_bounds = array<i64: 1024, 128>}, {transform_indices = @transform_13, window_bounds = array<i64: 1024, 128>}]} {
    %get3A = arith.constant 0 : index
    %get3A_0 = arith.constant 0 : index
    %get3A_1 = vector.load %arg2[%get3A, %get3A_0] : memref<1024x128xf32, #tpu.memory_space<vmem>>, vector<1024x128xf32>
    %slice3A = vector.extract_strided_slice %get3A_1 {offsets = [0, 0], sizes = [1024, 1], strides = [1, 1]} : vector<1024x128xf32> to vector<1024x1xf32>
    %get3A_2 = arith.constant 0 : index
    %get3A_3 = arith.constant 0 : index
    %get3A_4 = vector.load %arg1[%get3A_2, %get3A_3] : memref<1024x128xf32, #tpu.memory_space<vmem>>, vector<1024x128xf32>
    %max3A = arith.constant 1.000000e+00 : f32
    %max3A_5 = vector.broadcast %max3A : f32 to vector<1024x1xf32>
    %max3A_6 = arith.maximumf %slice3A, %max3A_5 : vector<1024x1xf32>
    %div3A = vector.broadcast %max3A_6 : vector<1024x1xf32> to vector<1024x128xf32>
    %div3A_7 = arith.divf %get3A_4, %div3A : vector<1024x128xf32>
    %get3A_8 = arith.constant 0 : index
    %get3A_9 = arith.constant 0 : index
    %get3A_10 = vector.load %arg4[%get3A_8, %get3A_9] : memref<128x128xf32, #tpu.memory_space<vmem>>, vector<128x128xf32>
    %dot_general3A = arith.constant dense<0.000000e+00> : vector<1024x128xf32>
    %dot_general3A_11 = tpu.matmul %div3A_7, %get3A_10, %dot_general3A {dimension_numbers = #tpu.dot_dimension_numbers<[1], [0], [0], [1], [0, 0, 1, 1], [], []>, transpose_lhs_hint = false} : vector<1024x128xf32>, vector<128x128xf32>, vector<1024x128xf32> -> vector<1024x128xf32>
    %get3A_12 = arith.constant 0 : index
    %get3A_13 = arith.constant 0 : index
    %get3A_14 = vector.load %arg5[%get3A_12, %get3A_13] : memref<1x128xf32, #tpu.memory_space<vmem>>, vector<1x128xf32>
    %add3A = vector.broadcast %get3A_14 : vector<1x128xf32> to vector<1024x128xf32>
    %add3A_15 = arith.addf %dot_general3A_11, %add3A : vector<1024x128xf32>
    %get3A_16 = arith.constant 0 : index
    %get3A_17 = arith.constant 0 : index
    %get3A_18 = vector.load %arg3[%get3A_16, %get3A_17] : memref<1024x128xf32, #tpu.memory_space<vmem>>, vector<1024x128xf32>
    %get3A_19 = arith.constant 0 : index
    %get3A_20 = arith.constant 0 : index
    %get3A_21 = vector.load %arg6[%get3A_19, %get3A_20] : memref<128x128xf32, #tpu.memory_space<vmem>>, vector<128x128xf32>
    %dot_general3A_22 = arith.constant dense<0.000000e+00> : vector<1024x128xf32>
    %dot_general3A_23 = tpu.matmul %get3A_18, %get3A_21, %dot_general3A_22 {dimension_numbers = #tpu.dot_dimension_numbers<[1], [0], [0], [1], [0, 0, 1, 1], [], []>, transpose_lhs_hint = false} : vector<1024x128xf32>, vector<128x128xf32>, vector<1024x128xf32> -> vector<1024x128xf32>
    %add3A_24 = arith.addf %add3A_15, %dot_general3A_23 : vector<1024x128xf32>
    %max3A_25 = arith.constant 0.000000e+00 : f32
    %max3A_26 = vector.broadcast %max3A_25 : f32 to vector<1024x128xf32>
    %max3A_27 = arith.maximumf %add3A_24, %max3A_26 : vector<1024x128xf32>
    %swap3A = arith.constant 0 : index
    %swap3A_28 = arith.constant 0 : index
    %swap3A_29 = vector.load %arg13[%swap3A, %swap3A_28] : memref<1024x128xf32, #tpu.memory_space<vmem>>, vector<1024x128xf32>
    tpu.vector_store %arg13[%swap3A, %swap3A_28], %max3A_27 {strides = array<i32>} : memref<1024x128xf32, #tpu.memory_space<vmem>>, vector<1024x128xf32>,
    %get3A_30 = arith.constant 0 : index
    %get3A_31 = arith.constant 0 : index
    %get3A_32 = vector.load %arg8[%get3A_30, %get3A_31] : memref<1024x128xf32, #tpu.memory_space<vmem>>, vector<1024x128xf32>
    %slice3A_33 = vector.extract_strided_slice %get3A_32 {offsets = [0, 0], sizes = [1024, 1], strides = [1, 1]} : vector<1024x128xf32> to vector<1024x1xf32>
    %get3A_34 = arith.constant 0 : index
    %get3A_35 = arith.constant 0 : index
    %get3A_36 = vector.load %arg7[%get3A_34, %get3A_35] : memref<1024x128xf32, #tpu.memory_space<vmem>>, vector<1024x128xf32>
    %max3A_37 = arith.constant 1.000000e+00 : f32
    %max3A_38 = vector.broadcast %max3A_37 : f32 to vector<1024x1xf32>
    %max3A_39 = arith.maximumf %slice3A_33, %max3A_38 : vector<1024x1xf32>
    %div3A_40 = vector.broadcast %max3A_39 : vector<1024x1xf32> to vector<1024x128xf32>
    %div3A_41 = arith.divf %get3A_36, %div3A_40 : vector<1024x128xf32>
    %get3A_42 = arith.constant 0 : index
    %get3A_43 = arith.constant 0 : index
    %get3A_44 = vector.load %arg10[%get3A_42, %get3A_43] : memref<128x128xf32, #tpu.memory_space<vmem>>, vector<128x128xf32>
    %dot_general3A_45 = arith.constant dense<0.000000e+00> : vector<1024x128xf32>
    %dot_general3A_46 = tpu.matmul %div3A_41, %get3A_44, %dot_general3A_45 {dimension_numbers = #tpu.dot_dimension_numbers<[1], [0], [0], [1], [0, 0, 1, 1], [], []>, transpose_lhs_hint = false} : vector<1024x128xf32>, vector<128x128xf32>, vector<1024x128xf32> -> vector<1024x128xf32>
    %get3A_47 = arith.constant 0 : index
    %get3A_48 = arith.constant 0 : index
    %get3A_49 = vector.load %arg11[%get3A_47, %get3A_48] : memref<1x128xf32, #tpu.memory_space<vmem>>, vector<1x128xf32>
    %add3A_50 = vector.broadcast %get3A_49 : vector<1x128xf32> to vector<1024x128xf32>
    %add3A_51 = arith.addf %dot_general3A_46, %add3A_50 : vector<1024x128xf32>
    %get3A_52 = arith.constant 0 : index
    %get3A_53 = arith.constant 0 : index
    %get3A_54 = vector.load %arg9[%get3A_52, %get3A_53] : memref<1024x128xf32, #tpu.memory_space<vmem>>, vector<1024x128xf32>
    %get3A_55 = arith.constant 0 : index
    %get3A_56 = arith.constant 0 : index
    %get3A_57 = vector.load %arg12[%get3A_55, %get3A_56] : memref<128x128xf32, #tpu.memory_space<vmem>>, vector<128x128xf32>
    %dot_general3A_58 = arith.constant dense<0.000000e+00> : vector<1024x128xf32>
    %dot_general3A_59 = tpu.matmul %get3A_54, %get3A_57, %dot_general3A_58 {dimension_numbers = #tpu.dot_dimension_numbers<[1], [0], [0], [1], [0, 0, 1, 1], [], []>, transpose_lhs_hint = false} : vector<1024x128xf32>, vector<128x128xf32>, vector<1024x128xf32> -> vector<1024x128xf32>
    %add3A_60 = arith.addf %add3A_51, %dot_general3A_59 : vector<1024x128xf32>
    %max3A_61 = arith.constant 0.000000e+00 : f32
    %max3A_62 = vector.broadcast %max3A_61 : f32 to vector<1024x128xf32>
    %max3A_63 = arith.maximumf %add3A_60, %max3A_62 : vector<1024x128xf32>
    %swap3A_64 = arith.constant 0 : index
    %swap3A_65 = arith.constant 0 : index
    %swap3A_66 = vector.load %arg14[%swap3A_64, %swap3A_65] : memref<1024x128xf32, #tpu.memory_space<vmem>>, vector<1024x128xf32>
    tpu.vector_store %arg14[%swap3A_64, %swap3A_65], %max3A_63 {strides = array<i32>} : memref<1024x128xf32, #tpu.memory_space<vmem>>, vector<1024x128xf32>,
    return
  }
  func.func @transform_0(%arg0: i32) -> (i32, i32) {
    %c0_i32 = arith.constant 0 : i32
    %c0_i32_0 = arith.constant 0 : i32
    return %arg0, %c0_i32 : i32, i32
  }
  func.func @transform_1(%arg0: i32) -> (i32, i32) {
    %c0_i32 = arith.constant 0 : i32
    %c0_i32_0 = arith.constant 0 : i32
    return %arg0, %c0_i32 : i32, i32
  }
  func.func @transform_2(%arg0: i32) -> (i32, i32) {
    %c0_i32 = arith.constant 0 : i32
    %c0_i32_0 = arith.constant 0 : i32
    return %arg0, %c0_i32 : i32, i32
  }
  func.func @transform_3(%arg0: i32) -> (i32, i32) {
    %c0_i32 = arith.constant 0 : i32
    %c0_i32_0 = arith.constant 0 : i32
    %c0_i32_1 = arith.constant 0 : i32
    return %c0_i32, %c0_i32_0 : i32, i32
  }
  func.func @transform_4(%arg0: i32) -> (i32, i32) {
    %c0_i32 = arith.constant 0 : i32
    %c0_i32_0 = arith.constant 0 : i32
    %c0_i32_1 = arith.constant 0 : i32
    return %c0_i32, %c0_i32_0 : i32, i32
  }
  func.func @transform_5(%arg0: i32) -> (i32, i32) {
    %c0_i32 = arith.constant 0 : i32
    %c0_i32_0 = arith.constant 0 : i32
    %c0_i32_1 = arith.constant 0 : i32
    return %c0_i32, %c0_i32_0 : i32, i32
  }
  func.func @transform_6(%arg0: i32) -> (i32, i32) {
    %c0_i32 = arith.constant 0 : i32
    %c0_i32_0 = arith.constant 0 : i32
    return %arg0, %c0_i32 : i32, i32
  }
  func.func @transform_7(%arg0: i32) -> (i32, i32) {
    %c0_i32 = arith.constant 0 : i32
    %c0_i32_0 = arith.constant 0 : i32
    return %arg0, %c0_i32 : i32, i32
  }
  func.func @transform_8(%arg0: i32) -> (i32, i32) {
    %c0_i32 = arith.constant 0 : i32
    %c0_i32_0 = arith.constant 0 : i32
    return %arg0, %c0_i32 : i32, i32
  }
  func.func @transform_9(%arg0: i32) -> (i32, i32) {
    %c0_i32 = arith.constant 0 : i32
    %c0_i32_0 = arith.constant 0 : i32
    %c0_i32_1 = arith.constant 0 : i32
    return %c0_i32, %c0_i32_0 : i32, i32
  }
  func.func @transform_10(%arg0: i32) -> (i32, i32) {
    %c0_i32 = arith.constant 0 : i32
    %c0_i32_0 = arith.constant 0 : i32
    %c0_i32_1 = arith.constant 0 : i32
    return %c0_i32, %c0_i32_0 : i32, i32
  }
  func.func @transform_11(%arg0: i32) -> (i32, i32) {
    %c0_i32 = arith.constant 0 : i32
    %c0_i32_0 = arith.constant 0 : i32
    %c0_i32_1 = arith.constant 0 : i32
    return %c0_i32, %c0_i32_0 : i32, i32
  }
  func.func @transform_12(%arg0: i32) -> (i32, i32) {
    %c0_i32 = arith.constant 0 : i32
    %c0_i32_0 = arith.constant 0 : i32
    return %arg0, %c0_i32 : i32, i32
  }
  func.func @transform_13(%arg0: i32) -> (i32, i32) {
    %c0_i32 = arith.constant 0 : i32
    %c0_i32_0 = arith.constant 0 : i32
    return %arg0, %c0_i32 : i32, i32
  }
}

module attributes {stable_mosaic.version = 14 : i64} {
  func.func @body(%arg0: i32, %arg1: memref<1024x128xf32, #tpu.memory_space<vmem>>, %arg2: memref<1024x128xf32, #tpu.memory_space<vmem>>, %arg3: memref<1024x128xf32, #tpu.memory_space<vmem>>, %arg4: memref<128x128xf32, #tpu.memory_space<vmem>>, %arg5: memref<1x128xf32, #tpu.memory_space<vmem>>, %arg6: memref<128x128xf32, #tpu.memory_space<vmem>>, %arg7: memref<1024x128xf32, #tpu.memory_space<vmem>>, %arg8: memref<1024x128xf32, #tpu.memory_space<vmem>>, %arg9: memref<1024x128xf32, #tpu.memory_space<vmem>>, %arg10: memref<128x128xf32, #tpu.memory_space<vmem>>, %arg11: memref<1x128xf32, #tpu.memory_space<vmem>>, %arg12: memref<128x128xf32, #tpu.memory_space<vmem>>, %arg13: memref<1024x128xf32, #tpu.memory_space<vmem>>, %arg14: memref<1024x128xf32, #tpu.memory_space<vmem>>) attributes {dimension_semantics = [#tpu.dimension_semantics<arbitrary>], iteration_bounds = array<i64: 10>, scalar_prefetch = 0 : i64, scratch_operands = 0 : i64, tpu.core_type = #tpu.core_type<tc>, window_params = [{transform_indices = @transform_0, window_bounds = array<i64: 1024, 128>}, {transform_indices = @transform_1, window_bounds = array<i64: 1024, 128>}, {transform_indices = @transform_2, window_bounds = array<i64: 1024, 128>}, {pipeline_mode = #tpu.pipeline_mode<synchronous>, transform_indices = @transform_3, window_bounds = array<i64: 128, 128>}, {pipeline_mode = #tpu.pipeline_mode<synchronous>, transform_indices = @transform_4, window_bounds = array<i64: 1, 128>}, {pipeline_mode = #tpu.pipeline_mode<synchronous>, transform_indices = @transform_5, window_bounds = array<i64: 128, 128>}, {transform_indices = @transform_6, window_bounds = array<i64: 1024, 128>}, {transform_indices = @transform_7, window_bounds = array<i64: 1024, 128>}, {transform_indices = @transform_8, window_bounds = array<i64: 1024, 128>}, {pipeline_mode = #tpu.pipeline_mode<synchronous>, transform_indices = @transform_9, window_bounds = array<i64: 128, 128>}, {pipeline_mode = #tpu.pipeline_mode<synchronous>, transform_indices = @transform_10, window_bounds = array<i64: 1, 128>}, {pipeline_mode = #tpu.pipeline_mode<synchronous>, transform_indices = @transform_11, window_bounds = array<i64: 128, 128>}, {transform_indices = @transform_12, window_bounds = array<i64: 1024, 128>}, {transform_indices = @transform_13, window_bounds = array<i64: 1024, 128>}]} {
    %get3A = arith.constant 0 : index
    %get3A_0 = arith.constant 0 : index
    %get3A_1 = vector.load %arg2[%get3A, %get3A_0] : memref<1024x128xf32, #tpu.memory_space<vmem>>, vector<1024x128xf32>
    %slice3A = vector.extract_strided_slice %get3A_1 {offsets = [0, 0], sizes = [1024, 1], strides = [1, 1]} : vector<1024x128xf32> to vector<1024x1xf32>
    %get3A_2 = arith.constant 0 : index
    %get3A_3 = arith.constant 0 : index
    %get3A_4 = vector.load %arg1[%get3A_2, %get3A_3] : memref<1024x128xf32, #tpu.memory_space<vmem>>, vector<1024x128xf32>
    %max3A = arith.constant 1.000000e+00 : f32
    %max3A_5 = vector.broadcast %max3A : f32 to vector<1024x1xf32>
    %max3A_6 = arith.maximumf %slice3A, %max3A_5 : vector<1024x1xf32>
    %div3A = vector.broadcast %max3A_6 : vector<1024x1xf32> to vector<1024x128xf32>
    %div3A_7 = arith.divf %get3A_4, %div3A : vector<1024x128xf32>
    %get3A_8 = arith.constant 0 : index
    %get3A_9 = arith.constant 0 : index
    %get3A_10 = vector.load %arg4[%get3A_8, %get3A_9] : memref<128x128xf32, #tpu.memory_space<vmem>>, vector<128x128xf32>
    %dot_general3A = arith.constant dense<0.000000e+00> : vector<1024x128xf32>
    %dot_general3A_11 = tpu.matmul %div3A_7, %get3A_10, %dot_general3A {dimension_numbers = #tpu.dot_dimension_numbers<[1], [0], [0], [1], [0, 0, 1, 1], [], []>, transpose_lhs_hint = false} : vector<1024x128xf32>, vector<128x128xf32>, vector<1024x128xf32> -> vector<1024x128xf32>
    %get3A_12 = arith.constant 0 : index
    %get3A_13 = arith.constant 0 : index
    %get3A_14 = vector.load %arg5[%get3A_12, %get3A_13] : memref<1x128xf32, #tpu.memory_space<vmem>>, vector<1x128xf32>
    %add3A = vector.broadcast %get3A_14 : vector<1x128xf32> to vector<1024x128xf32>
    %add3A_15 = arith.addf %dot_general3A_11, %add3A : vector<1024x128xf32>
    %get3A_16 = arith.constant 0 : index
    %get3A_17 = arith.constant 0 : index
    %get3A_18 = vector.load %arg3[%get3A_16, %get3A_17] : memref<1024x128xf32, #tpu.memory_space<vmem>>, vector<1024x128xf32>
    %get3A_19 = arith.constant 0 : index
    %get3A_20 = arith.constant 0 : index
    %get3A_21 = vector.load %arg6[%get3A_19, %get3A_20] : memref<128x128xf32, #tpu.memory_space<vmem>>, vector<128x128xf32>
    %dot_general3A_22 = arith.constant dense<0.000000e+00> : vector<1024x128xf32>
    %dot_general3A_23 = tpu.matmul %get3A_18, %get3A_21, %dot_general3A_22 {dimension_numbers = #tpu.dot_dimension_numbers<[1], [0], [0], [1], [0, 0, 1, 1], [], []>, transpose_lhs_hint = false} : vector<1024x128xf32>, vector<128x128xf32>, vector<1024x128xf32> -> vector<1024x128xf32>
    %add3A_24 = arith.addf %add3A_15, %dot_general3A_23 : vector<1024x128xf32>
    %swap3A = arith.constant 0 : index
    %swap3A_25 = arith.constant 0 : index
    %swap3A_26 = vector.load %arg13[%swap3A, %swap3A_25] : memref<1024x128xf32, #tpu.memory_space<vmem>>, vector<1024x128xf32>
    tpu.vector_store %arg13[%swap3A, %swap3A_25], %add3A_24 {strides = array<i32>} : memref<1024x128xf32, #tpu.memory_space<vmem>>, vector<1024x128xf32>,
    %get3A_27 = arith.constant 0 : index
    %get3A_28 = arith.constant 0 : index
    %get3A_29 = vector.load %arg8[%get3A_27, %get3A_28] : memref<1024x128xf32, #tpu.memory_space<vmem>>, vector<1024x128xf32>
    %slice3A_30 = vector.extract_strided_slice %get3A_29 {offsets = [0, 0], sizes = [1024, 1], strides = [1, 1]} : vector<1024x128xf32> to vector<1024x1xf32>
    %get3A_31 = arith.constant 0 : index
    %get3A_32 = arith.constant 0 : index
    %get3A_33 = vector.load %arg7[%get3A_31, %get3A_32] : memref<1024x128xf32, #tpu.memory_space<vmem>>, vector<1024x128xf32>
    %max3A_34 = arith.constant 1.000000e+00 : f32
    %max3A_35 = vector.broadcast %max3A_34 : f32 to vector<1024x1xf32>
    %max3A_36 = arith.maximumf %slice3A_30, %max3A_35 : vector<1024x1xf32>
    %div3A_37 = vector.broadcast %max3A_36 : vector<1024x1xf32> to vector<1024x128xf32>
    %div3A_38 = arith.divf %get3A_33, %div3A_37 : vector<1024x128xf32>
    %get3A_39 = arith.constant 0 : index
    %get3A_40 = arith.constant 0 : index
    %get3A_41 = vector.load %arg10[%get3A_39, %get3A_40] : memref<128x128xf32, #tpu.memory_space<vmem>>, vector<128x128xf32>
    %dot_general3A_42 = arith.constant dense<0.000000e+00> : vector<1024x128xf32>
    %dot_general3A_43 = tpu.matmul %div3A_38, %get3A_41, %dot_general3A_42 {dimension_numbers = #tpu.dot_dimension_numbers<[1], [0], [0], [1], [0, 0, 1, 1], [], []>, transpose_lhs_hint = false} : vector<1024x128xf32>, vector<128x128xf32>, vector<1024x128xf32> -> vector<1024x128xf32>
    %get3A_44 = arith.constant 0 : index
    %get3A_45 = arith.constant 0 : index
    %get3A_46 = vector.load %arg11[%get3A_44, %get3A_45] : memref<1x128xf32, #tpu.memory_space<vmem>>, vector<1x128xf32>
    %add3A_47 = vector.broadcast %get3A_46 : vector<1x128xf32> to vector<1024x128xf32>
    %add3A_48 = arith.addf %dot_general3A_43, %add3A_47 : vector<1024x128xf32>
    %get3A_49 = arith.constant 0 : index
    %get3A_50 = arith.constant 0 : index
    %get3A_51 = vector.load %arg9[%get3A_49, %get3A_50] : memref<1024x128xf32, #tpu.memory_space<vmem>>, vector<1024x128xf32>
    %get3A_52 = arith.constant 0 : index
    %get3A_53 = arith.constant 0 : index
    %get3A_54 = vector.load %arg12[%get3A_52, %get3A_53] : memref<128x128xf32, #tpu.memory_space<vmem>>, vector<128x128xf32>
    %dot_general3A_55 = arith.constant dense<0.000000e+00> : vector<1024x128xf32>
    %dot_general3A_56 = tpu.matmul %get3A_51, %get3A_54, %dot_general3A_55 {dimension_numbers = #tpu.dot_dimension_numbers<[1], [0], [0], [1], [0, 0, 1, 1], [], []>, transpose_lhs_hint = false} : vector<1024x128xf32>, vector<128x128xf32>, vector<1024x128xf32> -> vector<1024x128xf32>
    %add3A_57 = arith.addf %add3A_48, %dot_general3A_56 : vector<1024x128xf32>
    %swap3A_58 = arith.constant 0 : index
    %swap3A_59 = arith.constant 0 : index
    %swap3A_60 = vector.load %arg14[%swap3A_58, %swap3A_59] : memref<1024x128xf32, #tpu.memory_space<vmem>>, vector<1024x128xf32>
    tpu.vector_store %arg14[%swap3A_58, %swap3A_59], %add3A_57 {strides = array<i32>} : memref<1024x128xf32, #tpu.memory_space<vmem>>, vector<1024x128xf32>,
    return
  }
  func.func @transform_0(%arg0: i32) -> (i32, i32) {
    %c0_i32 = arith.constant 0 : i32
    %c0_i32_0 = arith.constant 0 : i32
    return %arg0, %c0_i32 : i32, i32
  }
  func.func @transform_1(%arg0: i32) -> (i32, i32) {
    %c0_i32 = arith.constant 0 : i32
    %c0_i32_0 = arith.constant 0 : i32
    return %arg0, %c0_i32 : i32, i32
  }
  func.func @transform_2(%arg0: i32) -> (i32, i32) {
    %c0_i32 = arith.constant 0 : i32
    %c0_i32_0 = arith.constant 0 : i32
    return %arg0, %c0_i32 : i32, i32
  }
  func.func @transform_3(%arg0: i32) -> (i32, i32) {
    %c0_i32 = arith.constant 0 : i32
    %c0_i32_0 = arith.constant 0 : i32
    %c0_i32_1 = arith.constant 0 : i32
    return %c0_i32, %c0_i32_0 : i32, i32
  }
  func.func @transform_4(%arg0: i32) -> (i32, i32) {
    %c0_i32 = arith.constant 0 : i32
    %c0_i32_0 = arith.constant 0 : i32
    %c0_i32_1 = arith.constant 0 : i32
    return %c0_i32, %c0_i32_0 : i32, i32
  }
  func.func @transform_5(%arg0: i32) -> (i32, i32) {
    %c0_i32 = arith.constant 0 : i32
    %c0_i32_0 = arith.constant 0 : i32
    %c0_i32_1 = arith.constant 0 : i32
    return %c0_i32, %c0_i32_0 : i32, i32
  }
  func.func @transform_6(%arg0: i32) -> (i32, i32) {
    %c0_i32 = arith.constant 0 : i32
    %c0_i32_0 = arith.constant 0 : i32
    return %arg0, %c0_i32 : i32, i32
  }
  func.func @transform_7(%arg0: i32) -> (i32, i32) {
    %c0_i32 = arith.constant 0 : i32
    %c0_i32_0 = arith.constant 0 : i32
    return %arg0, %c0_i32 : i32, i32
  }
  func.func @transform_8(%arg0: i32) -> (i32, i32) {
    %c0_i32 = arith.constant 0 : i32
    %c0_i32_0 = arith.constant 0 : i32
    return %arg0, %c0_i32 : i32, i32
  }
  func.func @transform_9(%arg0: i32) -> (i32, i32) {
    %c0_i32 = arith.constant 0 : i32
    %c0_i32_0 = arith.constant 0 : i32
    %c0_i32_1 = arith.constant 0 : i32
    return %c0_i32, %c0_i32_0 : i32, i32
  }
  func.func @transform_10(%arg0: i32) -> (i32, i32) {
    %c0_i32 = arith.constant 0 : i32
    %c0_i32_0 = arith.constant 0 : i32
    %c0_i32_1 = arith.constant 0 : i32
    return %c0_i32, %c0_i32_0 : i32, i32
  }
  func.func @transform_11(%arg0: i32) -> (i32, i32) {
    %c0_i32 = arith.constant 0 : i32
    %c0_i32_0 = arith.constant 0 : i32
    %c0_i32_1 = arith.constant 0 : i32
    return %c0_i32, %c0_i32_0 : i32, i32
  }
  func.func @transform_12(%arg0: i32) -> (i32, i32) {
    %c0_i32 = arith.constant 0 : i32
    %c0_i32_0 = arith.constant 0 : i32
    return %arg0, %c0_i32 : i32, i32
  }
  func.func @transform_13(%arg0: i32) -> (i32, i32) {
    %c0_i32 = arith.constant 0 : i32
    %c0_i32_0 = arith.constant 0 : i32
    return %arg0, %c0_i32 : i32, i32
  }
}

module attributes {stable_mosaic.version = 14 : i64} {
  func.func @body(%arg0: i32, %arg1: memref<1024x128xf32, #tpu.memory_space<vmem>>, %arg2: memref<1024x128xf32, #tpu.memory_space<vmem>>, %arg3: memref<128x128xf32, #tpu.memory_space<vmem>>, %arg4: memref<128x128xf32, #tpu.memory_space<vmem>>, %arg5: memref<1x128xf32, #tpu.memory_space<vmem>>, %arg6: memref<1x128xf32, #tpu.memory_space<vmem>>, %arg7: memref<1x1xf32, #tpu.memory_space<smem>>, %arg8: memref<1024xf32, #tpu.memory_space<vmem>>) attributes {dimension_semantics = [#tpu.dimension_semantics<arbitrary>], iteration_bounds = array<i64: 98>, scalar_prefetch = 0 : i64, scratch_operands = 0 : i64, tpu.core_type = #tpu.core_type<tc>, window_params = [{transform_indices = @transform_0, window_bounds = array<i64: 1024, 128>}, {transform_indices = @transform_1, window_bounds = array<i64: 1024, 128>}, {pipeline_mode = #tpu.pipeline_mode<synchronous>, transform_indices = @transform_2, window_bounds = array<i64: 128, 128>}, {pipeline_mode = #tpu.pipeline_mode<synchronous>, transform_indices = @transform_3, window_bounds = array<i64: 128, 128>}, {pipeline_mode = #tpu.pipeline_mode<synchronous>, transform_indices = @transform_4, window_bounds = array<i64: 1, 128>}, {pipeline_mode = #tpu.pipeline_mode<synchronous>, transform_indices = @transform_5, window_bounds = array<i64: 1, 128>}, {transform_indices = @transform_6, window_bounds = array<i64: 1, 1>}, {transform_indices = @transform_7, window_bounds = array<i64: 1024>}]} {
    %get3A = arith.constant 0 : index
    %get3A_0 = arith.constant 0 : index
    %get3A_1 = vector.load %arg1[%get3A, %get3A_0] : memref<1024x128xf32, #tpu.memory_space<vmem>>, vector<1024x128xf32>
    %get3A_2 = arith.constant 0 : index
    %get3A_3 = arith.constant 0 : index
    %get3A_4 = vector.load %arg3[%get3A_2, %get3A_3] : memref<128x128xf32, #tpu.memory_space<vmem>>, vector<128x128xf32>
    %dot_general3A = arith.constant dense<0.000000e+00> : vector<1024x128xf32>
    %dot_general3A_5 = tpu.matmul %get3A_1, %get3A_4, %dot_general3A {dimension_numbers = #tpu.dot_dimension_numbers<[1], [0], [0], [1], [0, 0, 1, 1], [], []>, transpose_lhs_hint = false} : vector<1024x128xf32>, vector<128x128xf32>, vector<1024x128xf32> -> vector<1024x128xf32>
    %get3A_6 = arith.constant 0 : index
    %get3A_7 = arith.constant 0 : index
    %get3A_8 = vector.load %arg2[%get3A_6, %get3A_7] : memref<1024x128xf32, #tpu.memory_space<vmem>>, vector<1024x128xf32>
    %get3A_9 = arith.constant 0 : index
    %get3A_10 = arith.constant 0 : index
    %get3A_11 = vector.load %arg4[%get3A_9, %get3A_10] : memref<128x128xf32, #tpu.memory_space<vmem>>, vector<128x128xf32>
    %dot_general3A_12 = arith.constant dense<0.000000e+00> : vector<1024x128xf32>
    %dot_general3A_13 = tpu.matmul %get3A_8, %get3A_11, %dot_general3A_12 {dimension_numbers = #tpu.dot_dimension_numbers<[1], [0], [0], [1], [0, 0, 1, 1], [], []>, transpose_lhs_hint = false} : vector<1024x128xf32>, vector<128x128xf32>, vector<1024x128xf32> -> vector<1024x128xf32>
    %get3A_14 = arith.constant 0 : index
    %get3A_15 = arith.constant 0 : index
    %get3A_16 = vector.load %arg2[%get3A_14, %get3A_15] : memref<1024x128xf32, #tpu.memory_space<vmem>>, vector<1024x128xf32>
    %get3A_17 = arith.constant 0 : index
    %get3A_18 = arith.constant 0 : index
    %get3A_19 = vector.load %arg3[%get3A_17, %get3A_18] : memref<128x128xf32, #tpu.memory_space<vmem>>, vector<128x128xf32>
    %dot_general3A_20 = arith.constant dense<0.000000e+00> : vector<1024x128xf32>
    %dot_general3A_21 = tpu.matmul %get3A_16, %get3A_19, %dot_general3A_20 {dimension_numbers = #tpu.dot_dimension_numbers<[1], [0], [0], [1], [0, 0, 1, 1], [], []>, transpose_lhs_hint = false} : vector<1024x128xf32>, vector<128x128xf32>, vector<1024x128xf32> -> vector<1024x128xf32>
    %get3A_22 = arith.constant 0 : index
    %get3A_23 = arith.constant 0 : index
    %get3A_24 = vector.load %arg1[%get3A_22, %get3A_23] : memref<1024x128xf32, #tpu.memory_space<vmem>>, vector<1024x128xf32>
    %get3A_25 = arith.constant 0 : index
    %get3A_26 = arith.constant 0 : index
    %get3A_27 = vector.load %arg4[%get3A_25, %get3A_26] : memref<128x128xf32, #tpu.memory_space<vmem>>, vector<128x128xf32>
    %dot_general3A_28 = arith.constant dense<0.000000e+00> : vector<1024x128xf32>
    %dot_general3A_29 = tpu.matmul %get3A_24, %get3A_27, %dot_general3A_28 {dimension_numbers = #tpu.dot_dimension_numbers<[1], [0], [0], [1], [0, 0, 1, 1], [], []>, transpose_lhs_hint = false} : vector<1024x128xf32>, vector<128x128xf32>, vector<1024x128xf32> -> vector<1024x128xf32>
    %add3A = arith.addf %dot_general3A_5, %dot_general3A_13 : vector<1024x128xf32>
    %get3A_30 = arith.constant 0 : index
    %get3A_31 = arith.constant 0 : index
    %get3A_32 = vector.load %arg5[%get3A_30, %get3A_31] : memref<1x128xf32, #tpu.memory_space<vmem>>, vector<1x128xf32>
    %add3A_33 = vector.broadcast %get3A_32 : vector<1x128xf32> to vector<1024x128xf32>
    %add3A_34 = arith.addf %add3A, %add3A_33 : vector<1024x128xf32>
    %max3A = arith.constant 0.000000e+00 : f32
    %max3A_35 = vector.broadcast %max3A : f32 to vector<1024x128xf32>
    %max3A_36 = arith.maximumf %add3A_34, %max3A_35 : vector<1024x128xf32>
    %add3A_37 = arith.addf %dot_general3A_21, %dot_general3A_29 : vector<1024x128xf32>
    %get3A_38 = arith.constant 0 : index
    %get3A_39 = arith.constant 0 : index
    %get3A_40 = vector.load %arg5[%get3A_38, %get3A_39] : memref<1x128xf32, #tpu.memory_space<vmem>>, vector<1x128xf32>
    %add3A_41 = vector.broadcast %get3A_40 : vector<1x128xf32> to vector<1024x128xf32>
    %add3A_42 = arith.addf %add3A_37, %add3A_41 : vector<1024x128xf32>
    %max3A_43 = arith.constant 0.000000e+00 : f32
    %max3A_44 = vector.broadcast %max3A_43 : f32 to vector<1024x128xf32>
    %max3A_45 = arith.maximumf %add3A_42, %max3A_44 : vector<1024x128xf32>
    %add3A_46 = arith.addf %max3A_36, %max3A_45 : vector<1024x128xf32>
    %get3A_47 = arith.constant 0 : index
    %get3A_48 = arith.constant 0 : index
    %get3A_49 = vector.load %arg6[%get3A_47, %get3A_48] : memref<1x128xf32, #tpu.memory_space<vmem>>, vector<1x128xf32>
    %mul3A = vector.broadcast %get3A_49 : vector<1x128xf32> to vector<1024x128xf32>
    %mul3A_50 = arith.mulf %add3A_46, %mul3A : vector<1024x128xf32>
    %reduce_sum3A = arith.constant dense<0.000000e+00> : vector<1024xf32>
    %reduce_sum3A_51 = vector.multi_reduction <add>, %mul3A_50, %reduce_sum3A [1] : vector<1024x128xf32> to vector<1024xf32>
    %mul3A_52 = arith.constant 5.000000e-01 : f32
    %mul3A_53 = vector.broadcast %mul3A_52 : f32 to vector<1024xf32>
    %mul3A_54 = arith.mulf %mul3A_53, %reduce_sum3A_51 : vector<1024xf32>
    %get3A_55 = arith.constant 0 : index
    %get3A_56 = arith.constant 0 : index
    %get3A_57 = memref.load %arg7[%get3A_55, %get3A_56] : memref<1x1xf32, #tpu.memory_space<smem>>
    %add3A_58 = vector.broadcast %get3A_57 : f32 to vector<1024xf32>
    %add3A_59 = arith.addf %mul3A_54, %add3A_58 : vector<1024xf32>
    %swap3A = arith.constant 0 : index
    %swap3A_60 = vector.load %arg8[%swap3A] : memref<1024xf32, #tpu.memory_space<vmem>>, vector<1024xf32>
    tpu.vector_store %arg8[%swap3A], %add3A_59 {strides = array<i32>} : memref<1024xf32, #tpu.memory_space<vmem>>, vector<1024xf32>,
    return
  }
  func.func @transform_0(%arg0: i32) -> (i32, i32) {
    %c0_i32 = arith.constant 0 : i32
    %c0_i32_0 = arith.constant 0 : i32
    return %arg0, %c0_i32 : i32, i32
  }
  func.func @transform_1(%arg0: i32) -> (i32, i32) {
    %c0_i32 = arith.constant 0 : i32
    %c0_i32_0 = arith.constant 0 : i32
    return %arg0, %c0_i32 : i32, i32
  }
  func.func @transform_2(%arg0: i32) -> (i32, i32) {
    %c0_i32 = arith.constant 0 : i32
    %c0_i32_0 = arith.constant 0 : i32
    %c0_i32_1 = arith.constant 0 : i32
    return %c0_i32, %c0_i32_0 : i32, i32
  }
  func.func @transform_3(%arg0: i32) -> (i32, i32) {
    %c0_i32 = arith.constant 0 : i32
    %c0_i32_0 = arith.constant 0 : i32
    %c0_i32_1 = arith.constant 0 : i32
    return %c0_i32, %c0_i32_0 : i32, i32
  }
  func.func @transform_4(%arg0: i32) -> (i32, i32) {
    %c0_i32 = arith.constant 0 : i32
    %c0_i32_0 = arith.constant 0 : i32
    %c0_i32_1 = arith.constant 0 : i32
    return %c0_i32, %c0_i32_0 : i32, i32
  }
  func.func @transform_5(%arg0: i32) -> (i32, i32) {
    %c0_i32 = arith.constant 0 : i32
    %c0_i32_0 = arith.constant 0 : i32
    %c0_i32_1 = arith.constant 0 : i32
    return %c0_i32, %c0_i32_0 : i32, i32
  }
  func.func @transform_6(%arg0: i32) -> (i32, i32) {
    %c0_i32 = arith.constant 0 : i32
    %c0_i32_0 = arith.constant 0 : i32
    %c0_i32_1 = arith.constant 0 : i32
    return %c0_i32, %c0_i32_0 : i32, i32
  }
  func.func @transform_7(%arg0: i32) -> i32 {
    %c0_i32 = arith.constant 0 : i32
    return %arg0 : i32
  }
}

</mosaic_0001>

<sc_bundles>
// kernel: kernel.11.cloned.1.call-start
scs
__scs_entry_jumppad:
0x0: {  	(pc) =	sbr.rel $0x88, $3  }
0x1: {  	(tag) =	ssettag $0x0;
	lr =	simm.s32 $0x1  }
0x2: {  	[smem:$0x3F8C] =	sst lr;
	_ =	strace $0xD0000000  }
0x3: {  	_ = 	snop  }
0x4: {  	_ = 	snop  }
0x5: {  	_ = 	snop  }
0x6: {  	_ = 	snop  }
0x7: {  	_ = 	snop  }
__scs_overlays_trampoline_lowered:
0x8: {  	[smem:$0x3F9B] =	sst s0  }
0x9: {  	[smem:$0x3F9C] =	sst s1  }
0xa: {  	[smem:$0x3F9D] =	sst s2  }
0xb: {  	[smem:$0x3F9E] =	sst s3  }
0xc: {  	[smem:$0x3F9F] =	sst s4  }
0xd: {  	[smem:$0x3FA0] =	sst s5  }
0xe: {  	[smem:$0x3FA1] =	sst s6  }
0xf: {  	[smem:$0x3FA2] =	sst s7  }
0x10: {  	[smem:$0x3FA3] =	sst s8  }
0x11: {  	[smem:$0x3FA4] =	sst s9;
	s0 =	simm.s32 @!p0 $0x0  }
0x12: {  	s1 =	sld [smem:$0x3F8A];
	s0 =	simm.s32 @p0 $0x1  }
0x13: {  	[smem:$0x3FA5] =	sst s0;
	s0 =	simm.s32 @!p1 $0x0  }
0x14: {  	s2 =	sld [smem:$0x3F89];
	s0 =	simm.s32 @p1 $0x1  }
0x15: {  	[smem:$0x3FA6] =	sst s0;
	s0 =	simm.s32 @!p2 $0x0  }
0x16: {  	s3 =	sld [smem:$0x3FDB];
	s0 =	simm.s32 @p2 $0x1  }
0x17: {  	s4 =	simm.s32 $0x1BF5;
	[smem:$0x3FA8] =	sst s0  }
0x18: {  	s0 =	sld [smem:$0x3F8B];
	_ =	swait.ge [sflag:s4], $0x0  }
0x19: {  	s7 =	sld [smem:$0x3F8C]  }
0x1a: {  	s8 =	sadd.s32 $0xFFFFE003, lr  }
0x1b: {  	s9 =	sadd.s32 $0xFFFFFEF7, lr;
	s5 =	simm.s32 $0xFFFFFFFF;
	p2 =	slt.u32 s8, $0xFFFFF086  }
0x1c: {  	p1 =	slt.u32 s9, $0xF7A;
	s5 =	simm.s32 @!p2 $0x0  }
0x1d: {  	s5 =	simm.s32 @p1 $0x1;
	p0 =	seq.s32 s7, s2  }
0x1e: {  	s7 =	smul.u32 @!p0 $0xF7A, s2;
	p2 =	seq.s32 @!p0 s5, $0x0  }
0x1f: {  	s9 =	smul.u32 $0xF7A, s1;
	s8 =	simm.s32 @!p0 $0x1BF5;
	p2 =	por !p2, p0  }
0x20: {  	[sflag:s8] =	ssyncset.s32 @!p0 $0xFFFFF086;
	s6 =	sadd.s32 @!p0 s3, s7;
	s7 =	simm.s32 @!p0 $0x108  }
0x21: {  	s3 =	sadd.s32 s3, s9;
	s6 =	sadd.s32 @!p0 $0x88, s6;
	s7 =	simm.s32 @p2 $0x1082  }
0x22: {  	[simem:s7], [sflag:s8] =	dma.local @!p0 [hbm:s6], $0xF7A  }
0x23: {  	s9 =	sor.u32 $0xD0000000, s2;
	s6 =	simm.s32 $0x108;
	_ =	swait.ge @!p0 [sflag:s8], $0x0  }
0x24: {  	s3 =	sadd.s32 $0x88, s3;
	s6 =	simm.s32 @!p1 $0x1082;
	[sflag:s4] =	ssyncset.s32 $0xFFFFF086  }
0x25: {  	[simem:s6], [sflag:s4] =	dma.local [hbm:s3], $0xF7A  }
0x26: {  	[smem:$0x3F8C] =	sst s1;
	(tag) =	ssettag s2;
	_ =	strace s9  }
0x27: {  	s1 =	sld [smem:$0x3F9C]  }
0x28: {  	s2 =	sld [smem:$0x3F9D]  }
0x29: {  	s4 =	sld [smem:$0x3F9F]  }
0x2a: {  	p0 =	seq.s32 s5, $0x0;
	s5 =	sld [smem:$0x3FA0]  }
0x2b: {  	s6 =	sld [smem:$0x3FA1]  }
0x2c: {  	s7 =	sld [smem:$0x3FA2]  }
0x2d: {  	s3 =	simm.s32 $0x108;
	s8 =	sld [smem:$0x3FA3]  }
0x2e: {  	s3 =	simm.s32 @!p0 $0x1082;
	s9 =	sld [smem:$0x3FA4]  }
0x2f: {  	lr =	sadd.s32 s0, s3;
	s0 =	sld [smem:$0x3F9B]  }
0x30: {  	s3 =	sld [smem:$0x3F9E]  }
0x31: {  	[smem:$0x3FA7] =	sst s10  }
0x32: {  	s10 =	sld [smem:$0x3FA5];
	_ =	sdelay $0x3  }
0x33: {  	p0 =	seq.s32 s10, $0x1;
	s10 =	sld [smem:$0x3FA7];
	_ =	sdelay $0x3  }
0x34: {  	[smem:$0x3FA7] =	sst s10  }
0x35: {  	s10 =	sld [smem:$0x3FA6];
	_ =	sdelay $0x3  }
0x36: {  	p1 =	seq.s32 s10, $0x1;
	s10 =	sld [smem:$0x3FA7];
	_ =	sdelay $0x3  }
0x37: {  	[smem:$0x3FA7] =	sst s10  }
0x38: {  	s10 =	sld [smem:$0x3FA8]  }
0x39: {  	_ = 	snop;
	(pc) =	sbr.ind lr, $3  }
0x3a: {  	_ = 	snop  }
0x3b: {  	_ = 	snop  }
0x3c: {  	p2 =	seq.s32 s10, $0x1;
	s10 =	sld [smem:$0x3FA7]  }
0x3d: {  	_ =	shalt  }
0x3e: {  	_ =	shalt  }
0x3f: {  	_ =	shalt  }
0x40: {  	_ =	shalt  }
0x41: {  	_ =	shalt  }
0x42: {  	_ =	shalt  }
0x43: {  	_ =	shalt  }
0x44: {  	_ =	shalt  }
0x45: {  	_ =	shalt  }
0x46: {  	_ =	shalt  }
0x47: {  	_ =	shalt  }
0x48: {  	_ =	shalt  }
0x49: {  	_ =	shalt  }
0x4a: {  	_ =	shalt  }
0x4b: {  	_ =	shalt  }
0x4c: {  	_ =	shalt  }
0x4d: {  	_ =	shalt  }
0x4e: {  	_ =	shalt  }
0x4f: {  	_ =	shalt  }
0x50: {  	_ =	shalt  }
0x51: {  	_ =	shalt  }
0x52: {  	_ =	shalt  }
0x53: {  	_ =	shalt  }
0x54: {  	_ =	shalt  }
0x55: {  	_ =	shalt  }
0x56: {  	_ =	shalt  }
0x57: {  	_ =	shalt  }
0x58: {  	_ =	shalt  }
0x59: {  	_ =	shalt  }
0x5a: {  	_ =	shalt  }
0x5b: {  	_ =	shalt  }
0x5c: {  	_ =	shalt  }
0x5d: {  	_ =	shalt  }
0x5e: {  	_ =	shalt  }
0x5f: {  	_ =	shalt  }
0x60: {  	_ =	shalt  }
0x61: {  	_ =	shalt  }
0x62: {  	_ =	shalt  }
0x63: {  	_ =	shalt  }
0x64: {  	_ =	shalt  }
0x65: {  	_ =	shalt  }
0x66: {  	_ =	shalt  }
0x67: {  	_ =	shalt  }
0x68: {  	_ =	shalt  }
0x69: {  	_ =	shalt  }
0x6a: {  	_ =	shalt  }
0x6b: {  	_ =	shalt  }
0x6c: {  	_ =	shalt  }
0x6d: {  	_ =	shalt  }
0x6e: {  	_ =	shalt  }
0x6f: {  	_ =	shalt  }
0x70: {  	_ =	shalt  }
0x71: {  	_ =	shalt  }
0x72: {  	_ =	shalt  }
0x73: {  	_ =	shalt  }
0x74: {  	_ =	shalt  }
0x75: {  	_ =	shalt  }
0x76: {  	_ =	shalt  }
0x77: {  	_ =	shalt  }
0x78: {  	_ =	shalt  }
0x79: {  	_ =	shalt  }
0x7a: {  	_ =	shalt  }
0x7b: {  	_ =	shalt  }
0x7c: {  	_ =	shalt  }
0x7d: {  	_ =	shalt  }
0x7e: {  	_ =	shalt  }
0x7f: {  	_ =	shalt  }
0x80: {  	_ =	shalt  }
0x81: {  	_ =	shalt  }
0x82: {  	_ =	shalt  }
0x83: {  	_ =	shalt  }
0x84: {  	_ =	shalt  }
0x85: {  	_ =	shalt  }
0x86: {  	_ =	shalt  }
0x87: {  	_ =	shalt  }
.Lfunc_end0:
.L_simem_size_0:
called_computation.1_lowered:
.L_overlay_start_0:
0x88: {  	s2 =	sld [smem:$0x3FD9]  }
0x89: {  	s3 =	sld [smem:$0x3FFE];
	_ =	sdelay $0x1  }
0x8a: {  	s1 =	srdreg.scid  }
0x8b: {  	s0 =	sand.u32 $0x1, s1  }
0x8c: {  	s16 =	sshll.u32 s0, $0xA;
	s2 =	sadd.s32 s3, s2  }
0x8d: {  	s2 =	sadd.s32 s2, s16  }
0x8e: {  	[smem:$0x3FB3] =	sst s2  }
0x8f: {  	_ = 	snop  }
0x90: {  	(tm) =	ssettm $0x1  }
0x91: {  	s17 =	sld [smem:$0x3FFB];
	_ =	sdelay $0x3  }
0x92: {  	_ =	strace s17  }
0x93: {  	s2 =	sld [smem:$0x3FFC];
	_ =	sdelay $0x3  }
0x94: {  	_ =	strace s2  }
0x95: {  	s2 =	sld [smem:$0x3FFD];
	_ =	sdelay $0x3  }
0x96: {  	_ =	strace s2  }
0x97: {  	_ =	strace $0x8FFFFFFF  }
0x98: {  	s18 =	sld [smem:$0x3FDB];
	_ =	sdelay $0x1  }
0x99: {  	s19 =	simm.s32 $_scs_section_size  }
0x9a: {  	s4 =	simm.s32 $_size__tile_overlayer_lowered;
	s5 =	simm.s32 $_tile_overlayer_lowered  }
0x9b: {  	s22 =	simm.s32 $0x1BFF;
	s21 =	sshll.u32 s5, $0x1;
	s2 =	sadd.s32 s19, s18  }
0x9c: {  	s6 =	simm.s32 $0x0;
	s20 =	sshll.u32 s4, $0x1;
	s4 =	sadd.s32 s21, s2  }
0x9d: {  	[timem:s6], [sflag:s22] =	dma.local [hbm:s4], s20  }
0x9e: {  	_ =	swait.ge [sflag:s22], s20  }
0x9f: {  	s3 =	ssub.s32 $0x0, s20;
	[sflag:s22] =	ssyncset.done $0x0  }
0xa0: {  	[sflag:s22] =	ssyncadd.s32 s3;
	_ =	sdelay $0x1  }
0xa1: {  	s23 =	simm.s32 $0x1B8B  }
0xa2: {  	_ =	swait.ge [sflag:s23], $0x1  }
0xa3: {  	[sflag:s23] =	ssyncset.done $0x0  }
0xa4: {  	s25 =	simm.s32 $0x1B8E;
	s24 =	sld [smem:$0x3FFE];
	[sflag:s23] =	ssyncadd.s32 $0xFFFFFFFF  }
0xa5: {  	s26 =	simm.s32 $execute0_lowered;
	[smem:$0x3FD2] =	sst s25  }
0xa6: {  	s4 =	sshll.u32 s26, $0x1;
	_ =	strace $0x80000049;
	[dreg:$0x1] =	wrdreg $0xFFFFFFFF  }
0xa7: {  	s28 =	simm.s32 $_size_execute0_lowered;
	s2 =	sadd.s32 s2, s4;
	[dreg:$0x0] =	wrdreg $0x0  }
0xa8: {  	s4 =	sshll.u32 s28, $0x1;
	[dreg:$0x2] =	wrdreg s2  }
0xa9: {  	[dreg:$0x3] =	wrdreg s4  }
0xaa: {  	[dreg:$0x4] =	wrdreg $0xC0  }
0xab: {  	_ =	task [dreg:s6], $0x5FFFF  }
0xac: {  	[dreg:$0x1] =	wrdreg $0xFFFFFFFF  }
0xad: {  	[dreg:$0x0] =	wrdreg $0x60  }
0xae: {  	[dreg:$0x2] =	wrdreg s24  }
0xaf: {  	[dreg:$0x3] =	wrdreg $0x82000  }
0xb0: {  	[dreg:$0x4] =	wrdreg $0x9  }
0xb1: {  	_ =	task.clear_ibuf [dreg:s6], $0x5FFFF;
	_ =	strace $0x90000049  }
0xb2: {  	s29 =	simm.s32 $0x9;
	_ =	strace $0x8000004B  }
0xb3: {  	_ =	swait.ge [sflag:s29], $0x1  }
0xb4: {  	[sflag:s29] =	ssyncadd.s32 $0xFFFFFFFF  }
0xb5: {  	_ =	strace $0x9000004B  }
0xb6: {  	_ =	sfence  }
0xb7: {  	s30 =	sld [smem:$0x0];
	_ =	sdelay $0x2  }
0xb8: {  	s31 =	sshll.u32 s1, $0xD;
	s1 =	sshrl.u32 s1, $0x2  }
0xb9: {  	s3 =	sand.u32 $0x4000, s31;
	s1 =	sadd.s32 s1, s30  }
0xba: {  	s0 =	sor.u32 s3, s0;
	s1 =	sshll.u32 s1, $0x11  }
0xbb: {  	s0 =	sor.u32 s1, s0  }
0xbc: {  	s0 =	sadd.s32 $0x8F2B, s0  }
0xbd: {  	[sflag:s0] =	ssyncadd.remote.s32 $0x1  }
0xbe: {  	_ =	sfence.sel $0xFFFF  }
0xbf: {  	[dreg:$0x0] =	wrdreg $0xFFFFFFFF;
	(pc) =	sbr.abs _section_cstart, $3  }
0xc0: {  	[dreg:$0x1] =	wrdreg $0xFFFFFFFF  }
0xc1: {  	_ =	task.clear_ibuf [dreg:s6], $0x2FFFF;
	_ =	strace $0x9FFFFFFF  }
0xc2: {  	(tm) =	ssettm $0x7FFFFFFF  }
0xc3: {  	_ =	shalt  }
tec
execute0_lowered:
.L_overlay_start_1:
0x0: {  	(tag) =	ssettag $0x1  }
0x1: {  	s0 =	rddreg [dreg:$0x0]  }
0x2: {  	s1 =	rddreg [dreg:$0x1];
	s2 =	simm.s32 $0x0  }
0x3: {  	s12 =	stileid.u32;
	s3 =	srdreg.scid;
	s22 =	simm.s32 $0x3  }
0x4: {  	s23 =	simm.s32 $0x100;
	s28 =	simm.s32 $0x4200;
	s29 =	simm.s32 $0x1  }
0x5: {  	s30 =	simm.s32 $0x2;
	s31 =	simm.s32 $0x0;
	[smem:$0x7FF] =	sst s2  }
0x6: {  	s21 =	sadd.s32 $0x4A00, s0;
	s11 =	sadd.s32 $0x18600, s0;
	s6 =	sadd.s32 $0xE800, s0  }
0x7: {  	s7 =	sadd.s32 $0x22400, s0;
	s8 =	smul.u32 $0x2800, s12;
	s9 =	sadd.s32 $0x54200, s0  }
0x8: {  	s10 =	sadd.s32 $0x2C200, s0;
	s3 =	sand.u32 $0x1, s3;
	s5 =	smul.u32 $0x50000, s12  }
0x9: {  	s13 =	sadd.s32 $0xA4A00, s0;
	s14 =	smul.u32 $0x4E80, s12;
	s26 =	sshll.u32 s12, $0x6  }
0xa: {  	s20 =	smul.u32 $0x9D0, s12;
	_ =	strace $0x8000004A;
	[dreg:$0x4] =	wrdreg s13  }
0xb: {  	s24 =	ssub.s32 $0x2, s3;
	[dreg:$0x3] =	wrdreg s7;
	p0 =	sne.s32 s3, $0x0  }
0xc: {  	s4 =	sadd.s32 s8, s0;
	s0 =	sadd.s32 $0xCCA00, s0;
	s25 =	sshrl.u32 s24, $0x1  }
0xd: {  	s5 =	sshrl.u32 s5, $0x2;
	s15 =	sshrl.u32 s14, $0x3;
	s14 =	sor.u32 $0x1C03, s26  }
0xe: {  	s17 =	sadd.s32 s20, s7;
	s7 =	smov.u32 s6;
	s18 =	sadd.s32 s20, s6  }
.Ltmp0:
0xf: {  	s6 =	smov.u32 s11;
	s19 =	sadd.s32 s20, s11;
	(pc) =	sbr.rel .LBB2_1-.Ltmp0, $4  }
0x10: {  	s11 =	smov.u32 s21;
	s20 =	sadd.s32 s20, s21;
	s26 =	simm.s32 $0x200  }
0x11: {  	[dreg:$0x5] =	wrdreg s0;
	s0 =	ssub.s32 s24, s25;
	s5 =	sadd.s32 s5, s1  }
0x12: {  	s13 =	sadd.s32 $0x7C200, s4;
	s15 =	sadd.s32 $0x9C0, s15;
	s24 =	simm.s32 $0x180  }
0x13: {  	s25 =	simm.s32 $0x80;
	s16 =	smax.u32 s0, $0x1;
	s21 =	sshrl.u32 s5, $0x3  }
.LBB2_7:
0x14: {  	s3 =	sadd.s32 s0, s18;
	[sflag:s30] =	ssyncadd.s32 $0xFFFFC000  }
0x15: {  	[tilespmem:s2], [sflag:$0x3] =	stream.linear.gather [hbm4b:s3+s2], $0x100, $0x38;
	[tilespmem:$0x1C200] =	vst v63  }
0x16: {  	_ =	swait.ge [sflag:s22], $0x100  }
0x17: {  	[sflag:s22] =	ssyncset.done $0x0  }
0x18: {  	s12 =	sadd.s32 s0, s17;
	[sflag:s22] =	ssyncadd.s32 $0xFFFFFF00  }
0x19: {  	[tilespmem:s23], [sflag:$0x3] =	stream.linear.gather [hbm4b:s12+s2], $0x80, $0x38;
	[tilespmem:$0x1C200] =	vst v63  }
0x1a: {  	_ =	swait.ge [sflag:s22], $0x80  }
0x1b: {  	[sflag:s22] =	ssyncset.done $0x0  }
0x1c: {  	s0 =	sadd.s32 $0x10, s12;
	[sflag:s22] =	ssyncadd.s32 $0xFFFFFF80  }
0x1d: {  	[tilespmem:s24], [sflag:$0x3] =	stream.linear.gather [hbm4b:s0+s2], $0x80, $0x38;
	[tilespmem:$0x1C200] =	vst v63  }
0x1e: {  	_ =	swait.ge [sflag:s22], $0x80  }
0x1f: {  	[sflag:s22] =	ssyncset.done $0x0  }
0x20: {  	[sflag:s22] =	ssyncadd.s32 $0xFFFFFF80  }
0x21: {  	[tilespmem:s26], [sflag:$0x1] =	stream.indirect.gather [hbm4b:s10+s25], $0x80, s2, s25, $0xb8;
	[tilespmem:$0x1C200] =	vst v63  }
0x22: {  	_ = 	snop  }
0x23: {  	[tilespmem:s28], [sflag:$0x2] =	stream.indirect.gather [hbm4b:s10+s25], $0x80, s25, s25, $0xb8;
	[tilespmem:$0x1C200] =	vst v63  }
0x24: {  	_ =	swait.ge [sflag:s29], $0x4000  }
0x25: {  	[sflag:s29] =	ssyncset.done $0x0  }
0x26: {  	[sflag:s29] =	ssyncadd.s32 $0xFFFFC000  }
0x27: {  	[spmem:s1] =	stream.indirect.scatter.add.f32 [tilespmem:s26], [sflag:$0x1], $0x80, s23, s25, $0xb8;
	[tilespmem:$0x1C200] =	vst v63  }
0x28: {  	_ =	swait.ge [sflag:s30], $0x4000  }
0x29: {  	[sflag:s30] =	ssyncset.done $0x0  }
0x2a: {  	[sflag:s30] =	ssyncadd.s32 $0xFFFFC000  }
0x2b: {  	[spmem:s1] =	stream.indirect.scatter.add.f32 [tilespmem:s28], [sflag:$0x2], $0x80, s24, s25, $0xb8;
	[tilespmem:$0x1C200] =	vst v63  }
0x2c: {  	_ =	swait.ge [sflag:s29], $0x4000  }
0x2d: {  	[sflag:s29] =	ssyncset.done $0x0  }
0x2e: {  	[sflag:s29] =	ssyncadd.s32 $0xFFFFC000  }
0x2f: {  	_ =	swait.ge [sflag:s30], $0x4000  }
0x30: {  	s4 =	smov.u32 s7;
	[sflag:s30] =	ssyncset.done $0x0;
	s5 =	rddreg [dreg:$0x3]  }
0x31: {  	s3 =	smov.u32 s10;
	s0 =	rddreg [dreg:$0x5];
	[sflag:s30] =	ssyncadd.s32 $0xFFFFC000  }
.LBB2_8:
0x32: {  	s4 =	sadd.s32 s4, s15  }
0x33: {  	[tilespmem:s2], [sflag:$0x3] =	stream.linear.gather [hbm4b:s4+s2], $0x80, $0x38;
	[tilespmem:$0x1C200] =	vst v63  }
0x34: {  	_ =	swait.ge [sflag:s22], $0x80  }
0x35: {  	[sflag:s22] =	ssyncset.done $0x0  }
0x36: {  	s12 =	sadd.s32 s5, s15;
	[sflag:s22] =	ssyncadd.s32 $0xFFFFFF80  }
0x37: {  	[tilespmem:s23], [sflag:$0x3] =	stream.linear.gather [hbm4b:s12+s2], $0x80, $0x38;
	[tilespmem:$0x1C200] =	vst v63  }
0x38: {  	_ =	swait.ge [sflag:s22], $0x80  }
0x39: {  	[sflag:s22] =	ssyncset.done $0x0  }
0x3a: {  	[sflag:s22] =	ssyncadd.s32 $0xFFFFFF80  }
0x3b: {  	[tilespmem:s26], [sflag:$0x1] =	stream.indirect.gather [hbm4b:s3+s25], $0x80, s2, s25, $0xb8;
	[tilespmem:$0x1C200] =	vst v63  }
0x3c: {  	_ =	swait.ge [sflag:s29], $0x4000  }
0x3d: {  	[sflag:s29] =	ssyncset.done $0x0  }
0x3e: {  	[sflag:s29] =	ssyncadd.s32 $0xFFFFC000  }
0x3f: {  	[spmem:s1] =	stream.indirect.scatter.add.f32 [tilespmem:s26], [sflag:$0x3], $0x80, s23, s25, $0xb8;
	[tilespmem:$0x1C200] =	vst v63  }
0x40: {  	_ =	swait.ge [sflag:s22], $0x4000  }
0x41: {  	s31 =	sadd.s32 $0x1, s31;
	[sflag:s22] =	ssyncset.done $0x0  }
0x42: {  	p1 =	sne.s32 s31, s16;
	[sflag:s22] =	ssyncadd.s32 $0xFFFFC000  }
.Ltmp1:
0x43: {  	s0 =	sadd.s32 s0, s8;
	[bflag:$0x0] =	sbarrier.arrive $0xFFFF;
	(pc) =	sbr.rel @!p1 .LBB2_9-.Ltmp1, $4  }
0x44: {  	[hbm:s0], [sflag:s14] =	dma.local [spmem:s21], $0x2800  }
0x45: {  	_ =	swait.ge [sflag:s22], $0x2800  }
0x46: {  	[sflag:s22] =	ssyncset.done $0x0  }
0x47: {  	[sflag:s22] =	ssyncadd.s32 $0xFFFFD800  }
.LBB2_1:
0x48: {  	[spmem:s21], [sflag:s14] =	dma.local [hbm:s13], $0x2800  }
.Ltmp2:
0x49: {  	_ =	swait.ge [sflag:s22], $0x2800;
	(pc) =	sbr.rel @p0 .LBB2_5-.Ltmp2, $3  }
0x4a: {  	[sflag:s22] =	ssyncset.done $0x0  }
0x4b: {  	[sflag:s22] =	ssyncadd.s32 $0xFFFFD800  }
0x4c: {  	[bflag:$0x0] =	sbarrier.arrive $0xFFFF;
	_ =	sdelay $0x1  }
0x4d: {  	s0 =	sadd.s32 $0x0, s20  }
0x4e: {  	[tilespmem:s2], [sflag:$0x3] =	stream.linear.gather [hbm4b:s0+s2], $0x100, $0x38;
	[tilespmem:$0x1C200] =	vst v63  }
0x4f: {  	_ =	swait.ge [sflag:s22], $0x100  }
0x50: {  	[sflag:s22] =	ssyncset.done $0x0  }
0x51: {  	s12 =	sadd.s32 $0x0, s19;
	[sflag:s22] =	ssyncadd.s32 $0xFFFFFF00  }
0x52: {  	[tilespmem:s23], [sflag:$0x3] =	stream.linear.gather [hbm4b:s12+s2], $0x80, $0x38;
	[tilespmem:$0x1C200] =	vst v63  }
0x53: {  	_ =	swait.ge [sflag:s22], $0x80  }
0x54: {  	[sflag:s22] =	ssyncset.done $0x0  }
0x55: {  	s0 =	sadd.s32 $0x10, s12;
	[sflag:s22] =	ssyncadd.s32 $0xFFFFFF80  }
0x56: {  	[tilespmem:s24], [sflag:$0x3] =	stream.linear.gather [hbm4b:s0+s2], $0x80, $0x38;
	[tilespmem:$0x1C200] =	vst v63  }
0x57: {  	_ =	swait.ge [sflag:s22], $0x80  }
0x58: {  	[sflag:s22] =	ssyncset.done $0x0  }
0x59: {  	[sflag:s22] =	ssyncadd.s32 $0xFFFFFF80  }
0x5a: {  	[tilespmem:s26], [sflag:$0x1] =	stream.indirect.gather [hbm4b:s9+s25], $0x80, s2, s25, $0xb8;
	[tilespmem:$0x1C200] =	vst v63  }
0x5b: {  	_ = 	snop  }
0x5c: {  	[tilespmem:s28], [sflag:$0x2] =	stream.indirect.gather [hbm4b:s9+s25], $0x80, s25, s25, $0xb8;
	[tilespmem:$0x1C200] =	vst v63  }
0x5d: {  	_ =	swait.ge [sflag:s29], $0x4000  }
0x5e: {  	[sflag:s29] =	ssyncset.done $0x0  }
0x5f: {  	[sflag:s29] =	ssyncadd.s32 $0xFFFFC000  }
0x60: {  	[spmem:s1] =	stream.indirect.scatter.add.f32 [tilespmem:s26], [sflag:$0x1], $0x80, s23, s25, $0xb8;
	[tilespmem:$0x1C200] =	vst v63  }
0x61: {  	_ =	swait.ge [sflag:s30], $0x4000  }
0x62: {  	[sflag:s30] =	ssyncset.done $0x0  }
0x63: {  	[sflag:s30] =	ssyncadd.s32 $0xFFFFC000  }
0x64: {  	[spmem:s1] =	stream.indirect.scatter.add.f32 [tilespmem:s28], [sflag:$0x2], $0x80, s24, s25, $0xb8;
	[tilespmem:$0x1C200] =	vst v63  }
0x65: {  	_ =	swait.ge [sflag:s29], $0x4000  }
0x66: {  	[sflag:s29] =	ssyncset.done $0x0  }
0x67: {  	[sflag:s29] =	ssyncadd.s32 $0xFFFFC000  }
0x68: {  	_ =	swait.ge [sflag:s30], $0x4000  }
0x69: {  	s3 =	simm.s32 $0x40;
	s0 =	simm.s32 $0x20;
	[sflag:s30] =	ssyncset.done $0x0  }
.LBB2_3:
0x6a: {  	s4 =	sadd.s32 s0, s20  }
0x6b: {  	[sflag:s30] =	ssyncadd.s32 $0xFFFFC000;
	s5 =	smov.u32 s3;
	s12 =	sadd.s32 $0x20, s3  }
0x6c: {  	[tilespmem:s2], [sflag:$0x3] =	stream.linear.gather [hbm4b:s4+s2], $0x100, $0x38;
	[tilespmem:$0x1C200] =	vst v63  }
0x6d: {  	p1 =	seq.s32 s3, $0x9A0;
	_ =	swait.ge [sflag:s22], $0x100  }
0x6e: {  	[sflag:s22] =	ssyncset.done $0x0  }
0x6f: {  	s3 =	sadd.s32 s0, s19;
	s0 =	smov.u32 s5;
	[sflag:s22] =	ssyncadd.s32 $0xFFFFFF00  }
0x70: {  	[tilespmem:s23], [sflag:$0x3] =	stream.linear.gather [hbm4b:s3+s2], $0x80, $0x38;
	[tilespmem:$0x1C200] =	vst v63  }
0x71: {  	_ =	swait.ge [sflag:s22], $0x80  }
0x72: {  	[sflag:s22] =	ssyncset.done $0x0  }
0x73: {  	s3 =	sadd.s32 $0x10, s3;
	[sflag:s22] =	ssyncadd.s32 $0xFFFFFF80  }
0x74: {  	[tilespmem:s24], [sflag:$0x3] =	stream.linear.gather [hbm4b:s3+s2], $0x80, $0x38;
	[tilespmem:$0x1C200] =	vst v63  }
0x75: {  	_ =	swait.ge [sflag:s22], $0x80  }
0x76: {  	[sflag:s22] =	ssyncset.done $0x0  }
0x77: {  	[sflag:s22] =	ssyncadd.s32 $0xFFFFFF80  }
0x78: {  	[tilespmem:s26], [sflag:$0x1] =	stream.indirect.gather [hbm4b:s9+s25], $0x80, s2, s25, $0xb8;
	[tilespmem:$0x1C200] =	vst v63  }
0x79: {  	_ = 	snop  }
0x7a: {  	[tilespmem:s28], [sflag:$0x2] =	stream.indirect.gather [hbm4b:s9+s25], $0x80, s25, s25, $0xb8;
	[tilespmem:$0x1C200] =	vst v63  }
0x7b: {  	_ =	swait.ge [sflag:s29], $0x4000  }
0x7c: {  	[sflag:s29] =	ssyncset.done $0x0  }
0x7d: {  	[sflag:s29] =	ssyncadd.s32 $0xFFFFC000  }
0x7e: {  	[spmem:s1] =	stream.indirect.scatter.add.f32 [tilespmem:s26], [sflag:$0x1], $0x80, s23, s25, $0xb8;
	[tilespmem:$0x1C200] =	vst v63  }
0x7f: {  	_ =	swait.ge [sflag:s30], $0x4000  }
0x80: {  	[sflag:s30] =	ssyncset.done $0x0  }
0x81: {  	[sflag:s30] =	ssyncadd.s32 $0xFFFFC000  }
0x82: {  	[spmem:s1] =	stream.indirect.scatter.add.f32 [tilespmem:s28], [sflag:$0x2], $0x80, s24, s25, $0xb8;
	[tilespmem:$0x1C200] =	vst v63  }
.Ltmp3:
0x83: {  	_ =	swait.ge [sflag:s29], $0x4000;
	(pc) =	sbr.rel @!p1 .LBB2_3-.Ltmp3, $4  }
0x84: {  	[sflag:s29] =	ssyncset.done $0x0  }
0x85: {  	[sflag:s29] =	ssyncadd.s32 $0xFFFFC000  }
0x86: {  	_ =	swait.ge [sflag:s30], $0x4000  }
0x87: {  	s3 =	smov.u32 s12;
	[sflag:s30] =	ssyncset.done $0x0  }
0x88: {  	s3 =	sadd.s32 s0, s20;
	[sflag:s30] =	ssyncadd.s32 $0xFFFFC000  }
0x89: {  	[tilespmem:s2], [sflag:$0x3] =	stream.linear.gather [hbm4b:s3+s2], $0x100, $0x38;
	[tilespmem:$0x1C200] =	vst v63  }
0x8a: {  	_ =	swait.ge [sflag:s22], $0x100  }
0x8b: {  	[sflag:s22] =	ssyncset.done $0x0  }
0x8c: {  	s12 =	sadd.s32 s0, s19;
	[sflag:s22] =	ssyncadd.s32 $0xFFFFFF00  }
0x8d: {  	[tilespmem:s23], [sflag:$0x3] =	stream.linear.gather [hbm4b:s12+s2], $0x80, $0x38;
	[tilespmem:$0x1C200] =	vst v63  }
0x8e: {  	_ =	swait.ge [sflag:s22], $0x80  }
0x8f: {  	[sflag:s22] =	ssyncset.done $0x0  }
0x90: {  	s0 =	sadd.s32 $0x10, s12;
	[sflag:s22] =	ssyncadd.s32 $0xFFFFFF80  }
0x91: {  	[tilespmem:s24], [sflag:$0x3] =	stream.linear.gather [hbm4b:s0+s2], $0x80, $0x38;
	[tilespmem:$0x1C200] =	vst v63  }
0x92: {  	_ =	swait.ge [sflag:s22], $0x80  }
0x93: {  	[sflag:s22] =	ssyncset.done $0x0  }
0x94: {  	[sflag:s22] =	ssyncadd.s32 $0xFFFFFF80  }
0x95: {  	[tilespmem:s26], [sflag:$0x1] =	stream.indirect.gather [hbm4b:s9+s25], $0x80, s2, s25, $0xb8;
	[tilespmem:$0x1C200] =	vst v63  }
0x96: {  	_ = 	snop  }
0x97: {  	[tilespmem:s28], [sflag:$0x2] =	stream.indirect.gather [hbm4b:s9+s25], $0x80, s25, s25, $0xb8;
	[tilespmem:$0x1C200] =	vst v63  }
0x98: {  	_ =	swait.ge [sflag:s29], $0x4000  }
0x99: {  	[sflag:s29] =	ssyncset.done $0x0  }
0x9a: {  	[sflag:s29] =	ssyncadd.s32 $0xFFFFC000  }
0x9b: {  	[spmem:s1] =	stream.indirect.scatter.add.f32 [tilespmem:s26], [sflag:$0x1], $0x80, s23, s25, $0xb8;
	[tilespmem:$0x1C200] =	vst v63  }
0x9c: {  	_ =	swait.ge [sflag:s30], $0x4000  }
0x9d: {  	[sflag:s30] =	ssyncset.done $0x0  }
0x9e: {  	[sflag:s30] =	ssyncadd.s32 $0xFFFFC000  }
0x9f: {  	[spmem:s1] =	stream.indirect.scatter.add.f32 [tilespmem:s28], [sflag:$0x2], $0x80, s24, s25, $0xb8;
	[tilespmem:$0x1C200] =	vst v63  }
0xa0: {  	_ =	swait.ge [sflag:s29], $0x4000  }
.Ltmp4:
0xa1: {  	[sflag:s29] =	ssyncset.done $0x0;
	(pc) =	sbr.rel .LBB2_8-.Ltmp4, $4  }
0xa2: {  	[sflag:s29] =	ssyncadd.s32 $0xFFFFC000  }
0xa3: {  	_ =	swait.ge [sflag:s30], $0x4000  }
0xa4: {  	s4 =	smov.u32 s11;
	s5 =	smov.u32 s6;
	[sflag:s30] =	ssyncset.done $0x0  }
0xa5: {  	s3 =	smov.u32 s9;
	s0 =	rddreg [dreg:$0x4];
	[sflag:s30] =	ssyncadd.s32 $0xFFFFC000  }
.LBB2_5:
0xa6: {  	s0 =	sadd.s32 $0x0, s18  }
0xa7: {  	[tilespmem:s2], [sflag:$0x3] =	stream.linear.gather [hbm4b:s0+s2], $0x100, $0x38;
	[tilespmem:$0x1C200] =	vst v63  }
0xa8: {  	_ =	swait.ge [sflag:s22], $0x100  }
0xa9: {  	[sflag:s22] =	ssyncset.done $0x0  }
0xaa: {  	s12 =	sadd.s32 $0x0, s17;
	[sflag:s22] =	ssyncadd.s32 $0xFFFFFF00  }
0xab: {  	[tilespmem:s23], [sflag:$0x3] =	stream.linear.gather [hbm4b:s12+s2], $0x80, $0x38;
	[tilespmem:$0x1C200] =	vst v63  }
0xac: {  	_ =	swait.ge [sflag:s22], $0x80  }
0xad: {  	[sflag:s22] =	ssyncset.done $0x0  }
0xae: {  	s0 =	sadd.s32 $0x10, s12;
	[sflag:s22] =	ssyncadd.s32 $0xFFFFFF80  }
0xaf: {  	[tilespmem:s24], [sflag:$0x3] =	stream.linear.gather [hbm4b:s0+s2], $0x80, $0x38;
	[tilespmem:$0x1C200] =	vst v63  }
0xb0: {  	_ =	swait.ge [sflag:s22], $0x80  }
0xb1: {  	[sflag:s22] =	ssyncset.done $0x0  }
0xb2: {  	[sflag:s22] =	ssyncadd.s32 $0xFFFFFF80  }
0xb3: {  	[tilespmem:s26], [sflag:$0x1] =	stream.indirect.gather [hbm4b:s10+s25], $0x80, s2, s25, $0xb8;
	[tilespmem:$0x1C200] =	vst v63  }
0xb4: {  	_ = 	snop  }
0xb5: {  	[tilespmem:s28], [sflag:$0x2] =	stream.indirect.gather [hbm4b:s10+s25], $0x80, s25, s25, $0xb8;
	[tilespmem:$0x1C200] =	vst v63  }
0xb6: {  	_ =	swait.ge [sflag:s29], $0x4000  }
0xb7: {  	[sflag:s29] =	ssyncset.done $0x0  }
0xb8: {  	[sflag:s29] =	ssyncadd.s32 $0xFFFFC000  }
0xb9: {  	[spmem:s1] =	stream.indirect.scatter.add.f32 [tilespmem:s26], [sflag:$0x1], $0x80, s23, s25, $0xb8;
	[tilespmem:$0x1C200] =	vst v63  }
0xba: {  	_ =	swait.ge [sflag:s30], $0x4000  }
0xbb: {  	[sflag:s30] =	ssyncset.done $0x0  }
0xbc: {  	[sflag:s30] =	ssyncadd.s32 $0xFFFFC000  }
0xbd: {  	[spmem:s1] =	stream.indirect.scatter.add.f32 [tilespmem:s28], [sflag:$0x2], $0x80, s24, s25, $0xb8;
	[tilespmem:$0x1C200] =	vst v63  }
0xbe: {  	_ =	swait.ge [sflag:s29], $0x4000  }
0xbf: {  	[sflag:s29] =	ssyncset.done $0x0  }
0xc0: {  	[sflag:s29] =	ssyncadd.s32 $0xFFFFC000  }
0xc1: {  	_ =	swait.ge [sflag:s30], $0x4000  }
0xc2: {  	s3 =	simm.s32 $0x40;
	s0 =	simm.s32 $0x20;
	[sflag:s30] =	ssyncset.done $0x0  }
.LBB2_6:
0xc3: {  	s4 =	sadd.s32 s0, s18  }
0xc4: {  	[sflag:s30] =	ssyncadd.s32 $0xFFFFC000;
	s5 =	smov.u32 s3;
	s12 =	sadd.s32 $0x20, s3  }
0xc5: {  	[tilespmem:s2], [sflag:$0x3] =	stream.linear.gather [hbm4b:s4+s2], $0x100, $0x38;
	[tilespmem:$0x1C200] =	vst v63  }
0xc6: {  	p1 =	sne.s32 s3, $0x9A0;
	_ =	swait.ge [sflag:s22], $0x100  }
0xc7: {  	[sflag:s22] =	ssyncset.done $0x0  }
0xc8: {  	s3 =	sadd.s32 s0, s17;
	s0 =	smov.u32 s5;
	[sflag:s22] =	ssyncadd.s32 $0xFFFFFF00  }
0xc9: {  	[tilespmem:s23], [sflag:$0x3] =	stream.linear.gather [hbm4b:s3+s2], $0x80, $0x38;
	[tilespmem:$0x1C200] =	vst v63  }
0xca: {  	_ =	swait.ge [sflag:s22], $0x80  }
0xcb: {  	[sflag:s22] =	ssyncset.done $0x0  }
0xcc: {  	s3 =	sadd.s32 $0x10, s3;
	[sflag:s22] =	ssyncadd.s32 $0xFFFFFF80  }
0xcd: {  	[tilespmem:s24], [sflag:$0x3] =	stream.linear.gather [hbm4b:s3+s2], $0x80, $0x38;
	[tilespmem:$0x1C200] =	vst v63  }
0xce: {  	_ =	swait.ge [sflag:s22], $0x80  }
0xcf: {  	[sflag:s22] =	ssyncset.done $0x0  }
0xd0: {  	[sflag:s22] =	ssyncadd.s32 $0xFFFFFF80  }
0xd1: {  	[tilespmem:s26], [sflag:$0x1] =	stream.indirect.gather [hbm4b:s10+s25], $0x80, s2, s25, $0xb8;
	[tilespmem:$0x1C200] =	vst v63  }
0xd2: {  	_ = 	snop  }
0xd3: {  	[tilespmem:s28], [sflag:$0x2] =	stream.indirect.gather [hbm4b:s10+s25], $0x80, s25, s25, $0xb8;
	[tilespmem:$0x1C200] =	vst v63  }
0xd4: {  	_ =	swait.ge [sflag:s29], $0x4000  }
0xd5: {  	[sflag:s29] =	ssyncset.done $0x0  }
0xd6: {  	[sflag:s29] =	ssyncadd.s32 $0xFFFFC000  }
0xd7: {  	[spmem:s1] =	stream.indirect.scatter.add.f32 [tilespmem:s26], [sflag:$0x1], $0x80, s23, s25, $0xb8;
	[tilespmem:$0x1C200] =	vst v63  }
0xd8: {  	_ =	swait.ge [sflag:s30], $0x4000  }
0xd9: {  	[sflag:s30] =	ssyncset.done $0x0  }
0xda: {  	[sflag:s30] =	ssyncadd.s32 $0xFFFFC000  }
0xdb: {  	[spmem:s1] =	stream.indirect.scatter.add.f32 [tilespmem:s28], [sflag:$0x2], $0x80, s24, s25, $0xb8;
	[tilespmem:$0x1C200] =	vst v63  }
.Ltmp5:
0xdc: {  	_ =	swait.ge [sflag:s29], $0x4000;
	(pc) =	sbr.rel @p1 .LBB2_6-.Ltmp5, $4  }
0xdd: {  	[sflag:s29] =	ssyncset.done $0x0  }
0xde: {  	[sflag:s29] =	ssyncadd.s32 $0xFFFFC000  }
0xdf: {  	_ =	swait.ge [sflag:s30], $0x4000  }
0xe0: {  	s3 =	smov.u32 s12;
	[sflag:s30] =	ssyncset.done $0x0  }
.Ltmp6:
0xe1: {  	_ = 	snop;
	(pc) =	sbr.rel .LBB2_7-.Ltmp6, $1  }
0xe2: {  	_ =	sdelay $0x3  }
.LBB2_9:
0xe3: {  	_ =	sfence.sel $0x180000  }
0xe4: {  	[bflag:$0x0] =	sbarrier.arrive $0xFFFF  }
0xe5: {  	_ =	strace $0x9000004A  }
0xe6: {  	s0 =	stileid.u32;
	[bflag:$0x2] =	sbarrier.arrive $0xFFFF  }
0xe7: {  	p0 =	sne.s32 s0, $0x0;
	s0 =	rddreg [dreg:$0x2]  }
0xe8: {  	s0 =	sadd.s32 @!p0 $0x100000, s0  }
0xe9: {  	[sflag:s0] =	ssyncadd.tile.s32 @!p0 $0x1;
	_ =	shalt  }
.Lfunc_end2:
_tile_overlayer_lowered:
.L_overlay_start_2:
0xea: {  	(tag) =	ssettag $0x2  }
0xeb: {  	s0 =	rddreg [dreg:$0x0];
	s2 =	stileid.u32  }
0xec: {  	s1 =	rddreg [dreg:$0x1];
	p0 =	sne.s32 s2, $0x0  }
0xed: {  	s3 =	rddreg [dreg:$0x2];
	[bflag:$0x3] =	sbarrier.arrive $0xFFFF;
	s2 =	simm.s32 @!p0 $0x1C03  }
0xee: {  	[timem:s3], [sflag:s2] =	dma.local @!p0 [hbm:s0], s1  }
0xef: {  	s0 =	simm.s32 @!p0 $0x3  }
0xf0: {  	_ =	swait.ge @!p0 [sflag:s0], s1  }
0xf1: {  	s1 =	ssub.s32 @!p0 $0x0, s1;
	[sflag:s0] =	ssyncset.done @!p0 $0x0  }
0xf2: {  	[sflag:s0] =	ssyncadd.s32 @!p0 s1  }
0xf3: {  	[bflag:$0x3] =	sbarrier.arrive $0xFFFF  }
0xf4: {  	_ =	shalt  }

// kernel: kernel.14.cloned.1.call-start
scs
__scs_entry_jumppad:
0x0: {  	(pc) =	sbr.rel $0x88, $3  }
0x1: {  	(tag) =	ssettag $0x0;
	lr =	simm.s32 $0x1  }
0x2: {  	[smem:$0x3F8C] =	sst lr;
	_ =	strace $0xD0000000  }
0x3: {  	_ = 	snop  }
0x4: {  	_ = 	snop  }
0x5: {  	_ = 	snop  }
0x6: {  	_ = 	snop  }
0x7: {  	_ = 	snop  }
__scs_overlays_trampoline_lowered:
0x8: {  	[smem:$0x3F9B] =	sst s0  }
0x9: {  	[smem:$0x3F9C] =	sst s1  }
0xa: {  	[smem:$0x3F9D] =	sst s2  }
0xb: {  	[smem:$0x3F9E] =	sst s3  }
0xc: {  	[smem:$0x3F9F] =	sst s4  }
0xd: {  	[smem:$0x3FA0] =	sst s5  }
0xe: {  	[smem:$0x3FA1] =	sst s6  }
0xf: {  	[smem:$0x3FA2] =	sst s7  }
0x10: {  	[smem:$0x3FA3] =	sst s8  }
0x11: {  	[smem:$0x3FA4] =	sst s9;
	s0 =	simm.s32 @!p0 $0x0  }
0x12: {  	s1 =	sld [smem:$0x3F8A];
	s0 =	simm.s32 @p0 $0x1  }
0x13: {  	[smem:$0x3FA5] =	sst s0;
	s0 =	simm.s32 @!p1 $0x0  }
0x14: {  	s2 =	sld [smem:$0x3F89];
	s0 =	simm.s32 @p1 $0x1  }
0x15: {  	[smem:$0x3FA6] =	sst s0;
	s0 =	simm.s32 @!p2 $0x0  }
0x16: {  	s3 =	sld [smem:$0x3FDB];
	s0 =	simm.s32 @p2 $0x1  }
0x17: {  	s4 =	simm.s32 $0x1BF5;
	[smem:$0x3FA8] =	sst s0  }
0x18: {  	s0 =	sld [smem:$0x3F8B];
	_ =	swait.ge [sflag:s4], $0x0  }
0x19: {  	s7 =	sld [smem:$0x3F8C]  }
0x1a: {  	s8 =	sadd.s32 $0xFFFFE003, lr  }
0x1b: {  	s9 =	sadd.s32 $0xFFFFFEF7, lr;
	s5 =	simm.s32 $0xFFFFFFFF;
	p2 =	slt.u32 s8, $0xFFFFF086  }
0x1c: {  	p1 =	slt.u32 s9, $0xF7A;
	s5 =	simm.s32 @!p2 $0x0  }
0x1d: {  	s5 =	simm.s32 @p1 $0x1;
	p0 =	seq.s32 s7, s2  }
0x1e: {  	s7 =	smul.u32 @!p0 $0xF7A, s2;
	p2 =	seq.s32 @!p0 s5, $0x0  }
0x1f: {  	s9 =	smul.u32 $0xF7A, s1;
	s8 =	simm.s32 @!p0 $0x1BF5;
	p2 =	por !p2, p0  }
0x20: {  	[sflag:s8] =	ssyncset.s32 @!p0 $0xFFFFF086;
	s6 =	sadd.s32 @!p0 s3, s7;
	s7 =	simm.s32 @!p0 $0x108  }
0x21: {  	s3 =	sadd.s32 s3, s9;
	s6 =	sadd.s32 @!p0 $0x88, s6;
	s7 =	simm.s32 @p2 $0x1082  }
0x22: {  	[simem:s7], [sflag:s8] =	dma.local @!p0 [hbm:s6], $0xF7A  }
0x23: {  	s9 =	sor.u32 $0xD0000000, s2;
	s6 =	simm.s32 $0x108;
	_ =	swait.ge @!p0 [sflag:s8], $0x0  }
0x24: {  	s3 =	sadd.s32 $0x88, s3;
	s6 =	simm.s32 @!p1 $0x1082;
	[sflag:s4] =	ssyncset.s32 $0xFFFFF086  }
0x25: {  	[simem:s6], [sflag:s4] =	dma.local [hbm:s3], $0xF7A  }
0x26: {  	[smem:$0x3F8C] =	sst s1;
	(tag) =	ssettag s2;
	_ =	strace s9  }
0x27: {  	s1 =	sld [smem:$0x3F9C]  }
0x28: {  	s2 =	sld [smem:$0x3F9D]  }
0x29: {  	s4 =	sld [smem:$0x3F9F]  }
0x2a: {  	p0 =	seq.s32 s5, $0x0;
	s5 =	sld [smem:$0x3FA0]  }
0x2b: {  	s6 =	sld [smem:$0x3FA1]  }
0x2c: {  	s7 =	sld [smem:$0x3FA2]  }
0x2d: {  	s3 =	simm.s32 $0x108;
	s8 =	sld [smem:$0x3FA3]  }
0x2e: {  	s3 =	simm.s32 @!p0 $0x1082;
	s9 =	sld [smem:$0x3FA4]  }
0x2f: {  	lr =	sadd.s32 s0, s3;
	s0 =	sld [smem:$0x3F9B]  }
0x30: {  	s3 =	sld [smem:$0x3F9E]  }
0x31: {  	[smem:$0x3FA7] =	sst s10  }
0x32: {  	s10 =	sld [smem:$0x3FA5];
	_ =	sdelay $0x3  }
0x33: {  	p0 =	seq.s32 s10, $0x1;
	s10 =	sld [smem:$0x3FA7];
	_ =	sdelay $0x3  }
0x34: {  	[smem:$0x3FA7] =	sst s10  }
0x35: {  	s10 =	sld [smem:$0x3FA6];
	_ =	sdelay $0x3  }
0x36: {  	p1 =	seq.s32 s10, $0x1;
	s10 =	sld [smem:$0x3FA7];
	_ =	sdelay $0x3  }
0x37: {  	[smem:$0x3FA7] =	sst s10  }
0x38: {  	s10 =	sld [smem:$0x3FA8]  }
0x39: {  	_ = 	snop;
	(pc) =	sbr.ind lr, $3  }
0x3a: {  	_ = 	snop  }
0x3b: {  	_ = 	snop  }
0x3c: {  	p2 =	seq.s32 s10, $0x1;
	s10 =	sld [smem:$0x3FA7]  }
0x3d: {  	_ =	shalt  }
0x3e: {  	_ =	shalt  }
0x3f: {  	_ =	shalt  }
0x40: {  	_ =	shalt  }
0x41: {  	_ =	shalt  }
0x42: {  	_ =	shalt  }
0x43: {  	_ =	shalt  }
0x44: {  	_ =	shalt  }
0x45: {  	_ =	shalt  }
0x46: {  	_ =	shalt  }
0x47: {  	_ =	shalt  }
0x48: {  	_ =	shalt  }
0x49: {  	_ =	shalt  }
0x4a: {  	_ =	shalt  }
0x4b: {  	_ =	shalt  }
0x4c: {  	_ =	shalt  }
0x4d: {  	_ =	shalt  }
0x4e: {  	_ =	shalt  }
0x4f: {  	_ =	shalt  }
0x50: {  	_ =	shalt  }
0x51: {  	_ =	shalt  }
0x52: {  	_ =	shalt  }
0x53: {  	_ =	shalt  }
0x54: {  	_ =	shalt  }
0x55: {  	_ =	shalt  }
0x56: {  	_ =	shalt  }
0x57: {  	_ =	shalt  }
0x58: {  	_ =	shalt  }
0x59: {  	_ =	shalt  }
0x5a: {  	_ =	shalt  }
0x5b: {  	_ =	shalt  }
0x5c: {  	_ =	shalt  }
0x5d: {  	_ =	shalt  }
0x5e: {  	_ =	shalt  }
0x5f: {  	_ =	shalt  }
0x60: {  	_ =	shalt  }
0x61: {  	_ =	shalt  }
0x62: {  	_ =	shalt  }
0x63: {  	_ =	shalt  }
0x64: {  	_ =	shalt  }
0x65: {  	_ =	shalt  }
0x66: {  	_ =	shalt  }
0x67: {  	_ =	shalt  }
0x68: {  	_ =	shalt  }
0x69: {  	_ =	shalt  }
0x6a: {  	_ =	shalt  }
0x6b: {  	_ =	shalt  }
0x6c: {  	_ =	shalt  }
0x6d: {  	_ =	shalt  }
0x6e: {  	_ =	shalt  }
0x6f: {  	_ =	shalt  }
0x70: {  	_ =	shalt  }
0x71: {  	_ =	shalt  }
0x72: {  	_ =	shalt  }
0x73: {  	_ =	shalt  }
0x74: {  	_ =	shalt  }
0x75: {  	_ =	shalt  }
0x76: {  	_ =	shalt  }
0x77: {  	_ =	shalt  }
0x78: {  	_ =	shalt  }
0x79: {  	_ =	shalt  }
0x7a: {  	_ =	shalt  }
0x7b: {  	_ =	shalt  }
0x7c: {  	_ =	shalt  }
0x7d: {  	_ =	shalt  }
0x7e: {  	_ =	shalt  }
0x7f: {  	_ =	shalt  }
0x80: {  	_ =	shalt  }
0x81: {  	_ =	shalt  }
0x82: {  	_ =	shalt  }
0x83: {  	_ =	shalt  }
0x84: {  	_ =	shalt  }
0x85: {  	_ =	shalt  }
0x86: {  	_ =	shalt  }
0x87: {  	_ =	shalt  }
.Lfunc_end0:
.L_simem_size_0:
called_computation.2_lowered:
.L_overlay_start_0:
0x88: {  	s2 =	sld [smem:$0x3FD9]  }
0x89: {  	s3 =	sld [smem:$0x3FFE];
	_ =	sdelay $0x1  }
0x8a: {  	s1 =	srdreg.scid  }
0x8b: {  	s0 =	sand.u32 $0x1, s1  }
0x8c: {  	s17 =	sshll.u32 s0, $0xA;
	s2 =	sadd.s32 s3, s2  }
0x8d: {  	s2 =	sadd.s32 s2, s17  }
0x8e: {  	[smem:$0x3FB3] =	sst s2  }
0x8f: {  	_ = 	snop  }
0x90: {  	s2 =	sld [smem:$0x3FD0];
	(tm) =	ssettm $0x1  }
0x91: {  	s18 =	sld [smem:$0x3FFB];
	_ =	sdelay $0x3  }
0x92: {  	_ =	strace s18  }
0x93: {  	s3 =	sld [smem:$0x3FFC];
	_ =	sdelay $0x3  }
0x94: {  	_ =	strace s3  }
0x95: {  	s3 =	sld [smem:$0x3FFD];
	_ =	sdelay $0x3  }
0x96: {  	_ =	strace s3  }
0x97: {  	_ =	strace $0x8FFFFFFF  }
0x98: {  	s19 =	sld [smem:$0x3FDB];
	_ =	sdelay $0x1  }
0x99: {  	s4 =	simm.s32 $_scs_section_size  }
0x9a: {  	s5 =	simm.s32 $_size__tile_overlayer_lowered;
	s6 =	simm.s32 $_tile_overlayer_lowered  }
0x9b: {  	s22 =	simm.s32 $0x1BFF;
	s21 =	sshll.u32 s6, $0x1;
	s3 =	sadd.s32 s4, s19  }
0x9c: {  	s7 =	simm.s32 $0x0;
	s20 =	sshll.u32 s5, $0x1;
	s5 =	sadd.s32 s21, s3  }
0x9d: {  	[timem:s7], [sflag:s22] =	dma.local [hbm:s5], s20  }
0x9e: {  	_ =	swait.ge [sflag:s22], s20  }
0x9f: {  	s4 =	ssub.s32 $0x0, s20;
	[sflag:s22] =	ssyncset.done $0x0  }
0xa0: {  	[sflag:s22] =	ssyncadd.s32 s4;
	_ =	sdelay $0x1  }
0xa1: {  	s23 =	simm.s32 $0x1B8B  }
0xa2: {  	_ =	swait.ge [sflag:s23], $0x1  }
0xa3: {  	[sflag:s23] =	ssyncset.done $0x0  }
0xa4: {  	s25 =	simm.s32 $0x1B8E;
	s24 =	sld [smem:$0x3FFE];
	[sflag:s23] =	ssyncadd.s32 $0xFFFFFFFF  }
0xa5: {  	s26 =	simm.s32 $execute0_lowered;
	[smem:$0x3FD2] =	sst s25  }
0xa6: {  	s5 =	sshll.u32 s26, $0x1;
	_ =	strace $0x8000004C;
	[dreg:$0x1] =	wrdreg $0xFFFFFFFF  }
0xa7: {  	s28 =	simm.s32 $_size_execute0_lowered;
	s3 =	sadd.s32 s3, s5;
	[dreg:$0x0] =	wrdreg $0x0  }
0xa8: {  	s5 =	sshll.u32 s28, $0x1;
	[dreg:$0x2] =	wrdreg s3  }
0xa9: {  	[dreg:$0x3] =	wrdreg s5  }
0xaa: {  	[dreg:$0x4] =	wrdreg $0xC0  }
0xab: {  	_ =	task [dreg:s7], $0x5FFFF  }
0xac: {  	[dreg:$0x1] =	wrdreg $0xFFFFFFFF  }
0xad: {  	[dreg:$0x0] =	wrdreg $0x60  }
0xae: {  	[dreg:$0x2] =	wrdreg s2  }
0xaf: {  	[dreg:$0x3] =	wrdreg s24  }
0xb0: {  	[dreg:$0x4] =	wrdreg $0x9  }
0xb1: {  	_ =	task.clear_ibuf [dreg:s7], $0x5FFFF;
	_ =	strace $0x9000004C  }
0xb2: {  	s29 =	simm.s32 $0x9;
	_ =	strace $0x8000004E  }
0xb3: {  	_ =	swait.ge [sflag:s29], $0x1  }
0xb4: {  	[sflag:s29] =	ssyncadd.s32 $0xFFFFFFFF  }
0xb5: {  	_ =	strace $0x9000004E  }
0xb6: {  	_ =	sfence  }
0xb7: {  	s30 =	sld [smem:$0x0];
	_ =	sdelay $0x2  }
0xb8: {  	s31 =	sshll.u32 s1, $0xD;
	s1 =	sshrl.u32 s1, $0x2  }
0xb9: {  	s3 =	sand.u32 $0x4000, s31;
	s1 =	sadd.s32 s1, s30  }
0xba: {  	s0 =	sor.u32 s3, s0;
	s1 =	sshll.u32 s1, $0x11  }
0xbb: {  	s0 =	sor.u32 s1, s0  }
0xbc: {  	s0 =	sadd.s32 $0x8F2B, s0  }
0xbd: {  	[sflag:s0] =	ssyncadd.remote.s32 $0x1  }
0xbe: {  	_ =	sfence.sel $0xFFFF  }
0xbf: {  	[dreg:$0x0] =	wrdreg $0xFFFFFFFF;
	(pc) =	sbr.abs _section_cstart, $3  }
0xc0: {  	[dreg:$0x1] =	wrdreg $0xFFFFFFFF  }
0xc1: {  	_ =	task.clear_ibuf [dreg:s7], $0x2FFFF;
	_ =	strace $0x9FFFFFFF  }
0xc2: {  	(tm) =	ssettm $0x7FFFFFFF  }
0xc3: {  	_ =	shalt  }
tec
execute0_lowered:
.L_overlay_start_1:
0x0: {  	(tag) =	ssettag $0x1  }
0x1: {  	s7 =	rddreg [dreg:$0x0]  }
0x2: {  	s5 =	rddreg [dreg:$0x1]  }
0x3: {  	s0 =	rddreg [dreg:$0x2];
	s2 =	simm.s32 $0x0  }
0x4: {  	s1 =	stileid.u32;
	s3 =	srdreg.scid;
	s13 =	simm.s32 $0x4380  }
0x5: {  	s14 =	simm.s32 $0x1;
	s15 =	simm.s32 $0x100;
	s16 =	simm.s32 $0x2  }
0x6: {  	s17 =	simm.s32 $0x180;
	s18 =	simm.s32 $0x200;
	s19 =	simm.s32 $0x280  }
0x7: {  	s20 =	simm.s32 $0x300;
	s21 =	simm.s32 $0x0;
	s8 =	smul.u32 $0x310, s1  }
0x8: {  	[smem:$0x7FF] =	sst s2;
	s6 =	sand.u32 $0x1, s3;
	s9 =	smul.u32 $0x18800, s1  }
0x9: {  	s3 =	sadd.s32 $0x2CA00, s5;
	s4 =	sadd.s32 $0x4A00, s5;
	_ =	strace $0x8000004D  }
.Ltmp0:
0xa: {  	s10 =	ssub.s32 $0x2, s6;
	p0 =	seq.s32 s6, $0x1;
	(pc) =	sbr.rel .LBB2_1-.Ltmp0, $4  }
0xb: {  	s11 =	sadd.s32 s8, s5;
	s12 =	sshrl.u32 s10, $0x1;
	s9 =	sadd.s32 s9, s5  }
0xc: {  	s7 =	sadd.s32 s8, s7;
	s31 =	ssub.s32 s10, s12;
	s6 =	sadd.s32 $0x147C00, s9  }
0xd: {  	s8 =	sadd.s32 $0x2CFC00, s9;
	s9 =	sadd.s32 $0x144A00, s11;
	s10 =	simm.s32 $0x3  }
0xe: {  	s11 =	simm.s32 $0x80;
	s12 =	simm.s32 $0x380;
	s5 =	smax.u32 s31, $0x1  }
.LBB2_7:
0xf: {  	[sflag:s10] =	ssyncadd.s32 $0xFFFFC000  }
.LBB2_8:
0x10: {  	s21 =	sadd.s32 $0x1, s21  }
0x11: {  	p1 =	sne.s32 s21, s5  }
.Ltmp1:
0x12: {  	_ = 	snop;
	(pc) =	sbr.rel @!p1 .LBB2_9-.Ltmp1, $1  }
0x13: {  	_ =	sdelay $0x3  }
.LBB2_1:
.Ltmp2:
0x14: {  	(pc) =	sbr.rel @!p0 .LBB2_2-.Ltmp2, $1  }
0x15: {  	_ =	sdelay $0x3  }
0x16: {  	[tilespmem:s2], [sflag:$0x3] =	stream.linear.gather [hbm4b:s9+s2], $0x380, $0x38;
	[tilespmem:$0x8380] =	vst v63  }
0x17: {  	_ =	swait.ge [sflag:s10], $0x380  }
0x18: {  	[sflag:s10] =	ssyncset.done $0x0  }
0x19: {  	[sflag:s10] =	ssyncadd.s32 $0xFFFFFC80  }
0x1a: {  	[tilespmem:s12], [sflag:$0x1] =	stream.indirect.gather [hbm4b:s4+s11], $0x80, s2, s11, $0xb8;
	[tilespmem:$0x8380] =	vst v63  }
0x1b: {  	_ = 	snop  }
0x1c: {  	[tilespmem:s13], [sflag:$0x2] =	stream.indirect.gather [hbm4b:s4+s11], $0x80, s11, s11, $0xb8;
	[tilespmem:$0x8380] =	vst v63  }
0x1d: {  	_ =	swait.ge [sflag:s14], $0x4000  }
0x1e: {  	[sflag:s14] =	ssyncset.done $0x0  }
0x1f: {  	s22 =	sadd.s32 $0x0, s8;
	[sflag:s14] =	ssyncadd.s32 $0xFFFFC000  }
0x20: {  	[hbm4b:s22+s2] =	stream.linear.scatter [tilespmem:s12], [sflag:$0x3], $0x4000, $0x38;
	[tilespmem:$0x8380] =	vst v63  }
0x21: {  	_ =	swait.ge [sflag:s10], $0x4000  }
0x22: {  	[sflag:s10] =	ssyncset.done $0x0  }
0x23: {  	[sflag:s10] =	ssyncadd.s32 $0xFFFFC000  }
0x24: {  	[tilespmem:s12], [sflag:$0x1] =	stream.indirect.gather [hbm4b:s4+s11], $0x80, s15, s11, $0xb8;
	[tilespmem:$0x8380] =	vst v63  }
0x25: {  	_ =	swait.ge [sflag:s16], $0x4000  }
0x26: {  	[sflag:s16] =	ssyncset.done $0x0  }
0x27: {  	s23 =	sadd.s32 $0x800, s22;
	[sflag:s16] =	ssyncadd.s32 $0xFFFFC000  }
0x28: {  	[hbm4b:s23+s2] =	stream.linear.scatter [tilespmem:s13], [sflag:$0x3], $0x4000, $0x38;
	[tilespmem:$0x8380] =	vst v63  }
0x29: {  	_ =	swait.ge [sflag:s10], $0x4000  }
0x2a: {  	[sflag:s10] =	ssyncset.done $0x0  }
0x2b: {  	[sflag:s10] =	ssyncadd.s32 $0xFFFFC000  }
0x2c: {  	[tilespmem:s13], [sflag:$0x2] =	stream.indirect.gather [hbm4b:s4+s11], $0x80, s17, s11, $0xb8;
	[tilespmem:$0x8380] =	vst v63  }
0x2d: {  	_ =	swait.ge [sflag:s14], $0x4000  }
0x2e: {  	[sflag:s14] =	ssyncset.done $0x0  }
0x2f: {  	s28 =	sadd.s32 $0x1000, s22;
	[sflag:s14] =	ssyncadd.s32 $0xFFFFC000  }
0x30: {  	[hbm4b:s28+s2] =	stream.linear.scatter [tilespmem:s12], [sflag:$0x3], $0x4000, $0x38;
	[tilespmem:$0x8380] =	vst v63  }
0x31: {  	_ =	swait.ge [sflag:s10], $0x4000  }
0x32: {  	[sflag:s10] =	ssyncset.done $0x0  }
0x33: {  	[sflag:s10] =	ssyncadd.s32 $0xFFFFC000  }
0x34: {  	[tilespmem:s12], [sflag:$0x1] =	stream.indirect.gather [hbm4b:s4+s11], $0x80, s18, s11, $0xb8;
	[tilespmem:$0x8380] =	vst v63  }
0x35: {  	_ =	swait.ge [sflag:s16], $0x4000  }
0x36: {  	[sflag:s16] =	ssyncset.done $0x0  }
0x37: {  	s29 =	sadd.s32 $0x1800, s22;
	[sflag:s16] =	ssyncadd.s32 $0xFFFFC000  }
0x38: {  	[hbm4b:s29+s2] =	stream.linear.scatter [tilespmem:s13], [sflag:$0x3], $0x4000, $0x38;
	[tilespmem:$0x8380] =	vst v63  }
0x39: {  	_ =	swait.ge [sflag:s10], $0x4000  }
0x3a: {  	[sflag:s10] =	ssyncset.done $0x0  }
0x3b: {  	[sflag:s10] =	ssyncadd.s32 $0xFFFFC000  }
0x3c: {  	[tilespmem:s13], [sflag:$0x2] =	stream.indirect.gather [hbm4b:s4+s11], $0x80, s19, s11, $0xb8;
	[tilespmem:$0x8380] =	vst v63  }
0x3d: {  	_ =	swait.ge [sflag:s14], $0x4000  }
0x3e: {  	[sflag:s14] =	ssyncset.done $0x0  }
0x3f: {  	s30 =	sadd.s32 $0x2000, s22;
	[sflag:s14] =	ssyncadd.s32 $0xFFFFC000  }
0x40: {  	[hbm4b:s30+s2] =	stream.linear.scatter [tilespmem:s12], [sflag:$0x3], $0x4000, $0x38;
	[tilespmem:$0x8380] =	vst v63  }
0x41: {  	_ =	swait.ge [sflag:s10], $0x4000  }
0x42: {  	[sflag:s10] =	ssyncset.done $0x0  }
0x43: {  	[sflag:s10] =	ssyncadd.s32 $0xFFFFC000  }
0x44: {  	[tilespmem:s12], [sflag:$0x1] =	stream.indirect.gather [hbm4b:s4+s11], $0x80, s20, s11, $0xb8;
	[tilespmem:$0x8380] =	vst v63  }
0x45: {  	_ =	swait.ge [sflag:s16], $0x4000  }
0x46: {  	[sflag:s16] =	ssyncset.done $0x0  }
0x47: {  	s31 =	sadd.s32 $0x2800, s22;
	[sflag:s16] =	ssyncadd.s32 $0xFFFFC000  }
0x48: {  	[hbm4b:s31+s2] =	stream.linear.scatter [tilespmem:s13], [sflag:$0x3], $0x4000, $0x38;
	[tilespmem:$0x8380] =	vst v63  }
0x49: {  	_ =	swait.ge [sflag:s10], $0x4000  }
0x4a: {  	[sflag:s10] =	ssyncset.done $0x0  }
0x4b: {  	[sflag:s10] =	ssyncadd.s32 $0xFFFFC000  }
0x4c: {  	_ =	swait.ge [sflag:s14], $0x4000  }
0x4d: {  	[sflag:s14] =	ssyncset.done $0x0  }
0x4e: {  	s22 =	sadd.s32 $0x3000, s22;
	[sflag:s14] =	ssyncadd.s32 $0xFFFFC000  }
0x4f: {  	[hbm4b:s22+s2] =	stream.linear.scatter [tilespmem:s12], [sflag:$0x3], $0x4000, $0x38;
	[tilespmem:$0x8380] =	vst v63  }
0x50: {  	_ =	swait.ge [sflag:s10], $0x4000  }
0x51: {  	s23 =	smov.u32 s9;
	s22 =	simm.s32 $0x3800;
	[sflag:s10] =	ssyncset.done $0x0  }
.LBB2_6:
0x52: {  	p1 =	sne.s32 s22, $0x15000;
	[sflag:s10] =	ssyncadd.s32 $0xFFFFC000;
	s23 =	sadd.s32 $0x70, s23  }
0x53: {  	[tilespmem:s2], [sflag:$0x3] =	stream.linear.gather [hbm4b:s23+s2], $0x380, $0x38;
	[tilespmem:$0x8380] =	vst v63  }
0x54: {  	s24 =	smov.u32 s22;
	s22 =	sadd.s32 $0x3800, s22;
	_ =	swait.ge [sflag:s10], $0x380  }
0x55: {  	[sflag:s10] =	ssyncset.done $0x0  }
0x56: {  	[sflag:s10] =	ssyncadd.s32 $0xFFFFFC80  }
0x57: {  	[tilespmem:s12], [sflag:$0x1] =	stream.indirect.gather [hbm4b:s4+s11], $0x80, s2, s11, $0xb8;
	[tilespmem:$0x8380] =	vst v63  }
0x58: {  	_ = 	snop  }
0x59: {  	[tilespmem:s13], [sflag:$0x2] =	stream.indirect.gather [hbm4b:s4+s11], $0x80, s11, s11, $0xb8;
	[tilespmem:$0x8380] =	vst v63  }
0x5a: {  	_ =	swait.ge [sflag:s14], $0x4000  }
0x5b: {  	[sflag:s14] =	ssyncset.done $0x0  }
0x5c: {  	s24 =	sadd.s32 s24, s8;
	[sflag:s14] =	ssyncadd.s32 $0xFFFFC000  }
0x5d: {  	[hbm4b:s24+s2] =	stream.linear.scatter [tilespmem:s12], [sflag:$0x3], $0x4000, $0x38;
	[tilespmem:$0x8380] =	vst v63  }
0x5e: {  	_ =	swait.ge [sflag:s10], $0x4000  }
0x5f: {  	[sflag:s10] =	ssyncset.done $0x0  }
0x60: {  	[sflag:s10] =	ssyncadd.s32 $0xFFFFC000  }
0x61: {  	[tilespmem:s12], [sflag:$0x1] =	stream.indirect.gather [hbm4b:s4+s11], $0x80, s15, s11, $0xb8;
	[tilespmem:$0x8380] =	vst v63  }
0x62: {  	_ =	swait.ge [sflag:s16], $0x4000  }
0x63: {  	[sflag:s16] =	ssyncset.done $0x0  }
0x64: {  	s25 =	sadd.s32 $0x800, s24;
	[sflag:s16] =	ssyncadd.s32 $0xFFFFC000  }
0x65: {  	[hbm4b:s25+s2] =	stream.linear.scatter [tilespmem:s13], [sflag:$0x3], $0x4000, $0x38;
	[tilespmem:$0x8380] =	vst v63  }
0x66: {  	_ =	swait.ge [sflag:s10], $0x4000  }
0x67: {  	[sflag:s10] =	ssyncset.done $0x0  }
0x68: {  	[sflag:s10] =	ssyncadd.s32 $0xFFFFC000  }
0x69: {  	[tilespmem:s13], [sflag:$0x2] =	stream.indirect.gather [hbm4b:s4+s11], $0x80, s17, s11, $0xb8;
	[tilespmem:$0x8380] =	vst v63  }
0x6a: {  	_ =	swait.ge [sflag:s14], $0x4000  }
0x6b: {  	[sflag:s14] =	ssyncset.done $0x0  }
0x6c: {  	s25 =	sadd.s32 $0x1000, s24;
	[sflag:s14] =	ssyncadd.s32 $0xFFFFC000  }
0x6d: {  	[hbm4b:s25+s2] =	stream.linear.scatter [tilespmem:s12], [sflag:$0x3], $0x4000, $0x38;
	[tilespmem:$0x8380] =	vst v63  }
0x6e: {  	_ =	swait.ge [sflag:s10], $0x4000  }
0x6f: {  	[sflag:s10] =	ssyncset.done $0x0  }
0x70: {  	[sflag:s10] =	ssyncadd.s32 $0xFFFFC000  }
0x71: {  	[tilespmem:s12], [sflag:$0x1] =	stream.indirect.gather [hbm4b:s4+s11], $0x80, s18, s11, $0xb8;
	[tilespmem:$0x8380] =	vst v63  }
0x72: {  	_ =	swait.ge [sflag:s16], $0x4000  }
0x73: {  	[sflag:s16] =	ssyncset.done $0x0  }
0x74: {  	s25 =	sadd.s32 $0x1800, s24;
	[sflag:s16] =	ssyncadd.s32 $0xFFFFC000  }
0x75: {  	[hbm4b:s25+s2] =	stream.linear.scatter [tilespmem:s13], [sflag:$0x3], $0x4000, $0x38;
	[tilespmem:$0x8380] =	vst v63  }
0x76: {  	_ =	swait.ge [sflag:s10], $0x4000  }
0x77: {  	[sflag:s10] =	ssyncset.done $0x0  }
0x78: {  	[sflag:s10] =	ssyncadd.s32 $0xFFFFC000  }
0x79: {  	[tilespmem:s13], [sflag:$0x2] =	stream.indirect.gather [hbm4b:s4+s11], $0x80, s19, s11, $0xb8;
	[tilespmem:$0x8380] =	vst v63  }
0x7a: {  	_ =	swait.ge [sflag:s14], $0x4000  }
0x7b: {  	[sflag:s14] =	ssyncset.done $0x0  }
0x7c: {  	s25 =	sadd.s32 $0x2000, s24;
	[sflag:s14] =	ssyncadd.s32 $0xFFFFC000  }
0x7d: {  	[hbm4b:s25+s2] =	stream.linear.scatter [tilespmem:s12], [sflag:$0x3], $0x4000, $0x38;
	[tilespmem:$0x8380] =	vst v63  }
0x7e: {  	_ =	swait.ge [sflag:s10], $0x4000  }
0x7f: {  	[sflag:s10] =	ssyncset.done $0x0  }
0x80: {  	[sflag:s10] =	ssyncadd.s32 $0xFFFFC000  }
0x81: {  	[tilespmem:s12], [sflag:$0x1] =	stream.indirect.gather [hbm4b:s4+s11], $0x80, s20, s11, $0xb8;
	[tilespmem:$0x8380] =	vst v63  }
0x82: {  	_ =	swait.ge [sflag:s16], $0x4000  }
0x83: {  	[sflag:s16] =	ssyncset.done $0x0  }
0x84: {  	s25 =	sadd.s32 $0x2800, s24;
	[sflag:s16] =	ssyncadd.s32 $0xFFFFC000  }
0x85: {  	[hbm4b:s25+s2] =	stream.linear.scatter [tilespmem:s13], [sflag:$0x3], $0x4000, $0x38;
	[tilespmem:$0x8380] =	vst v63  }
0x86: {  	_ =	swait.ge [sflag:s10], $0x4000  }
0x87: {  	[sflag:s10] =	ssyncset.done $0x0  }
0x88: {  	[sflag:s10] =	ssyncadd.s32 $0xFFFFC000  }
0x89: {  	_ =	swait.ge [sflag:s14], $0x4000  }
.Ltmp3:
0x8a: {  	[sflag:s14] =	ssyncset.done $0x0;
	(pc) =	sbr.rel @p1 .LBB2_6-.Ltmp3, $4  }
0x8b: {  	s24 =	sadd.s32 $0x3000, s24;
	[sflag:s14] =	ssyncadd.s32 $0xFFFFC000  }
0x8c: {  	[hbm4b:s24+s2] =	stream.linear.scatter [tilespmem:s12], [sflag:$0x3], $0x4000, $0x38;
	[tilespmem:$0x8380] =	vst v63  }
0x8d: {  	_ =	swait.ge [sflag:s10], $0x4000  }
0x8e: {  	[sflag:s10] =	ssyncset.done $0x0  }
.Ltmp4:
0x8f: {  	_ = 	snop;
	(pc) =	sbr.rel .LBB2_7-.Ltmp4, $1  }
0x90: {  	_ =	sdelay $0x3  }
.LBB2_2:
0x91: {  	[tilespmem:s2], [sflag:$0x3] =	stream.linear.gather [hbm4b:s7+s2], $0x380, $0x38;
	[tilespmem:$0x8380] =	vst v63  }
0x92: {  	_ =	swait.ge [sflag:s10], $0x380  }
0x93: {  	[sflag:s10] =	ssyncset.done $0x0  }
0x94: {  	[sflag:s10] =	ssyncadd.s32 $0xFFFFFC80  }
0x95: {  	[tilespmem:s12], [sflag:$0x1] =	stream.indirect.gather [hbm4b:s3+s11], $0x80, s2, s11, $0xb8;
	[tilespmem:$0x8380] =	vst v63  }
0x96: {  	_ = 	snop  }
0x97: {  	[tilespmem:s13], [sflag:$0x2] =	stream.indirect.gather [hbm4b:s3+s11], $0x80, s11, s11, $0xb8;
	[tilespmem:$0x8380] =	vst v63  }
0x98: {  	_ =	swait.ge [sflag:s14], $0x4000  }
0x99: {  	[sflag:s14] =	ssyncset.done $0x0  }
0x9a: {  	s22 =	sadd.s32 $0x0, s6;
	[sflag:s14] =	ssyncadd.s32 $0xFFFFC000  }
0x9b: {  	[hbm4b:s22+s2] =	stream.linear.scatter [tilespmem:s12], [sflag:$0x3], $0x4000, $0x38;
	[tilespmem:$0x8380] =	vst v63  }
0x9c: {  	_ =	swait.ge [sflag:s10], $0x4000  }
0x9d: {  	[sflag:s10] =	ssyncset.done $0x0  }
0x9e: {  	[sflag:s10] =	ssyncadd.s32 $0xFFFFC000  }
0x9f: {  	[tilespmem:s12], [sflag:$0x1] =	stream.indirect.gather [hbm4b:s3+s11], $0x80, s15, s11, $0xb8;
	[tilespmem:$0x8380] =	vst v63  }
0xa0: {  	_ =	swait.ge [sflag:s16], $0x4000  }
0xa1: {  	[sflag:s16] =	ssyncset.done $0x0  }
0xa2: {  	s23 =	sadd.s32 $0x800, s22;
	[sflag:s16] =	ssyncadd.s32 $0xFFFFC000  }
0xa3: {  	[hbm4b:s23+s2] =	stream.linear.scatter [tilespmem:s13], [sflag:$0x3], $0x4000, $0x38;
	[tilespmem:$0x8380] =	vst v63  }
0xa4: {  	_ =	swait.ge [sflag:s10], $0x4000  }
0xa5: {  	[sflag:s10] =	ssyncset.done $0x0  }
0xa6: {  	[sflag:s10] =	ssyncadd.s32 $0xFFFFC000  }
0xa7: {  	[tilespmem:s13], [sflag:$0x2] =	stream.indirect.gather [hbm4b:s3+s11], $0x80, s17, s11, $0xb8;
	[tilespmem:$0x8380] =	vst v63  }
0xa8: {  	_ =	swait.ge [sflag:s14], $0x4000  }
0xa9: {  	[sflag:s14] =	ssyncset.done $0x0  }
0xaa: {  	s28 =	sadd.s32 $0x1000, s22;
	[sflag:s14] =	ssyncadd.s32 $0xFFFFC000  }
0xab: {  	[hbm4b:s28+s2] =	stream.linear.scatter [tilespmem:s12], [sflag:$0x3], $0x4000, $0x38;
	[tilespmem:$0x8380] =	vst v63  }
0xac: {  	_ =	swait.ge [sflag:s10], $0x4000  }
0xad: {  	[sflag:s10] =	ssyncset.done $0x0  }
0xae: {  	[sflag:s10] =	ssyncadd.s32 $0xFFFFC000  }
0xaf: {  	[tilespmem:s12], [sflag:$0x1] =	stream.indirect.gather [hbm4b:s3+s11], $0x80, s18, s11, $0xb8;
	[tilespmem:$0x8380] =	vst v63  }
0xb0: {  	_ =	swait.ge [sflag:s16], $0x4000  }
0xb1: {  	[sflag:s16] =	ssyncset.done $0x0  }
0xb2: {  	s29 =	sadd.s32 $0x1800, s22;
	[sflag:s16] =	ssyncadd.s32 $0xFFFFC000  }
0xb3: {  	[hbm4b:s29+s2] =	stream.linear.scatter [tilespmem:s13], [sflag:$0x3], $0x4000, $0x38;
	[tilespmem:$0x8380] =	vst v63  }
0xb4: {  	_ =	swait.ge [sflag:s10], $0x4000  }
0xb5: {  	[sflag:s10] =	ssyncset.done $0x0  }
0xb6: {  	[sflag:s10] =	ssyncadd.s32 $0xFFFFC000  }
0xb7: {  	[tilespmem:s13], [sflag:$0x2] =	stream.indirect.gather [hbm4b:s3+s11], $0x80, s19, s11, $0xb8;
	[tilespmem:$0x8380] =	vst v63  }
0xb8: {  	_ =	swait.ge [sflag:s14], $0x4000  }
0xb9: {  	[sflag:s14] =	ssyncset.done $0x0  }
0xba: {  	s30 =	sadd.s32 $0x2000, s22;
	[sflag:s14] =	ssyncadd.s32 $0xFFFFC000  }
0xbb: {  	[hbm4b:s30+s2] =	stream.linear.scatter [tilespmem:s12], [sflag:$0x3], $0x4000, $0x38;
	[tilespmem:$0x8380] =	vst v63  }
0xbc: {  	_ =	swait.ge [sflag:s10], $0x4000  }
0xbd: {  	[sflag:s10] =	ssyncset.done $0x0  }
0xbe: {  	[sflag:s10] =	ssyncadd.s32 $0xFFFFC000  }
0xbf: {  	[tilespmem:s12], [sflag:$0x1] =	stream.indirect.gather [hbm4b:s3+s11], $0x80, s20, s11, $0xb8;
	[tilespmem:$0x8380] =	vst v63  }
0xc0: {  	_ =	swait.ge [sflag:s16], $0x4000  }
0xc1: {  	[sflag:s16] =	ssyncset.done $0x0  }
0xc2: {  	s31 =	sadd.s32 $0x2800, s22;
	[sflag:s16] =	ssyncadd.s32 $0xFFFFC000  }
0xc3: {  	[hbm4b:s31+s2] =	stream.linear.scatter [tilespmem:s13], [sflag:$0x3], $0x4000, $0x38;
	[tilespmem:$0x8380] =	vst v63  }
0xc4: {  	_ =	swait.ge [sflag:s10], $0x4000  }
0xc5: {  	[sflag:s10] =	ssyncset.done $0x0  }
0xc6: {  	[sflag:s10] =	ssyncadd.s32 $0xFFFFC000  }
0xc7: {  	_ =	swait.ge [sflag:s14], $0x4000  }
0xc8: {  	[sflag:s14] =	ssyncset.done $0x0  }
0xc9: {  	s22 =	sadd.s32 $0x3000, s22;
	[sflag:s14] =	ssyncadd.s32 $0xFFFFC000  }
0xca: {  	[hbm4b:s22+s2] =	stream.linear.scatter [tilespmem:s12], [sflag:$0x3], $0x4000, $0x38;
	[tilespmem:$0x8380] =	vst v63  }
0xcb: {  	_ =	swait.ge [sflag:s10], $0x4000  }
0xcc: {  	s23 =	smov.u32 s7;
	s22 =	simm.s32 $0x3800;
	[sflag:s10] =	ssyncset.done $0x0  }
.LBB2_3:
0xcd: {  	p1 =	seq.s32 s22, $0x15000;
	[sflag:s10] =	ssyncadd.s32 $0xFFFFC000;
	s23 =	sadd.s32 $0x70, s23  }
0xce: {  	[tilespmem:s2], [sflag:$0x3] =	stream.linear.gather [hbm4b:s23+s2], $0x380, $0x38;
	[tilespmem:$0x8380] =	vst v63  }
0xcf: {  	s24 =	smov.u32 s22;
	s22 =	sadd.s32 $0x3800, s22;
	_ =	swait.ge [sflag:s10], $0x380  }
0xd0: {  	[sflag:s10] =	ssyncset.done $0x0  }
0xd1: {  	[sflag:s10] =	ssyncadd.s32 $0xFFFFFC80  }
0xd2: {  	[tilespmem:s12], [sflag:$0x1] =	stream.indirect.gather [hbm4b:s3+s11], $0x80, s2, s11, $0xb8;
	[tilespmem:$0x8380] =	vst v63  }
0xd3: {  	_ = 	snop  }
0xd4: {  	[tilespmem:s13], [sflag:$0x2] =	stream.indirect.gather [hbm4b:s3+s11], $0x80, s11, s11, $0xb8;
	[tilespmem:$0x8380] =	vst v63  }
0xd5: {  	_ =	swait.ge [sflag:s14], $0x4000  }
0xd6: {  	[sflag:s14] =	ssyncset.done $0x0  }
0xd7: {  	s24 =	sadd.s32 s24, s6;
	[sflag:s14] =	ssyncadd.s32 $0xFFFFC000  }
0xd8: {  	[hbm4b:s24+s2] =	stream.linear.scatter [tilespmem:s12], [sflag:$0x3], $0x4000, $0x38;
	[tilespmem:$0x8380] =	vst v63  }
0xd9: {  	_ =	swait.ge [sflag:s10], $0x4000  }
0xda: {  	[sflag:s10] =	ssyncset.done $0x0  }
0xdb: {  	[sflag:s10] =	ssyncadd.s32 $0xFFFFC000  }
0xdc: {  	[tilespmem:s12], [sflag:$0x1] =	stream.indirect.gather [hbm4b:s3+s11], $0x80, s15, s11, $0xb8;
	[tilespmem:$0x8380] =	vst v63  }
0xdd: {  	_ =	swait.ge [sflag:s16], $0x4000  }
0xde: {  	[sflag:s16] =	ssyncset.done $0x0  }
0xdf: {  	s25 =	sadd.s32 $0x800, s24;
	[sflag:s16] =	ssyncadd.s32 $0xFFFFC000  }
0xe0: {  	[hbm4b:s25+s2] =	stream.linear.scatter [tilespmem:s13], [sflag:$0x3], $0x4000, $0x38;
	[tilespmem:$0x8380] =	vst v63  }
0xe1: {  	_ =	swait.ge [sflag:s10], $0x4000  }
0xe2: {  	[sflag:s10] =	ssyncset.done $0x0  }
0xe3: {  	[sflag:s10] =	ssyncadd.s32 $0xFFFFC000  }
0xe4: {  	[tilespmem:s13], [sflag:$0x2] =	stream.indirect.gather [hbm4b:s3+s11], $0x80, s17, s11, $0xb8;
	[tilespmem:$0x8380] =	vst v63  }
0xe5: {  	_ =	swait.ge [sflag:s14], $0x4000  }
0xe6: {  	[sflag:s14] =	ssyncset.done $0x0  }
0xe7: {  	s25 =	sadd.s32 $0x1000, s24;
	[sflag:s14] =	ssyncadd.s32 $0xFFFFC000  }
0xe8: {  	[hbm4b:s25+s2] =	stream.linear.scatter [tilespmem:s12], [sflag:$0x3], $0x4000, $0x38;
	[tilespmem:$0x8380] =	vst v63  }
0xe9: {  	_ =	swait.ge [sflag:s10], $0x4000  }
0xea: {  	[sflag:s10] =	ssyncset.done $0x0  }
0xeb: {  	[sflag:s10] =	ssyncadd.s32 $0xFFFFC000  }
0xec: {  	[tilespmem:s12], [sflag:$0x1] =	stream.indirect.gather [hbm4b:s3+s11], $0x80, s18, s11, $0xb8;
	[tilespmem:$0x8380] =	vst v63  }
0xed: {  	_ =	swait.ge [sflag:s16], $0x4000  }
0xee: {  	[sflag:s16] =	ssyncset.done $0x0  }
0xef: {  	s25 =	sadd.s32 $0x1800, s24;
	[sflag:s16] =	ssyncadd.s32 $0xFFFFC000  }
0xf0: {  	[hbm4b:s25+s2] =	stream.linear.scatter [tilespmem:s13], [sflag:$0x3], $0x4000, $0x38;
	[tilespmem:$0x8380] =	vst v63  }
0xf1: {  	_ =	swait.ge [sflag:s10], $0x4000  }
0xf2: {  	[sflag:s10] =	ssyncset.done $0x0  }
0xf3: {  	[sflag:s10] =	ssyncadd.s32 $0xFFFFC000  }
0xf4: {  	[tilespmem:s13], [sflag:$0x2] =	stream.indirect.gather [hbm4b:s3+s11], $0x80, s19, s11, $0xb8;
	[tilespmem:$0x8380] =	vst v63  }
0xf5: {  	_ =	swait.ge [sflag:s14], $0x4000  }
0xf6: {  	[sflag:s14] =	ssyncset.done $0x0  }
0xf7: {  	s25 =	sadd.s32 $0x2000, s24;
	[sflag:s14] =	ssyncadd.s32 $0xFFFFC000  }
0xf8: {  	[hbm4b:s25+s2] =	stream.linear.scatter [tilespmem:s12], [sflag:$0x3], $0x4000, $0x38;
	[tilespmem:$0x8380] =	vst v63  }
0xf9: {  	_ =	swait.ge [sflag:s10], $0x4000  }
0xfa: {  	[sflag:s10] =	ssyncset.done $0x0  }
0xfb: {  	[sflag:s10] =	ssyncadd.s32 $0xFFFFC000  }
0xfc: {  	[tilespmem:s12], [sflag:$0x1] =	stream.indirect.gather [hbm4b:s3+s11], $0x80, s20, s11, $0xb8;
	[tilespmem:$0x8380] =	vst v63  }
0xfd: {  	_ =	swait.ge [sflag:s16], $0x4000  }
0xfe: {  	[sflag:s16] =	ssyncset.done $0x0  }
0xff: {  	s25 =	sadd.s32 $0x2800, s24;
	[sflag:s16] =	ssyncadd.s32 $0xFFFFC000  }
0x100: {  	[hbm4b:s25+s2] =	stream.linear.scatter [tilespmem:s13], [sflag:$0x3], $0x4000, $0x38;
	[tilespmem:$0x8380] =	vst v63  }
0x101: {  	_ =	swait.ge [sflag:s10], $0x4000  }
0x102: {  	[sflag:s10] =	ssyncset.done $0x0  }
0x103: {  	[sflag:s10] =	ssyncadd.s32 $0xFFFFC000  }
0x104: {  	_ =	swait.ge [sflag:s14], $0x4000  }
.Ltmp5:
0x105: {  	[sflag:s14] =	ssyncset.done $0x0;
	(pc) =	sbr.rel @!p1 .LBB2_3-.Ltmp5, $4  }
0x106: {  	s24 =	sadd.s32 $0x3000, s24;
	[sflag:s14] =	ssyncadd.s32 $0xFFFFC000  }
0x107: {  	[hbm4b:s24+s2] =	stream.linear.scatter [tilespmem:s12], [sflag:$0x3], $0x4000, $0x38;
	[tilespmem:$0x8380] =	vst v63  }
0x108: {  	_ =	swait.ge [sflag:s10], $0x4000  }
0x109: {  	[sflag:s10] =	ssyncset.done $0x0  }
.Ltmp6:
0x10a: {  	(pc) =	sbr.rel .LBB2_8-.Ltmp6, $2  }
0x10b: {  	_ =	sdelay $0x2  }
0x10c: {  	[sflag:s10] =	ssyncadd.s32 $0xFFFFC000  }
.LBB2_9:
0x10d: {  	_ =	sfence.sel $0x180000  }
0x10e: {  	[bflag:$0x0] =	sbarrier.arrive $0xFFFF  }
0x10f: {  	p0 =	sne.s32 s1, $0x0;
	_ =	strace $0x9000004D  }
0x110: {  	s0 =	sadd.s32 @!p0 $0x100000, s0;
	[bflag:$0x2] =	sbarrier.arrive $0xFFFF  }
0x111: {  	[sflag:s0] =	ssyncadd.tile.s32 @!p0 $0x1;
	_ =	shalt  }
.Lfunc_end2:
_tile_overlayer_lowered:
.L_overlay_start_2:
0x112: {  	(tag) =	ssettag $0x2  }
0x113: {  	s0 =	rddreg [dreg:$0x0];
	s2 =	stileid.u32  }
0x114: {  	s1 =	rddreg [dreg:$0x1];
	p0 =	sne.s32 s2, $0x0  }
0x115: {  	s3 =	rddreg [dreg:$0x2];
	[bflag:$0x3] =	sbarrier.arrive $0xFFFF;
	s2 =	simm.s32 @!p0 $0x1C03  }
0x116: {  	[timem:s3], [sflag:s2] =	dma.local @!p0 [hbm:s0], s1  }
0x117: {  	s0 =	simm.s32 @!p0 $0x3  }
0x118: {  	_ =	swait.ge @!p0 [sflag:s0], s1  }
0x119: {  	s1 =	ssub.s32 @!p0 $0x0, s1;
	[sflag:s0] =	ssyncset.done @!p0 $0x0  }
0x11a: {  	[sflag:s0] =	ssyncadd.s32 @!p0 s1  }
0x11b: {  	[bflag:$0x3] =	sbarrier.arrive $0xFFFF  }
0x11c: {  	_ =	shalt  }

// kernel: kernel.8.cloned.1.call-start
scs
__scs_entry_jumppad:
0x0: {  	(pc) =	sbr.rel $0x88, $3  }
0x1: {  	(tag) =	ssettag $0x0;
	lr =	simm.s32 $0x1  }
0x2: {  	[smem:$0x3F8C] =	sst lr;
	_ =	strace $0xD0000000  }
0x3: {  	_ = 	snop  }
0x4: {  	_ = 	snop  }
0x5: {  	_ = 	snop  }
0x6: {  	_ = 	snop  }
0x7: {  	_ = 	snop  }
__scs_overlays_trampoline_lowered:
0x8: {  	[smem:$0x3F9B] =	sst s0  }
0x9: {  	[smem:$0x3F9C] =	sst s1  }
0xa: {  	[smem:$0x3F9D] =	sst s2  }
0xb: {  	[smem:$0x3F9E] =	sst s3  }
0xc: {  	[smem:$0x3F9F] =	sst s4  }
0xd: {  	[smem:$0x3FA0] =	sst s5  }
0xe: {  	[smem:$0x3FA1] =	sst s6  }
0xf: {  	[smem:$0x3FA2] =	sst s7  }
0x10: {  	[smem:$0x3FA3] =	sst s8  }
0x11: {  	[smem:$0x3FA4] =	sst s9;
	s0 =	simm.s32 @!p0 $0x0  }
0x12: {  	s1 =	sld [smem:$0x3F8A];
	s0 =	simm.s32 @p0 $0x1  }
0x13: {  	[smem:$0x3FA5] =	sst s0;
	s0 =	simm.s32 @!p1 $0x0  }
0x14: {  	s2 =	sld [smem:$0x3F89];
	s0 =	simm.s32 @p1 $0x1  }
0x15: {  	[smem:$0x3FA6] =	sst s0;
	s0 =	simm.s32 @!p2 $0x0  }
0x16: {  	s3 =	sld [smem:$0x3FDB];
	s0 =	simm.s32 @p2 $0x1  }
0x17: {  	s4 =	simm.s32 $0x1BF5;
	[smem:$0x3FA8] =	sst s0  }
0x18: {  	s0 =	sld [smem:$0x3F8B];
	_ =	swait.ge [sflag:s4], $0x0  }
0x19: {  	s7 =	sld [smem:$0x3F8C]  }
0x1a: {  	s8 =	sadd.s32 $0xFFFFE003, lr  }
0x1b: {  	s9 =	sadd.s32 $0xFFFFFEF7, lr;
	s5 =	simm.s32 $0xFFFFFFFF;
	p2 =	slt.u32 s8, $0xFFFFF086  }
0x1c: {  	p1 =	slt.u32 s9, $0xF7A;
	s5 =	simm.s32 @!p2 $0x0  }
0x1d: {  	s5 =	simm.s32 @p1 $0x1;
	p0 =	seq.s32 s7, s2  }
0x1e: {  	s7 =	smul.u32 @!p0 $0xF7A, s2;
	p2 =	seq.s32 @!p0 s5, $0x0  }
0x1f: {  	s9 =	smul.u32 $0xF7A, s1;
	s8 =	simm.s32 @!p0 $0x1BF5;
	p2 =	por !p2, p0  }
0x20: {  	[sflag:s8] =	ssyncset.s32 @!p0 $0xFFFFF086;
	s6 =	sadd.s32 @!p0 s3, s7;
	s7 =	simm.s32 @!p0 $0x108  }
0x21: {  	s3 =	sadd.s32 s3, s9;
	s6 =	sadd.s32 @!p0 $0x88, s6;
	s7 =	simm.s32 @p2 $0x1082  }
0x22: {  	[simem:s7], [sflag:s8] =	dma.local @!p0 [hbm:s6], $0xF7A  }
0x23: {  	s9 =	sor.u32 $0xD0000000, s2;
	s6 =	simm.s32 $0x108;
	_ =	swait.ge @!p0 [sflag:s8], $0x0  }
0x24: {  	s3 =	sadd.s32 $0x88, s3;
	s6 =	simm.s32 @!p1 $0x1082;
	[sflag:s4] =	ssyncset.s32 $0xFFFFF086  }
0x25: {  	[simem:s6], [sflag:s4] =	dma.local [hbm:s3], $0xF7A  }
0x26: {  	[smem:$0x3F8C] =	sst s1;
	(tag) =	ssettag s2;
	_ =	strace s9  }
0x27: {  	s1 =	sld [smem:$0x3F9C]  }
0x28: {  	s2 =	sld [smem:$0x3F9D]  }
0x29: {  	s4 =	sld [smem:$0x3F9F]  }
0x2a: {  	p0 =	seq.s32 s5, $0x0;
	s5 =	sld [smem:$0x3FA0]  }
0x2b: {  	s6 =	sld [smem:$0x3FA1]  }
0x2c: {  	s7 =	sld [smem:$0x3FA2]  }
0x2d: {  	s3 =	simm.s32 $0x108;
	s8 =	sld [smem:$0x3FA3]  }
0x2e: {  	s3 =	simm.s32 @!p0 $0x1082;
	s9 =	sld [smem:$0x3FA4]  }
0x2f: {  	lr =	sadd.s32 s0, s3;
	s0 =	sld [smem:$0x3F9B]  }
0x30: {  	s3 =	sld [smem:$0x3F9E]  }
0x31: {  	[smem:$0x3FA7] =	sst s10  }
0x32: {  	s10 =	sld [smem:$0x3FA5];
	_ =	sdelay $0x3  }
0x33: {  	p0 =	seq.s32 s10, $0x1;
	s10 =	sld [smem:$0x3FA7];
	_ =	sdelay $0x3  }
0x34: {  	[smem:$0x3FA7] =	sst s10  }
0x35: {  	s10 =	sld [smem:$0x3FA6];
	_ =	sdelay $0x3  }
0x36: {  	p1 =	seq.s32 s10, $0x1;
	s10 =	sld [smem:$0x3FA7];
	_ =	sdelay $0x3  }
0x37: {  	[smem:$0x3FA7] =	sst s10  }
0x38: {  	s10 =	sld [smem:$0x3FA8]  }
0x39: {  	_ = 	snop;
	(pc) =	sbr.ind lr, $3  }
0x3a: {  	_ = 	snop  }
0x3b: {  	_ = 	snop  }
0x3c: {  	p2 =	seq.s32 s10, $0x1;
	s10 =	sld [smem:$0x3FA7]  }
0x3d: {  	_ =	shalt  }
0x3e: {  	_ =	shalt  }
0x3f: {  	_ =	shalt  }
0x40: {  	_ =	shalt  }
0x41: {  	_ =	shalt  }
0x42: {  	_ =	shalt  }
0x43: {  	_ =	shalt  }
0x44: {  	_ =	shalt  }
0x45: {  	_ =	shalt  }
0x46: {  	_ =	shalt  }
0x47: {  	_ =	shalt  }
0x48: {  	_ =	shalt  }
0x49: {  	_ =	shalt  }
0x4a: {  	_ =	shalt  }
0x4b: {  	_ =	shalt  }
0x4c: {  	_ =	shalt  }
0x4d: {  	_ =	shalt  }
0x4e: {  	_ =	shalt  }
0x4f: {  	_ =	shalt  }
0x50: {  	_ =	shalt  }
0x51: {  	_ =	shalt  }
0x52: {  	_ =	shalt  }
0x53: {  	_ =	shalt  }
0x54: {  	_ =	shalt  }
0x55: {  	_ =	shalt  }
0x56: {  	_ =	shalt  }
0x57: {  	_ =	shalt  }
0x58: {  	_ =	shalt  }
0x59: {  	_ =	shalt  }
0x5a: {  	_ =	shalt  }
0x5b: {  	_ =	shalt  }
0x5c: {  	_ =	shalt  }
0x5d: {  	_ =	shalt  }
0x5e: {  	_ =	shalt  }
0x5f: {  	_ =	shalt  }
0x60: {  	_ =	shalt  }
0x61: {  	_ =	shalt  }
0x62: {  	_ =	shalt  }
0x63: {  	_ =	shalt  }
0x64: {  	_ =	shalt  }
0x65: {  	_ =	shalt  }
0x66: {  	_ =	shalt  }
0x67: {  	_ =	shalt  }
0x68: {  	_ =	shalt  }
0x69: {  	_ =	shalt  }
0x6a: {  	_ =	shalt  }
0x6b: {  	_ =	shalt  }
0x6c: {  	_ =	shalt  }
0x6d: {  	_ =	shalt  }
0x6e: {  	_ =	shalt  }
0x6f: {  	_ =	shalt  }
0x70: {  	_ =	shalt  }
0x71: {  	_ =	shalt  }
0x72: {  	_ =	shalt  }
0x73: {  	_ =	shalt  }
0x74: {  	_ =	shalt  }
0x75: {  	_ =	shalt  }
0x76: {  	_ =	shalt  }
0x77: {  	_ =	shalt  }
0x78: {  	_ =	shalt  }
0x79: {  	_ =	shalt  }
0x7a: {  	_ =	shalt  }
0x7b: {  	_ =	shalt  }
0x7c: {  	_ =	shalt  }
0x7d: {  	_ =	shalt  }
0x7e: {  	_ =	shalt  }
0x7f: {  	_ =	shalt  }
0x80: {  	_ =	shalt  }
0x81: {  	_ =	shalt  }
0x82: {  	_ =	shalt  }
0x83: {  	_ =	shalt  }
0x84: {  	_ =	shalt  }
0x85: {  	_ =	shalt  }
0x86: {  	_ =	shalt  }
0x87: {  	_ =	shalt  }
.Lfunc_end0:
.L_simem_size_0:
called_computation_lowered:
.L_overlay_start_0:
0x88: {  	s2 =	sld [smem:$0x3FD9]  }
0x89: {  	s3 =	sld [smem:$0x3FFE];
	_ =	sdelay $0x1  }
0x8a: {  	s1 =	srdreg.scid  }
0x8b: {  	s0 =	sand.u32 $0x1, s1  }
0x8c: {  	s16 =	sshll.u32 s0, $0xA;
	s2 =	sadd.s32 s3, s2  }
0x8d: {  	s2 =	sadd.s32 s2, s16  }
0x8e: {  	[smem:$0x3FB3] =	sst s2  }
0x8f: {  	_ = 	snop  }
0x90: {  	(tm) =	ssettm $0x1  }
0x91: {  	s17 =	sld [smem:$0x3FFB];
	_ =	sdelay $0x3  }
0x92: {  	_ =	strace s17  }
0x93: {  	s2 =	sld [smem:$0x3FFC];
	_ =	sdelay $0x3  }
0x94: {  	_ =	strace s2  }
0x95: {  	s2 =	sld [smem:$0x3FFD];
	_ =	sdelay $0x3  }
0x96: {  	_ =	strace s2  }
0x97: {  	_ =	strace $0x8FFFFFFF  }
0x98: {  	s18 =	sld [smem:$0x3FDB];
	_ =	sdelay $0x1  }
0x99: {  	s19 =	simm.s32 $_scs_section_size  }
0x9a: {  	s4 =	simm.s32 $_size__tile_overlayer_lowered;
	s5 =	simm.s32 $_tile_overlayer_lowered  }
0x9b: {  	s22 =	simm.s32 $0x1BFF;
	s21 =	sshll.u32 s5, $0x1;
	s2 =	sadd.s32 s19, s18  }
0x9c: {  	s6 =	simm.s32 $0x0;
	s20 =	sshll.u32 s4, $0x1;
	s4 =	sadd.s32 s21, s2  }
0x9d: {  	[timem:s6], [sflag:s22] =	dma.local [hbm:s4], s20  }
0x9e: {  	_ =	swait.ge [sflag:s22], s20  }
0x9f: {  	s3 =	ssub.s32 $0x0, s20;
	[sflag:s22] =	ssyncset.done $0x0  }
0xa0: {  	[sflag:s22] =	ssyncadd.s32 s3;
	_ =	sdelay $0x1  }
0xa1: {  	s23 =	simm.s32 $0x1B8B  }
0xa2: {  	_ =	swait.ge [sflag:s23], $0x1  }
0xa3: {  	[sflag:s23] =	ssyncset.done $0x0  }
0xa4: {  	s25 =	simm.s32 $0x1B8E;
	s24 =	sld [smem:$0x3FFE];
	[sflag:s23] =	ssyncadd.s32 $0xFFFFFFFF  }
0xa5: {  	s26 =	simm.s32 $execute0_lowered;
	[smem:$0x3FD2] =	sst s25  }
0xa6: {  	s4 =	sshll.u32 s26, $0x1;
	_ =	strace $0x80000046;
	[dreg:$0x1] =	wrdreg $0xFFFFFFFF  }
0xa7: {  	s28 =	simm.s32 $_size_execute0_lowered;
	s2 =	sadd.s32 s2, s4;
	[dreg:$0x0] =	wrdreg $0x0  }
0xa8: {  	s4 =	sshll.u32 s28, $0x1;
	[dreg:$0x2] =	wrdreg s2  }
0xa9: {  	[dreg:$0x3] =	wrdreg s4  }
0xaa: {  	[dreg:$0x4] =	wrdreg $0xC0  }
0xab: {  	_ =	task [dreg:s6], $0x5FFFF  }
0xac: {  	[dreg:$0x1] =	wrdreg $0xFFFFFFFF  }
0xad: {  	[dreg:$0x0] =	wrdreg $0x60  }
0xae: {  	[dreg:$0x2] =	wrdreg s24  }
0xaf: {  	[dreg:$0x3] =	wrdreg $0x82000  }
0xb0: {  	[dreg:$0x4] =	wrdreg $0x9  }
0xb1: {  	_ =	task.clear_ibuf [dreg:s6], $0x5FFFF;
	_ =	strace $0x90000046  }
0xb2: {  	s29 =	simm.s32 $0x9;
	_ =	strace $0x80000048  }
0xb3: {  	_ =	swait.ge [sflag:s29], $0x1  }
0xb4: {  	[sflag:s29] =	ssyncadd.s32 $0xFFFFFFFF  }
0xb5: {  	_ =	strace $0x90000048  }
0xb6: {  	_ =	sfence  }
0xb7: {  	s30 =	sld [smem:$0x0];
	_ =	sdelay $0x2  }
0xb8: {  	s31 =	sshll.u32 s1, $0xD;
	s1 =	sshrl.u32 s1, $0x2  }
0xb9: {  	s3 =	sand.u32 $0x4000, s31;
	s1 =	sadd.s32 s1, s30  }
0xba: {  	s0 =	sor.u32 s3, s0;
	s1 =	sshll.u32 s1, $0x11  }
0xbb: {  	s0 =	sor.u32 s1, s0  }
0xbc: {  	s0 =	sadd.s32 $0x8F2B, s0  }
0xbd: {  	[sflag:s0] =	ssyncadd.remote.s32 $0x1  }
0xbe: {  	_ =	sfence.sel $0xFFFF  }
0xbf: {  	[dreg:$0x0] =	wrdreg $0xFFFFFFFF;
	(pc) =	sbr.abs _section_cstart, $3  }
0xc0: {  	[dreg:$0x1] =	wrdreg $0xFFFFFFFF  }
0xc1: {  	_ =	task.clear_ibuf [dreg:s6], $0x2FFFF;
	_ =	strace $0x9FFFFFFF  }
0xc2: {  	(tm) =	ssettm $0x7FFFFFFF  }
0xc3: {  	_ =	shalt  }
tec
execute0_lowered:
.L_overlay_start_1:
0x0: {  	(tag) =	ssettag $0x1  }
0x1: {  	s0 =	rddreg [dreg:$0x0]  }
0x2: {  	s1 =	rddreg [dreg:$0x1]  }
0x3: {  	s3 =	simm.s32 $0x0;
	s9 =	stileid.u32;
	s10 =	srdreg.scid  }
0x4: {  	s28 =	simm.s32 $0x180;
	s29 =	simm.s32 $0x80;
	s30 =	simm.s32 $0x200  }
0x5: {  	s31 =	simm.s32 $0x4200;
	[smem:$0x7FF] =	sst s3;
	s18 =	sadd.s32 $0x4A00, s0  }
0x6: {  	s2 =	sadd.s32 $0x18600, s0;
	s5 =	smul.u32 $0x2800, s9;
	s22 =	sadd.s32 $0xE800, s0  }
0x7: {  	s6 =	sadd.s32 $0x22400, s0;
	s7 =	sadd.s32 $0x2C200, s0;
	s11 =	sadd.s32 $0xA4200, s0  }
0x8: {  	s16 =	sadd.s32 $0xA4A00, s0;
	_ =	strace $0x80000047;
	[dreg:$0x5] =	wrdreg s11  }
0x9: {  	s8 =	sadd.s32 $0x54200, s0;
	s17 =	sadd.s32 $0xCCA00, s0;
	[dreg:$0x6] =	wrdreg s16  }
0xa: {  	s10 =	sand.u32 $0x1, s10;
	s13 =	sadd.s32 $0xF4A00, s0;
	[dreg:$0x7] =	wrdreg s17  }
0xb: {  	s12 =	smul.u32 $0x50000, s9;
	s25 =	sshll.u32 s9, $0x6;
	[dreg:$0x8] =	wrdreg s13  }
0xc: {  	s26 =	smul.u32 $0x9D0, s9;
	s19 =	ssub.s32 $0x2, s10;
	[dreg:$0x4] =	wrdreg s22  }
0xd: {  	s16 =	smul.u32 $0x4E80, s9;
	s17 =	sor.u32 $0x1C03, s25;
	[dreg:$0x3] =	wrdreg s18  }
0xe: {  	p0 =	sne.s32 s10, $0x0;
	s25 =	simm.s32 $0x3;
	s10 =	simm.s32 $0x0  }
0xf: {  	s4 =	sadd.s32 s5, s0;
	s20 =	sshrl.u32 s19, $0x1;
	s0 =	sadd.s32 $0x11CA00, s0  }
0x10: {  	s23 =	sshrl.u32 s12, $0x2;
	s22 =	sadd.s32 s26, s22;
	[dreg:$0x9] =	wrdreg s0  }
.Ltmp0:
0x11: {  	s21 =	ssub.s32 s19, s20;
	s14 =	sadd.s32 s23, s1;
	(pc) =	sbr.rel .LBB2_1-.Ltmp0, $4  }
0x12: {  	s15 =	sadd.s32 $0x7C200, s4;
	s24 =	sshrl.u32 s16, $0x3;
	s23 =	sadd.s32 s26, s2  }
0x13: {  	s0 =	simm.s32 $0x1;
	s16 =	sadd.s32 $0x9C0, s24;
	s20 =	smax.u32 s21, $0x1  }
0x14: {  	s21 =	sadd.s32 s26, s6;
	s24 =	sadd.s32 s26, s18;
	s26 =	simm.s32 $0x100  }
0x15: {  	s4 =	sadd.s32 s6, s16;
	s19 =	sadd.s32 s2, s16;
	s2 =	simm.s32 $0x2  }
.LBB2_14:
0x16: {  	s6 =	sadd.s32 s12, s21;
	[sflag:s2] =	ssyncadd.s32 $0xFFFFC000  }
0x17: {  	[tilespmem:s26], [sflag:$0x3] =	stream.linear.gather [hbm4b:s6+s3], $0x80, $0x38;
	[tilespmem:$0x1C200] =	vst v63  }
0x18: {  	_ =	swait.ge [sflag:s25], $0x80  }
0x19: {  	[sflag:s25] =	ssyncset.done $0x0  }
0x1a: {  	s6 =	sadd.s32 $0x10, s6;
	[sflag:s25] =	ssyncadd.s32 $0xFFFFFF80  }
0x1b: {  	[tilespmem:s28], [sflag:$0x3] =	stream.linear.gather [hbm4b:s6+s3], $0x80, $0x38;
	[tilespmem:$0x1C200] =	vst v63  }
0x1c: {  	_ =	swait.ge [sflag:s25], $0x80  }
0x1d: {  	[sflag:s25] =	ssyncset.done $0x0  }
0x1e: {  	[sflag:s25] =	ssyncadd.s32 $0xFFFFFF80  }
0x1f: {  	[spmem:s1] =	stream.indirect.scatter.add.f32 [tilespmem:s30], [sflag:$0x1], $0x80, s26, s29, $0xb8;
	[tilespmem:$0x1C200] =	vst v63  }
0x20: {  	_ = 	snop  }
0x21: {  	[spmem:s1] =	stream.indirect.scatter.add.f32 [tilespmem:s30], [sflag:$0x2], $0x80, s28, s29, $0xb8;
	[tilespmem:$0x1C200] =	vst v63  }
0x22: {  	_ =	swait.ge [sflag:s0], $0x4000  }
0x23: {  	[sflag:s0] =	ssyncset.done $0x0  }
0x24: {  	[sflag:s0] =	ssyncadd.s32 $0xFFFFC000  }
0x25: {  	_ =	swait.ge [sflag:s2], $0x4000  }
0x26: {  	[sflag:s2] =	ssyncset.done $0x0  }
0x27: {  	s6 =	smov.u32 s4;
	s12 =	rddreg [dreg:$0x9];
	[sflag:s2] =	ssyncadd.s32 $0xFFFFC000  }
.LBB2_15:
0x28: {  	[tilespmem:s26], [sflag:$0x3] =	stream.linear.gather [hbm4b:s6+s3], $0x80, $0x38;
	[tilespmem:$0x1C200] =	vst v63  }
0x29: {  	_ =	swait.ge [sflag:s25], $0x80  }
0x2a: {  	[sflag:s25] =	ssyncset.done $0x0  }
0x2b: {  	[sflag:s25] =	ssyncadd.s32 $0xFFFFFF80  }
0x2c: {  	[spmem:s1] =	stream.indirect.scatter.add.f32 [tilespmem:s30], [sflag:$0x3], $0x80, s26, s29, $0xb8;
	[tilespmem:$0x1C200] =	vst v63  }
0x2d: {  	_ =	swait.ge [sflag:s25], $0x4000  }
0x2e: {  	s10 =	sadd.s32 $0x1, s10;
	[sflag:s25] =	ssyncset.done $0x0  }
0x2f: {  	p1 =	sne.s32 s10, s20;
	[sflag:s25] =	ssyncadd.s32 $0xFFFFC000  }
.Ltmp1:
0x30: {  	s18 =	sadd.s32 s12, s5;
	[bflag:$0x0] =	sbarrier.arrive $0xFFFF;
	(pc) =	sbr.rel @!p1 .LBB2_16-.Ltmp1, $4  }
0x31: {  	[hbm:s18], [sflag:s17] =	dma.local [spmem:s11], $0x2800  }
0x32: {  	_ =	swait.ge [sflag:s25], $0x2800  }
0x33: {  	[sflag:s25] =	ssyncset.done $0x0  }
0x34: {  	[sflag:s25] =	ssyncadd.s32 $0xFFFFD800  }
.LBB2_1:
0x35: {  	s11 =	sshrl.u32 s14, $0x3  }
0x36: {  	[spmem:s11], [sflag:s17] =	dma.local [hbm:s15], $0x2800  }
.Ltmp2:
0x37: {  	_ =	swait.ge [sflag:s25], $0x2800;
	(pc) =	sbr.rel @p0 .LBB2_5-.Ltmp2, $3  }
0x38: {  	[sflag:s25] =	ssyncset.done $0x0  }
0x39: {  	[sflag:s25] =	ssyncadd.s32 $0xFFFFD800  }
0x3a: {  	[bflag:$0x0] =	sbarrier.arrive $0xFFFF;
	_ =	sdelay $0x1  }
0x3b: {  	s6 =	sadd.s32 $0x0, s24  }
0x3c: {  	[tilespmem:s3], [sflag:$0x3] =	stream.linear.gather [hbm4b:s6+s3], $0x100, $0x38;
	[tilespmem:$0x1C200] =	vst v63  }
0x3d: {  	_ =	swait.ge [sflag:s25], $0x100  }
0x3e: {  	[sflag:s25] =	ssyncset.done $0x0  }
0x3f: {  	s18 =	sadd.s32 $0x0, s23;
	[sflag:s25] =	ssyncadd.s32 $0xFFFFFF00  }
0x40: {  	[tilespmem:s26], [sflag:$0x3] =	stream.linear.gather [hbm4b:s18+s3], $0x80, $0x38;
	[tilespmem:$0x1C200] =	vst v63  }
0x41: {  	_ =	swait.ge [sflag:s25], $0x80  }
0x42: {  	[sflag:s25] =	ssyncset.done $0x0  }
0x43: {  	s6 =	sadd.s32 $0x10, s18;
	[sflag:s25] =	ssyncadd.s32 $0xFFFFFF80  }
0x44: {  	[tilespmem:s28], [sflag:$0x3] =	stream.linear.gather [hbm4b:s6+s3], $0x80, $0x38;
	[tilespmem:$0x1C200] =	vst v63  }
0x45: {  	_ =	swait.ge [sflag:s25], $0x80  }
0x46: {  	[sflag:s25] =	ssyncset.done $0x0  }
0x47: {  	[sflag:s25] =	ssyncadd.s32 $0xFFFFFF80  }
0x48: {  	[tilespmem:s30], [sflag:$0x1] =	stream.indirect.gather [hbm4b:s7+s29], $0x80, s3, s29, $0xb8;
	[tilespmem:$0x1C200] =	vst v63  }
0x49: {  	_ = 	snop  }
0x4a: {  	[tilespmem:s31], [sflag:$0x2] =	stream.indirect.gather [hbm4b:s7+s29], $0x80, s29, s29, $0xb8;
	[tilespmem:$0x1C200] =	vst v63  }
0x4b: {  	_ =	swait.ge [sflag:s0], $0x4000  }
0x4c: {  	[sflag:s0] =	ssyncset.done $0x0  }
0x4d: {  	[sflag:s0] =	ssyncadd.s32 $0xFFFFC000  }
0x4e: {  	[spmem:s1] =	stream.indirect.scatter.add.f32 [tilespmem:s30], [sflag:$0x1], $0x80, s26, s29, $0xb8;
	[tilespmem:$0x1C200] =	vst v63  }
0x4f: {  	_ =	swait.ge [sflag:s2], $0x4000  }
0x50: {  	[sflag:s2] =	ssyncset.done $0x0  }
0x51: {  	[sflag:s2] =	ssyncadd.s32 $0xFFFFC000  }
0x52: {  	[spmem:s1] =	stream.indirect.scatter.add.f32 [tilespmem:s31], [sflag:$0x2], $0x80, s28, s29, $0xb8;
	[tilespmem:$0x1C200] =	vst v63  }
0x53: {  	_ =	swait.ge [sflag:s0], $0x4000  }
0x54: {  	[sflag:s0] =	ssyncset.done $0x0  }
0x55: {  	[sflag:s0] =	ssyncadd.s32 $0xFFFFC000  }
0x56: {  	_ =	swait.ge [sflag:s2], $0x4000  }
0x57: {  	s12 =	simm.s32 $0x20;
	s13 =	simm.s32 $0x40;
	[sflag:s2] =	ssyncset.done $0x0  }
.LBB2_3:
0x58: {  	s6 =	sadd.s32 s12, s24  }
0x59: {  	[sflag:s2] =	ssyncadd.s32 $0xFFFFC000;
	s18 =	smov.u32 s13;
	s9 =	sadd.s32 $0x20, s13  }
0x5a: {  	[tilespmem:s3], [sflag:$0x3] =	stream.linear.gather [hbm4b:s6+s3], $0x100, $0x38;
	[tilespmem:$0x1C200] =	vst v63  }
0x5b: {  	p1 =	seq.s32 s13, $0x9A0;
	_ =	swait.ge [sflag:s25], $0x100  }
0x5c: {  	[sflag:s25] =	ssyncset.done $0x0  }
0x5d: {  	s6 =	sadd.s32 s12, s23;
	s12 =	smov.u32 s18;
	[sflag:s25] =	ssyncadd.s32 $0xFFFFFF00  }
0x5e: {  	[tilespmem:s26], [sflag:$0x3] =	stream.linear.gather [hbm4b:s6+s3], $0x80, $0x38;
	[tilespmem:$0x1C200] =	vst v63  }
0x5f: {  	_ =	swait.ge [sflag:s25], $0x80  }
0x60: {  	[sflag:s25] =	ssyncset.done $0x0  }
0x61: {  	s6 =	sadd.s32 $0x10, s6;
	[sflag:s25] =	ssyncadd.s32 $0xFFFFFF80  }
0x62: {  	[tilespmem:s28], [sflag:$0x3] =	stream.linear.gather [hbm4b:s6+s3], $0x80, $0x38;
	[tilespmem:$0x1C200] =	vst v63  }
0x63: {  	_ =	swait.ge [sflag:s25], $0x80  }
0x64: {  	[sflag:s25] =	ssyncset.done $0x0  }
0x65: {  	[sflag:s25] =	ssyncadd.s32 $0xFFFFFF80  }
0x66: {  	[tilespmem:s30], [sflag:$0x1] =	stream.indirect.gather [hbm4b:s7+s29], $0x80, s3, s29, $0xb8;
	[tilespmem:$0x1C200] =	vst v63  }
0x67: {  	_ = 	snop  }
0x68: {  	[tilespmem:s31], [sflag:$0x2] =	stream.indirect.gather [hbm4b:s7+s29], $0x80, s29, s29, $0xb8;
	[tilespmem:$0x1C200] =	vst v63  }
0x69: {  	_ =	swait.ge [sflag:s0], $0x4000  }
0x6a: {  	[sflag:s0] =	ssyncset.done $0x0  }
0x6b: {  	[sflag:s0] =	ssyncadd.s32 $0xFFFFC000  }
0x6c: {  	[spmem:s1] =	stream.indirect.scatter.add.f32 [tilespmem:s30], [sflag:$0x1], $0x80, s26, s29, $0xb8;
	[tilespmem:$0x1C200] =	vst v63  }
0x6d: {  	_ =	swait.ge [sflag:s2], $0x4000  }
0x6e: {  	[sflag:s2] =	ssyncset.done $0x0  }
0x6f: {  	[sflag:s2] =	ssyncadd.s32 $0xFFFFC000  }
0x70: {  	[spmem:s1] =	stream.indirect.scatter.add.f32 [tilespmem:s31], [sflag:$0x2], $0x80, s28, s29, $0xb8;
	[tilespmem:$0x1C200] =	vst v63  }
.Ltmp3:
0x71: {  	_ =	swait.ge [sflag:s0], $0x4000;
	(pc) =	sbr.rel @!p1 .LBB2_3-.Ltmp3, $4  }
0x72: {  	[sflag:s0] =	ssyncset.done $0x0  }
0x73: {  	[sflag:s0] =	ssyncadd.s32 $0xFFFFC000  }
0x74: {  	_ =	swait.ge [sflag:s2], $0x4000  }
0x75: {  	s13 =	smov.u32 s9;
	[sflag:s2] =	ssyncset.done $0x0  }
0x76: {  	s6 =	sadd.s32 s12, s24;
	[sflag:s2] =	ssyncadd.s32 $0xFFFFC000  }
0x77: {  	[tilespmem:s3], [sflag:$0x3] =	stream.linear.gather [hbm4b:s6+s3], $0x100, $0x38;
	[tilespmem:$0x1C200] =	vst v63  }
0x78: {  	_ =	swait.ge [sflag:s25], $0x100  }
0x79: {  	[sflag:s25] =	ssyncset.done $0x0  }
0x7a: {  	s18 =	sadd.s32 s12, s23;
	[sflag:s25] =	ssyncadd.s32 $0xFFFFFF00  }
0x7b: {  	[tilespmem:s26], [sflag:$0x3] =	stream.linear.gather [hbm4b:s18+s3], $0x80, $0x38;
	[tilespmem:$0x1C200] =	vst v63  }
0x7c: {  	_ =	swait.ge [sflag:s25], $0x80  }
0x7d: {  	[sflag:s25] =	ssyncset.done $0x0  }
0x7e: {  	s6 =	sadd.s32 $0x10, s18;
	[sflag:s25] =	ssyncadd.s32 $0xFFFFFF80  }
0x7f: {  	[tilespmem:s28], [sflag:$0x3] =	stream.linear.gather [hbm4b:s6+s3], $0x80, $0x38;
	[tilespmem:$0x1C200] =	vst v63  }
0x80: {  	_ =	swait.ge [sflag:s25], $0x80  }
0x81: {  	[sflag:s25] =	ssyncset.done $0x0  }
0x82: {  	[sflag:s25] =	ssyncadd.s32 $0xFFFFFF80  }
0x83: {  	[tilespmem:s30], [sflag:$0x1] =	stream.indirect.gather [hbm4b:s7+s29], $0x80, s3, s29, $0xb8;
	[tilespmem:$0x1C200] =	vst v63  }
0x84: {  	_ = 	snop  }
0x85: {  	[tilespmem:s31], [sflag:$0x2] =	stream.indirect.gather [hbm4b:s7+s29], $0x80, s29, s29, $0xb8;
	[tilespmem:$0x1C200] =	vst v63  }
0x86: {  	_ =	swait.ge [sflag:s0], $0x4000  }
0x87: {  	[sflag:s0] =	ssyncset.done $0x0  }
0x88: {  	[sflag:s0] =	ssyncadd.s32 $0xFFFFC000  }
0x89: {  	[spmem:s1] =	stream.indirect.scatter.add.f32 [tilespmem:s30], [sflag:$0x1], $0x80, s26, s29, $0xb8;
	[tilespmem:$0x1C200] =	vst v63  }
0x8a: {  	_ =	swait.ge [sflag:s2], $0x4000  }
0x8b: {  	[sflag:s2] =	ssyncset.done $0x0  }
0x8c: {  	[sflag:s2] =	ssyncadd.s32 $0xFFFFC000  }
0x8d: {  	[spmem:s1] =	stream.indirect.scatter.add.f32 [tilespmem:s31], [sflag:$0x2], $0x80, s28, s29, $0xb8;
	[tilespmem:$0x1C200] =	vst v63  }
0x8e: {  	_ =	swait.ge [sflag:s0], $0x4000  }
.Ltmp4:
0x8f: {  	[sflag:s0] =	ssyncset.done $0x0;
	(pc) =	sbr.rel .LBB2_8-.Ltmp4, $4  }
0x90: {  	[sflag:s0] =	ssyncadd.s32 $0xFFFFC000  }
0x91: {  	_ =	swait.ge [sflag:s2], $0x4000  }
0x92: {  	s13 =	smov.u32 s7;
	[sflag:s2] =	ssyncset.done $0x0;
	s6 =	rddreg [dreg:$0x3]  }
0x93: {  	s18 =	smov.u32 s19;
	s12 =	rddreg [dreg:$0x6];
	[sflag:s2] =	ssyncadd.s32 $0xFFFFC000  }
.LBB2_5:
0x94: {  	s6 =	sadd.s32 $0x0, s22  }
0x95: {  	[tilespmem:s3], [sflag:$0x3] =	stream.linear.gather [hbm4b:s6+s3], $0x100, $0x38;
	[tilespmem:$0x1C200] =	vst v63  }
0x96: {  	_ =	swait.ge [sflag:s25], $0x100  }
0x97: {  	[sflag:s25] =	ssyncset.done $0x0  }
0x98: {  	s18 =	sadd.s32 $0x0, s21;
	[sflag:s25] =	ssyncadd.s32 $0xFFFFFF00  }
0x99: {  	[tilespmem:s26], [sflag:$0x3] =	stream.linear.gather [hbm4b:s18+s3], $0x80, $0x38;
	[tilespmem:$0x1C200] =	vst v63  }
0x9a: {  	_ =	swait.ge [sflag:s25], $0x80  }
0x9b: {  	[sflag:s25] =	ssyncset.done $0x0  }
0x9c: {  	s6 =	sadd.s32 $0x10, s18;
	[sflag:s25] =	ssyncadd.s32 $0xFFFFFF80  }
0x9d: {  	[tilespmem:s28], [sflag:$0x3] =	stream.linear.gather [hbm4b:s6+s3], $0x80, $0x38;
	[tilespmem:$0x1C200] =	vst v63  }
0x9e: {  	_ =	swait.ge [sflag:s25], $0x80  }
0x9f: {  	[sflag:s25] =	ssyncset.done $0x0  }
0xa0: {  	[sflag:s25] =	ssyncadd.s32 $0xFFFFFF80  }
0xa1: {  	[tilespmem:s30], [sflag:$0x1] =	stream.indirect.gather [hbm4b:s8+s29], $0x80, s3, s29, $0xb8;
	[tilespmem:$0x1C200] =	vst v63  }
0xa2: {  	_ = 	snop  }
0xa3: {  	[tilespmem:s31], [sflag:$0x2] =	stream.indirect.gather [hbm4b:s8+s29], $0x80, s29, s29, $0xb8;
	[tilespmem:$0x1C200] =	vst v63  }
0xa4: {  	_ =	swait.ge [sflag:s0], $0x4000  }
0xa5: {  	[sflag:s0] =	ssyncset.done $0x0  }
0xa6: {  	[sflag:s0] =	ssyncadd.s32 $0xFFFFC000  }
0xa7: {  	[spmem:s1] =	stream.indirect.scatter.add.f32 [tilespmem:s30], [sflag:$0x1], $0x80, s26, s29, $0xb8;
	[tilespmem:$0x1C200] =	vst v63  }
0xa8: {  	_ =	swait.ge [sflag:s2], $0x4000  }
0xa9: {  	[sflag:s2] =	ssyncset.done $0x0  }
0xaa: {  	[sflag:s2] =	ssyncadd.s32 $0xFFFFC000  }
0xab: {  	[spmem:s1] =	stream.indirect.scatter.add.f32 [tilespmem:s31], [sflag:$0x2], $0x80, s28, s29, $0xb8;
	[tilespmem:$0x1C200] =	vst v63  }
0xac: {  	_ =	swait.ge [sflag:s0], $0x4000  }
0xad: {  	[sflag:s0] =	ssyncset.done $0x0  }
0xae: {  	[sflag:s0] =	ssyncadd.s32 $0xFFFFC000  }
0xaf: {  	_ =	swait.ge [sflag:s2], $0x4000  }
0xb0: {  	s12 =	simm.s32 $0x20;
	s13 =	simm.s32 $0x40;
	[sflag:s2] =	ssyncset.done $0x0  }
.LBB2_6:
0xb1: {  	s6 =	sadd.s32 s12, s22  }
0xb2: {  	[sflag:s2] =	ssyncadd.s32 $0xFFFFC000;
	s9 =	smov.u32 s13;
	s18 =	sadd.s32 $0x20, s13  }
0xb3: {  	[tilespmem:s3], [sflag:$0x3] =	stream.linear.gather [hbm4b:s6+s3], $0x100, $0x38;
	[tilespmem:$0x1C200] =	vst v63  }
0xb4: {  	p1 =	sne.s32 s13, $0x9A0;
	_ =	swait.ge [sflag:s25], $0x100  }
0xb5: {  	[sflag:s25] =	ssyncset.done $0x0  }
0xb6: {  	s6 =	sadd.s32 s12, s21;
	s12 =	smov.u32 s9;
	[sflag:s25] =	ssyncadd.s32 $0xFFFFFF00  }
0xb7: {  	[tilespmem:s26], [sflag:$0x3] =	stream.linear.gather [hbm4b:s6+s3], $0x80, $0x38;
	[tilespmem:$0x1C200] =	vst v63  }
0xb8: {  	_ =	swait.ge [sflag:s25], $0x80  }
0xb9: {  	[sflag:s25] =	ssyncset.done $0x0  }
0xba: {  	s6 =	sadd.s32 $0x10, s6;
	[sflag:s25] =	ssyncadd.s32 $0xFFFFFF80  }
0xbb: {  	[tilespmem:s28], [sflag:$0x3] =	stream.linear.gather [hbm4b:s6+s3], $0x80, $0x38;
	[tilespmem:$0x1C200] =	vst v63  }
0xbc: {  	_ =	swait.ge [sflag:s25], $0x80  }
0xbd: {  	[sflag:s25] =	ssyncset.done $0x0  }
0xbe: {  	[sflag:s25] =	ssyncadd.s32 $0xFFFFFF80  }
0xbf: {  	[tilespmem:s30], [sflag:$0x1] =	stream.indirect.gather [hbm4b:s8+s29], $0x80, s3, s29, $0xb8;
	[tilespmem:$0x1C200] =	vst v63  }
0xc0: {  	_ = 	snop  }
0xc1: {  	[tilespmem:s31], [sflag:$0x2] =	stream.indirect.gather [hbm4b:s8+s29], $0x80, s29, s29, $0xb8;
	[tilespmem:$0x1C200] =	vst v63  }
0xc2: {  	_ =	swait.ge [sflag:s0], $0x4000  }
0xc3: {  	[sflag:s0] =	ssyncset.done $0x0  }
0xc4: {  	[sflag:s0] =	ssyncadd.s32 $0xFFFFC000  }
0xc5: {  	[spmem:s1] =	stream.indirect.scatter.add.f32 [tilespmem:s30], [sflag:$0x1], $0x80, s26, s29, $0xb8;
	[tilespmem:$0x1C200] =	vst v63  }
0xc6: {  	_ =	swait.ge [sflag:s2], $0x4000  }
0xc7: {  	[sflag:s2] =	ssyncset.done $0x0  }
0xc8: {  	[sflag:s2] =	ssyncadd.s32 $0xFFFFC000  }
0xc9: {  	[spmem:s1] =	stream.indirect.scatter.add.f32 [tilespmem:s31], [sflag:$0x2], $0x80, s28, s29, $0xb8;
	[tilespmem:$0x1C200] =	vst v63  }
.Ltmp5:
0xca: {  	_ =	swait.ge [sflag:s0], $0x4000;
	(pc) =	sbr.rel @p1 .LBB2_6-.Ltmp5, $4  }
0xcb: {  	[sflag:s0] =	ssyncset.done $0x0  }
0xcc: {  	[sflag:s0] =	ssyncadd.s32 $0xFFFFC000  }
0xcd: {  	_ =	swait.ge [sflag:s2], $0x4000  }
0xce: {  	s13 =	smov.u32 s18;
	[sflag:s2] =	ssyncset.done $0x0  }
0xcf: {  	s6 =	sadd.s32 s12, s22;
	[sflag:s2] =	ssyncadd.s32 $0xFFFFC000  }
0xd0: {  	[tilespmem:s3], [sflag:$0x3] =	stream.linear.gather [hbm4b:s6+s3], $0x100, $0x38;
	[tilespmem:$0x1C200] =	vst v63  }
0xd1: {  	_ =	swait.ge [sflag:s25], $0x100  }
0xd2: {  	[sflag:s25] =	ssyncset.done $0x0  }
0xd3: {  	s18 =	sadd.s32 s12, s21;
	[sflag:s25] =	ssyncadd.s32 $0xFFFFFF00  }
0xd4: {  	[tilespmem:s26], [sflag:$0x3] =	stream.linear.gather [hbm4b:s18+s3], $0x80, $0x38;
	[tilespmem:$0x1C200] =	vst v63  }
0xd5: {  	_ =	swait.ge [sflag:s25], $0x80  }
0xd6: {  	[sflag:s25] =	ssyncset.done $0x0  }
0xd7: {  	s6 =	sadd.s32 $0x10, s18;
	[sflag:s25] =	ssyncadd.s32 $0xFFFFFF80  }
0xd8: {  	[tilespmem:s28], [sflag:$0x3] =	stream.linear.gather [hbm4b:s6+s3], $0x80, $0x38;
	[tilespmem:$0x1C200] =	vst v63  }
0xd9: {  	_ =	swait.ge [sflag:s25], $0x80  }
0xda: {  	[sflag:s25] =	ssyncset.done $0x0  }
0xdb: {  	[sflag:s25] =	ssyncadd.s32 $0xFFFFFF80  }
0xdc: {  	[tilespmem:s30], [sflag:$0x1] =	stream.indirect.gather [hbm4b:s8+s29], $0x80, s3, s29, $0xb8;
	[tilespmem:$0x1C200] =	vst v63  }
0xdd: {  	_ = 	snop  }
0xde: {  	[tilespmem:s31], [sflag:$0x2] =	stream.indirect.gather [hbm4b:s8+s29], $0x80, s29, s29, $0xb8;
	[tilespmem:$0x1C200] =	vst v63  }
0xdf: {  	_ =	swait.ge [sflag:s0], $0x4000  }
0xe0: {  	[sflag:s0] =	ssyncset.done $0x0  }
0xe1: {  	[sflag:s0] =	ssyncadd.s32 $0xFFFFC000  }
0xe2: {  	[spmem:s1] =	stream.indirect.scatter.add.f32 [tilespmem:s30], [sflag:$0x1], $0x80, s26, s29, $0xb8;
	[tilespmem:$0x1C200] =	vst v63  }
0xe3: {  	_ =	swait.ge [sflag:s2], $0x4000  }
0xe4: {  	[sflag:s2] =	ssyncset.done $0x0  }
0xe5: {  	[sflag:s2] =	ssyncadd.s32 $0xFFFFC000  }
0xe6: {  	[spmem:s1] =	stream.indirect.scatter.add.f32 [tilespmem:s31], [sflag:$0x2], $0x80, s28, s29, $0xb8;
	[tilespmem:$0x1C200] =	vst v63  }
0xe7: {  	_ =	swait.ge [sflag:s0], $0x4000  }
0xe8: {  	[sflag:s0] =	ssyncset.done $0x0  }
0xe9: {  	[sflag:s0] =	ssyncadd.s32 $0xFFFFC000  }
0xea: {  	_ =	swait.ge [sflag:s2], $0x4000  }
0xeb: {  	s13 =	smov.u32 s8;
	[sflag:s2] =	ssyncset.done $0x0;
	s6 =	rddreg [dreg:$0x4]  }
0xec: {  	s18 =	smov.u32 s4;
	s12 =	rddreg [dreg:$0x7];
	[sflag:s2] =	ssyncadd.s32 $0xFFFFC000  }
.LBB2_8:
0xed: {  	s6 =	sadd.s32 s6, s16;
	s9 =	simm.s32 $0x0  }
0xee: {  	[tilespmem:s9], [sflag:$0x3] =	stream.linear.gather [hbm4b:s6+s9], $0x80, $0x38;
	[tilespmem:$0x1C200] =	vst v63  }
0xef: {  	_ =	swait.ge [sflag:s25], $0x80  }
0xf0: {  	[sflag:s25] =	ssyncset.done $0x0  }
0xf1: {  	[sflag:s25] =	ssyncadd.s32 $0xFFFFFF80  }
0xf2: {  	[tilespmem:s26], [sflag:$0x3] =	stream.linear.gather [hbm4b:s18+s9], $0x80, $0x38;
	[tilespmem:$0x1C200] =	vst v63  }
0xf3: {  	_ =	swait.ge [sflag:s25], $0x80  }
0xf4: {  	[sflag:s25] =	ssyncset.done $0x0  }
0xf5: {  	[sflag:s25] =	ssyncadd.s32 $0xFFFFFF80  }
0xf6: {  	[tilespmem:s30], [sflag:$0x1] =	stream.indirect.gather [hbm4b:s13+s29], $0x80, s9, s29, $0xb8;
	[tilespmem:$0x1C200] =	vst v63  }
0xf7: {  	_ =	swait.ge [sflag:s0], $0x4000  }
0xf8: {  	[sflag:s0] =	ssyncset.done $0x0  }
0xf9: {  	[sflag:s0] =	ssyncadd.s32 $0xFFFFC000  }
0xfa: {  	[spmem:s1] =	stream.indirect.scatter.add.f32 [tilespmem:s30], [sflag:$0x3], $0x80, s26, s29, $0xb8;
	[tilespmem:$0x1C200] =	vst v63  }
0xfb: {  	_ =	swait.ge [sflag:s25], $0x4000  }
0xfc: {  	[sflag:s25] =	ssyncset.done $0x0  }
0xfd: {  	[sflag:s25] =	ssyncadd.s32 $0xFFFFC000  }
0xfe: {  	s13 =	sadd.s32 s12, s5;
	[bflag:$0x0] =	sbarrier.arrive $0xFFFF  }
0xff: {  	[hbm:s13], [sflag:s17] =	dma.local [spmem:s11], $0x2800  }
0x100: {  	_ =	swait.ge [sflag:s25], $0x2800  }
0x101: {  	[sflag:s25] =	ssyncset.done $0x0  }
0x102: {  	[sflag:s25] =	ssyncadd.s32 $0xFFFFD800  }
0x103: {  	[bflag:$0x0] =	sbarrier.arrive $0xFFFF  }
0x104: {  	[spmem:s11], [sflag:s17] =	dma.local [hbm:s15], $0x2800  }
0x105: {  	_ =	swait.ge [sflag:s25], $0x2800  }
0x106: {  	[sflag:s25] =	ssyncset.done $0x0  }
0x107: {  	s18 =	rddreg [dreg:$0x5];
	[sflag:s25] =	ssyncadd.s32 $0xFFFFD800  }
0x108: {  	[tilespmem:s30], [sflag:$0x3] =	stream.linear.gather [hbm4b:s18+s9], $0x4000, $0x38;
	[tilespmem:$0x1C200] =	vst v63  }
.Ltmp6:
0x109: {  	_ =	swait.ge [sflag:s25], $0x4000;
	(pc) =	sbr.rel @p0 .LBB2_12-.Ltmp6, $3  }
0x10a: {  	[sflag:s25] =	ssyncset.done $0x0  }
0x10b: {  	[sflag:s25] =	ssyncadd.s32 $0xFFFFC000  }
0x10c: {  	[bflag:$0x0] =	sbarrier.arrive $0xFFFF;
	_ =	sdelay $0x1  }
0x10d: {  	s6 =	sadd.s32 $0x0, s23  }
0x10e: {  	[tilespmem:s26], [sflag:$0x3] =	stream.linear.gather [hbm4b:s6+s3], $0x80, $0x38;
	[tilespmem:$0x1C200] =	vst v63  }
0x10f: {  	_ =	swait.ge [sflag:s25], $0x80  }
0x110: {  	[sflag:s25] =	ssyncset.done $0x0  }
0x111: {  	s6 =	sadd.s32 $0x10, s6;
	[sflag:s25] =	ssyncadd.s32 $0xFFFFFF80  }
0x112: {  	[tilespmem:s28], [sflag:$0x3] =	stream.linear.gather [hbm4b:s6+s3], $0x80, $0x38;
	[tilespmem:$0x1C200] =	vst v63  }
0x113: {  	_ =	swait.ge [sflag:s25], $0x80  }
0x114: {  	[sflag:s25] =	ssyncset.done $0x0  }
0x115: {  	[sflag:s25] =	ssyncadd.s32 $0xFFFFFF80  }
0x116: {  	[spmem:s1] =	stream.indirect.scatter.add.f32 [tilespmem:s30], [sflag:$0x1], $0x80, s26, s29, $0xb8;
	[tilespmem:$0x1C200] =	vst v63  }
0x117: {  	_ = 	snop  }
0x118: {  	[spmem:s1] =	stream.indirect.scatter.add.f32 [tilespmem:s30], [sflag:$0x2], $0x80, s28, s29, $0xb8;
	[tilespmem:$0x1C200] =	vst v63  }
0x119: {  	_ =	swait.ge [sflag:s0], $0x4000  }
0x11a: {  	[sflag:s0] =	ssyncset.done $0x0  }
0x11b: {  	[sflag:s0] =	ssyncadd.s32 $0xFFFFC000  }
0x11c: {  	_ =	swait.ge [sflag:s2], $0x4000  }
0x11d: {  	s12 =	simm.s32 $0x20;
	s13 =	simm.s32 $0x40;
	[sflag:s2] =	ssyncset.done $0x0  }
.LBB2_10:
0x11e: {  	s6 =	sadd.s32 s12, s23  }
0x11f: {  	[sflag:s2] =	ssyncadd.s32 $0xFFFFC000;
	s12 =	smov.u32 s13;
	s9 =	sadd.s32 $0x20, s13  }
0x120: {  	[tilespmem:s26], [sflag:$0x3] =	stream.linear.gather [hbm4b:s6+s3], $0x80, $0x38;
	[tilespmem:$0x1C200] =	vst v63  }
0x121: {  	p1 =	seq.s32 s13, $0x9A0;
	_ =	swait.ge [sflag:s25], $0x80  }
0x122: {  	[sflag:s25] =	ssyncset.done $0x0  }
0x123: {  	s6 =	sadd.s32 $0x10, s6;
	[sflag:s25] =	ssyncadd.s32 $0xFFFFFF80  }
0x124: {  	[tilespmem:s28], [sflag:$0x3] =	stream.linear.gather [hbm4b:s6+s3], $0x80, $0x38;
	[tilespmem:$0x1C200] =	vst v63  }
0x125: {  	_ =	swait.ge [sflag:s25], $0x80  }
0x126: {  	[sflag:s25] =	ssyncset.done $0x0  }
0x127: {  	[sflag:s25] =	ssyncadd.s32 $0xFFFFFF80  }
0x128: {  	[spmem:s1] =	stream.indirect.scatter.add.f32 [tilespmem:s30], [sflag:$0x1], $0x80, s26, s29, $0xb8;
	[tilespmem:$0x1C200] =	vst v63  }
0x129: {  	_ = 	snop  }
0x12a: {  	[spmem:s1] =	stream.indirect.scatter.add.f32 [tilespmem:s30], [sflag:$0x2], $0x80, s28, s29, $0xb8;
	[tilespmem:$0x1C200] =	vst v63  }
.Ltmp7:
0x12b: {  	_ =	swait.ge [sflag:s0], $0x4000;
	(pc) =	sbr.rel @!p1 .LBB2_10-.Ltmp7, $4  }
0x12c: {  	[sflag:s0] =	ssyncset.done $0x0  }
0x12d: {  	[sflag:s0] =	ssyncadd.s32 $0xFFFFC000  }
0x12e: {  	_ =	swait.ge [sflag:s2], $0x4000  }
0x12f: {  	s13 =	smov.u32 s9;
	[sflag:s2] =	ssyncset.done $0x0  }
0x130: {  	s6 =	sadd.s32 s12, s23;
	[sflag:s2] =	ssyncadd.s32 $0xFFFFC000  }
0x131: {  	[tilespmem:s26], [sflag:$0x3] =	stream.linear.gather [hbm4b:s6+s3], $0x80, $0x38;
	[tilespmem:$0x1C200] =	vst v63  }
0x132: {  	_ =	swait.ge [sflag:s25], $0x80  }
0x133: {  	[sflag:s25] =	ssyncset.done $0x0  }
0x134: {  	s6 =	sadd.s32 $0x10, s6;
	[sflag:s25] =	ssyncadd.s32 $0xFFFFFF80  }
0x135: {  	[tilespmem:s28], [sflag:$0x3] =	stream.linear.gather [hbm4b:s6+s3], $0x80, $0x38;
	[tilespmem:$0x1C200] =	vst v63  }
0x136: {  	_ =	swait.ge [sflag:s25], $0x80  }
0x137: {  	[sflag:s25] =	ssyncset.done $0x0  }
0x138: {  	[sflag:s25] =	ssyncadd.s32 $0xFFFFFF80  }
0x139: {  	[spmem:s1] =	stream.indirect.scatter.add.f32 [tilespmem:s30], [sflag:$0x1], $0x80, s26, s29, $0xb8;
	[tilespmem:$0x1C200] =	vst v63  }
0x13a: {  	_ = 	snop  }
0x13b: {  	[spmem:s1] =	stream.indirect.scatter.add.f32 [tilespmem:s30], [sflag:$0x2], $0x80, s28, s29, $0xb8;
	[tilespmem:$0x1C200] =	vst v63  }
0x13c: {  	_ =	swait.ge [sflag:s0], $0x4000  }
.Ltmp8:
0x13d: {  	[sflag:s0] =	ssyncset.done $0x0;
	(pc) =	sbr.rel .LBB2_15-.Ltmp8, $4  }
0x13e: {  	[sflag:s0] =	ssyncadd.s32 $0xFFFFC000  }
0x13f: {  	_ =	swait.ge [sflag:s2], $0x4000  }
0x140: {  	[sflag:s2] =	ssyncset.done $0x0  }
0x141: {  	s6 =	smov.u32 s19;
	s12 =	rddreg [dreg:$0x8];
	[sflag:s2] =	ssyncadd.s32 $0xFFFFC000  }
.LBB2_12:
0x142: {  	s6 =	sadd.s32 $0x0, s21  }
0x143: {  	[tilespmem:s26], [sflag:$0x3] =	stream.linear.gather [hbm4b:s6+s3], $0x80, $0x38;
	[tilespmem:$0x1C200] =	vst v63  }
0x144: {  	_ =	swait.ge [sflag:s25], $0x80  }
0x145: {  	[sflag:s25] =	ssyncset.done $0x0  }
0x146: {  	s6 =	sadd.s32 $0x10, s6;
	[sflag:s25] =	ssyncadd.s32 $0xFFFFFF80  }
0x147: {  	[tilespmem:s28], [sflag:$0x3] =	stream.linear.gather [hbm4b:s6+s3], $0x80, $0x38;
	[tilespmem:$0x1C200] =	vst v63  }
0x148: {  	_ =	swait.ge [sflag:s25], $0x80  }
0x149: {  	[sflag:s25] =	ssyncset.done $0x0  }
0x14a: {  	[sflag:s25] =	ssyncadd.s32 $0xFFFFFF80  }
0x14b: {  	[spmem:s1] =	stream.indirect.scatter.add.f32 [tilespmem:s30], [sflag:$0x1], $0x80, s26, s29, $0xb8;
	[tilespmem:$0x1C200] =	vst v63  }
0x14c: {  	_ = 	snop  }
0x14d: {  	[spmem:s1] =	stream.indirect.scatter.add.f32 [tilespmem:s30], [sflag:$0x2], $0x80, s28, s29, $0xb8;
	[tilespmem:$0x1C200] =	vst v63  }
0x14e: {  	_ =	swait.ge [sflag:s0], $0x4000  }
0x14f: {  	[sflag:s0] =	ssyncset.done $0x0  }
0x150: {  	[sflag:s0] =	ssyncadd.s32 $0xFFFFC000  }
0x151: {  	_ =	swait.ge [sflag:s2], $0x4000  }
0x152: {  	s12 =	simm.s32 $0x20;
	s13 =	simm.s32 $0x40;
	[sflag:s2] =	ssyncset.done $0x0  }
.LBB2_13:
0x153: {  	s6 =	sadd.s32 s12, s21  }
0x154: {  	[sflag:s2] =	ssyncadd.s32 $0xFFFFC000;
	s12 =	smov.u32 s13;
	s9 =	sadd.s32 $0x20, s13  }
0x155: {  	[tilespmem:s26], [sflag:$0x3] =	stream.linear.gather [hbm4b:s6+s3], $0x80, $0x38;
	[tilespmem:$0x1C200] =	vst v63  }
0x156: {  	p1 =	sne.s32 s13, $0x9A0;
	_ =	swait.ge [sflag:s25], $0x80  }
0x157: {  	[sflag:s25] =	ssyncset.done $0x0  }
0x158: {  	s6 =	sadd.s32 $0x10, s6;
	[sflag:s25] =	ssyncadd.s32 $0xFFFFFF80  }
0x159: {  	[tilespmem:s28], [sflag:$0x3] =	stream.linear.gather [hbm4b:s6+s3], $0x80, $0x38;
	[tilespmem:$0x1C200] =	vst v63  }
0x15a: {  	_ =	swait.ge [sflag:s25], $0x80  }
0x15b: {  	[sflag:s25] =	ssyncset.done $0x0  }
0x15c: {  	[sflag:s25] =	ssyncadd.s32 $0xFFFFFF80  }
0x15d: {  	[spmem:s1] =	stream.indirect.scatter.add.f32 [tilespmem:s30], [sflag:$0x1], $0x80, s26, s29, $0xb8;
	[tilespmem:$0x1C200] =	vst v63  }
0x15e: {  	_ = 	snop  }
0x15f: {  	[spmem:s1] =	stream.indirect.scatter.add.f32 [tilespmem:s30], [sflag:$0x2], $0x80, s28, s29, $0xb8;
	[tilespmem:$0x1C200] =	vst v63  }
.Ltmp9:
0x160: {  	_ =	swait.ge [sflag:s0], $0x4000;
	(pc) =	sbr.rel @p1 .LBB2_13-.Ltmp9, $4  }
0x161: {  	[sflag:s0] =	ssyncset.done $0x0  }
0x162: {  	[sflag:s0] =	ssyncadd.s32 $0xFFFFC000  }
0x163: {  	_ =	swait.ge [sflag:s2], $0x4000  }
0x164: {  	s13 =	smov.u32 s9;
	[sflag:s2] =	ssyncset.done $0x0  }
.Ltmp10:
0x165: {  	_ = 	snop;
	(pc) =	sbr.rel .LBB2_14-.Ltmp10, $1  }
0x166: {  	_ =	sdelay $0x3  }
.LBB2_16:
0x167: {  	_ =	sfence.sel $0x180000  }
0x168: {  	[bflag:$0x0] =	sbarrier.arrive $0xFFFF  }
0x169: {  	_ =	strace $0x90000047  }
0x16a: {  	s0 =	stileid.u32;
	[bflag:$0x2] =	sbarrier.arrive $0xFFFF  }
0x16b: {  	p0 =	sne.s32 s0, $0x0;
	s0 =	rddreg [dreg:$0x2]  }
0x16c: {  	s0 =	sadd.s32 @!p0 $0x100000, s0  }
0x16d: {  	[sflag:s0] =	ssyncadd.tile.s32 @!p0 $0x1;
	_ =	shalt  }
.Lfunc_end2:
_tile_overlayer_lowered:
.L_overlay_start_2:
0x16e: {  	(tag) =	ssettag $0x2  }
0x16f: {  	s0 =	rddreg [dreg:$0x0];
	s2 =	stileid.u32  }
0x170: {  	s1 =	rddreg [dreg:$0x1];
	p0 =	sne.s32 s2, $0x0  }
0x171: {  	s3 =	rddreg [dreg:$0x2];
	[bflag:$0x3] =	sbarrier.arrive $0xFFFF;
	s2 =	simm.s32 @!p0 $0x1C03  }
0x172: {  	[timem:s3], [sflag:s2] =	dma.local @!p0 [hbm:s0], s1  }
0x173: {  	s0 =	simm.s32 @!p0 $0x3  }
0x174: {  	_ =	swait.ge @!p0 [sflag:s0], s1  }
0x175: {  	s1 =	ssub.s32 @!p0 $0x0, s1;
	[sflag:s0] =	ssyncset.done @!p0 $0x0  }
0x176: {  	[sflag:s0] =	ssyncadd.s32 @!p0 s1  }
0x177: {  	[bflag:$0x3] =	sbarrier.arrive $0xFFFF  }
0x178: {  	_ =	shalt  }

</sc_bundles>
